<compile_context>
chip_gen: v7x
topology: tpu7x:2x2x1
jax: 0.10.2.dev20260603
libtpu: 0.0.44.dev20260713+nightly
codegen_flags: <defaults>
</compile_context>

<pallas_src>
import functools

import jax
import jax.numpy as jnp
from jax import lax
from jax.experimental import pallas as pl
from jax.experimental.pallas import tpu as pltpu
from jax.experimental.pallas import tpu_sc as plsc

_NC = 2
_NS = 16
_NW = _NC * _NS
_L = 16
_NB = 32


def _build_sc_kernel(N_PAD, N_PW, H, W, C):
    D = 2 * C
    R = 4 * D
    n_blocks = N_PW // _NB
    n_pairs = n_blocks // 2
    gpb = _NB // _L
    mesh = plsc.VectorSubcoreMesh(core_axis_name="c", subcore_axis_name="s")

    @functools.partial(
        pl.kernel,
        mesh=mesh,
        compiler_params=pltpu.CompilerParams(needs_layout_passes=False),
        out_type=(
            jax.ShapeDtypeStruct((N_PAD, D // 2), jnp.int32),
            jax.ShapeDtypeStruct((N_PAD,), jnp.int32),
        ),
        scratch_types=[
            pltpu.VMEM((N_PW,), jnp.float32),
            pltpu.VMEM((N_PW,), jnp.float32),
            pltpu.VMEM((N_PW,), jnp.float32),
            pltpu.VMEM((_L,), jnp.float32),
            pltpu.VMEM((_L,), jnp.float32),
            pltpu.VMEM((N_PW,), jnp.int32),
            pltpu.VMEM((_NB,), jnp.int32),
            pltpu.VMEM((_NB,), jnp.int32),
            pltpu.VMEM((_NB + _L,), jnp.float32),
            pltpu.VMEM((_NB + _L,), jnp.float32),
            pltpu.VMEM((_NB + _L,), jnp.float32),
            pltpu.VMEM((_NB + _L,), jnp.float32),
            pltpu.VMEM((_NB + _L,), jnp.float32),
            pltpu.VMEM((_NB + _L,), jnp.float32),
            pltpu.VMEM((_NB + _L,), jnp.float32),
            pltpu.VMEM((_NB + _L,), jnp.float32),
            pltpu.VMEM((_NB, R // 2), jnp.int32),
            pltpu.VMEM((_NB, R // 2), jnp.int32),
            pltpu.VMEM((_NB, D // 2), jnp.int32),
            pltpu.VMEM((_NB, D // 2), jnp.int32),
            pltpu.SemaphoreType.DMA,
            pltpu.SemaphoreType.DMA,
        ],
    )
    def sc_kernel(tq, xs, ys, zs, kflat, eflat,
                  out, vout,
                  xv, yv, zv, kv, ev, vv,
                  ip0, ip1,
                  wTL0, wTR0, wBL0, wBR0,
                  wTL1, wTR1, wBL1, wBR1,
                  gq0, gq1, ob0, ob1, sem0, sem1):
        wid = lax.axis_index("s") * _NC + lax.axis_index("c")
        base = wid * N_PW

        pltpu.sync_copy(kflat, kv)
        pltpu.sync_copy(eflat, ev)
        pltpu.sync_copy(xs.at[pl.ds(base, N_PW)], xv)
        pltpu.sync_copy(ys.at[pl.ds(base, N_PW)], yv)
        pltpu.sync_copy(zs.at[pl.ds(base, N_PW)], zv)

        def bfr(vec):
            c = vec * jnp.float32(65537.0)
            return c - (c - vec)

        kvec = bfr(kv[...])
        evec = bfr(ev[...])
        k00 = kvec[0]; k01 = kvec[1]; k02 = kvec[2]
        k10 = kvec[3]; k11 = kvec[4]; k12 = kvec[5]
        k20 = kvec[6]; k21 = kvec[7]; k22 = kvec[8]
        e00 = evec[0]; e01 = evec[1]; e02 = evec[2]; e03 = evec[3]
        e10 = evec[4]; e11 = evec[5]; e12 = evec[6]; e13 = evec[7]
        e20 = evec[8]; e21 = evec[9]; e22 = evec[10]; e23 = evec[11]

        wf = jnp.float32(W)
        hf = jnp.float32(H)
        one = jnp.float32(1.0)
        zero = jnp.float32(0.0)

        def proj_block(blk, ipr, wTLr, wTRr, wBLr, wBRr):
            @plsc.parallel_loop(0, gpb, unroll=2)
            def proj_group(g):
                off = blk * _NB + g * _L
                x = bfr(xv[pl.ds(off, _L)])
                y = bfr(yv[pl.ds(off, _L)])
                z = bfr(zv[pl.ds(off, _L)])
                cam0 = e00 * x + e01 * y + e02 * z + e03
                cam1 = e10 * x + e11 * y + e12 * z + e13
                cam2 = e20 * x + e21 * y + e22 * z + e23
                c0b = bfr(cam0)
                c1b = bfr(cam1)
                c2b = bfr(cam2)
                uh = k00 * c0b + k01 * c1b + k02 * c2b
                vh = k10 * c0b + k11 * c1b + k12 * c2b
                zh = k20 * c0b + k21 * c1b + k22 * c2b
                zsafe = jnp.where(jnp.abs(zh) < 1e-8, jnp.float32(1e-8), zh)
                u = uh / zsafe
                v = vh / zsafe
                un = u / wf * 2.0 - 1.0
                vn = v / hf * 2.0 - 1.0
                px = (un + 1.0) * (0.5 * (wf - 1.0))
                py = (vn + 1.0) * (0.5 * (hf - 1.0))
                px = jnp.clip(px, -1e6, 1e6)
                py = jnp.clip(py, -1e6, 1e6)
                xt = px.astype(jnp.int32)
                yt = py.astype(jnp.int32)
                x0 = jnp.where(xt.astype(jnp.float32) > px, xt - 1, xt)
                y0 = jnp.where(yt.astype(jnp.float32) > py, yt - 1, yt)
                x1 = x0 + 1
                y1 = y0 + 1
                wx1 = px - x0.astype(jnp.float32)
                wx0 = 1.0 - wx1
                wy1 = py - y0.astype(jnp.float32)
                wy0 = 1.0 - wy1
                inx = lambda xi: jnp.where((xi >= 0) & (xi <= W - 1), one, zero)
                iny = lambda yi: jnp.where((yi >= 0) & (yi <= H - 1), one, zero)
                wx0m = wx0 * inx(x0); wx1m = wx1 * inx(x1)
                wy0m = wy0 * iny(y0); wy1m = wy1 * iny(y1)
                xp = jnp.clip(x0, 0, W - 2)
                yp = jnp.clip(y0, 0, H - 2)
                wxL = (jnp.where(x0 == xp, wx0m, zero)
                       + jnp.where(x1 == xp, wx1m, zero))
                wxR = (jnp.where(x0 == xp + 1, wx0m, zero)
                       + jnp.where(x1 == xp + 1, wx1m, zero))
                wyT = (jnp.where(y0 == yp, wy0m, zero)
                       + jnp.where(y1 == yp, wy1m, zero))
                wyB = (jnp.where(y0 == yp + 1, wy0m, zero)
                       + jnp.where(y1 == yp + 1, wy1m, zero))
                sl = pl.ds(g * _L, _L)
                ipr[sl] = yp * W + xp
                wTLr[sl] = wyT * wxL
                wTRr[sl] = wyT * wxR
                wBLr[sl] = wyB * wxL
                wBRr[sl] = wyB * wxR
                vv[pl.ds(off, _L)] = jnp.where(cam2 > 0,
                                               jnp.int32(1), jnp.int32(0))

        fmt = plsc.PackFormat.INTERLEAVED

        def combine_block(gq, ob, wTLr, wTRr, wBLr, wBRr):
            @plsc.parallel_loop(0, _NB, unroll=2)
            def cb(p):
                a = wTLr[pl.ds(p, _L)][0]
                b = wTRr[pl.ds(p, _L)][0]
                c = wBLr[pl.ds(p, _L)][0]
                d = wBRr[pl.ds(p, _L)][0]
                hs = D // 2
                bc = lambda w: plsc.bitcast(w, jnp.bfloat16)
                for s in range(D // (2 * _L)):
                    o = s * _L
                    tl0, tl1 = plsc.unpack(bc(gq[p, pl.ds(o, _L)]),
                                           format=fmt)
                    tr0, tr1 = plsc.unpack(bc(gq[p, pl.ds(hs + o, _L)]),
                                           format=fmt)
                    bl0, bl1 = plsc.unpack(bc(gq[p, pl.ds(2 * hs + o, _L)]),
                                           format=fmt)
                    br0, br1 = plsc.unpack(bc(gq[p, pl.ds(3 * hs + o, _L)]),
                                           format=fmt)
                    acc0 = tl0 * a + tr0 * b + bl0 * c + br0 * d
                    acc1 = tl1 * a + tr1 * b + bl1 * c + br1 * d
                    ob[p, pl.ds(o, _L)] = plsc.bitcast(
                        plsc.pack(acc0, acc1, format=fmt), jnp.int32)

        proj_block(0, ip0, wTL0, wTR0, wBL0, wBR0)
        pltpu.async_copy(tq.at[ip0], gq0, sem0)

        def pair_body(j, carry):
            b0 = 2 * j
            proj_block(b0 + 1, ip1, wTL1, wTR1, wBL1, wBR1)
            cp1 = pltpu.async_copy(tq.at[ip1], gq1, sem1)
            pltpu.make_async_copy(tq.at[ip0], gq0, sem0).wait()
            pltpu.sync_copy(ob0, out.at[pl.ds(base + b0 * _NB, _NB)])

            @pl.when(j < n_pairs - 1)
            def _():
                proj_block(b0 + 2, ip0, wTL0, wTR0, wBL0, wBR0)
                pltpu.async_copy(tq.at[ip0], gq0, sem0)

            cp1.wait()
            pltpu.sync_copy(ob1, out.at[pl.ds(base + (b0 + 1) * _NB, _NB)])
            return carry

        lax.fori_loop(0, n_pairs, pair_body, 0)
        pltpu.sync_copy(vv, vout.at[pl.ds(base, N_PW)])

    return sc_kernel


def kernel(points_3D, intrinsics, extrinsics, feats_2D):
    N = points_3D.shape[0]
    n_maps, B, C, H, W = feats_2D.shape
    assert n_maps == 2 and B == 1 and C % (2 * _L) == 0

    n_pw = -(-N // (_NW * 2 * _NB)) * (2 * _NB)
    n_pad = n_pw * _NW

    t1 = jnp.transpose(feats_2D[:, 0], (2, 3, 0, 1))
    t1p = jnp.pad(t1, ((0, 1), (0, 1), (0, 0), (0, 0)))
    tq_bf = jnp.stack([t1p[:H, :W], t1p[:H, 1:W + 1],
                       t1p[1:H + 1, :W], t1p[1:H + 1, 1:W + 1]],
                      axis=2).reshape(H * W, 4 * C, 2).astype(jnp.bfloat16)
    tq = jax.lax.bitcast_convert_type(tq_bf, jnp.int32)

    pts = jnp.pad(points_3D, ((0, n_pad - N), (0, 0)))
    xs = pts[:, 0]
    ys = pts[:, 1]
    zs = pts[:, 2]
    kflat = jnp.pad(intrinsics.reshape(9), (0, _L - 9))
    eflat = extrinsics.reshape(16)

    D = 2 * C
    sc = _build_sc_kernel(n_pad, n_pw, H, W, C)
    out, vi = sc(tq, xs, ys, zs, kflat, eflat)

    out_bf = jax.lax.bitcast_convert_type(out[:N], jnp.bfloat16)
    feat_cat = jnp.concatenate(
        [points_3D, out_bf.reshape(N, D).astype(jnp.float32)], axis=1)
    valid = vi[:N] > 0
    return (feat_cat, valid)

# --- scband reference (transcript-rebuilt; emitter-appended) ---
"""Pipeline reference for scband-projector-62947040690232 (READ-ONLY COPY).

The authoritative reference and input builder live on the scoring server;
editing this copy changes nothing except your own understanding.
"""

import jax, jax.numpy as jnp
import numpy as np


def project_pcd_to_img(points, K, E):
    ones = jnp.ones((points.shape[0], 1), dtype=points.dtype)
    pts_h = jnp.concatenate([points, ones], axis=1)          # [N,4]
    cam = pts_h @ E.T                                         # [N,4]
    cam = cam[:, :3]                                          # [N,3]
    uv_h = cam @ K.T                                          # [N,3]
    z = uv_h[:, 2:3]
    z_safe = jnp.where(jnp.abs(z) < 1e-8, 1e-8, z)
    uv = uv_h[:, :2] / z_safe                                 # [N,2]
    valid = cam[:, 2] > 0
    return uv, valid


def bilinear_sample(feat, gx, gy):
    # feat: [C,H,W]; gx,gy: [N] normalized coords in [-1,1]
    # emulates F.grid_sample(align_corners=True, mode='bilinear', padding_mode='zeros')
    C, H, W = feat.shape
    x = (gx + 1.0) * 0.5 * (W - 1)
    y = (gy + 1.0) * 0.5 * (H - 1)
    x = jnp.clip(x, -1e6, 1e6)
    y = jnp.clip(y, -1e6, 1e6)
    x0 = jnp.floor(x); x1 = x0 + 1.0
    y0 = jnp.floor(y); y1 = y0 + 1.0
    wx1 = x - x0; wx0 = 1.0 - wx1
    wy1 = y - y0; wy0 = 1.0 - wy1

    def get(xi, yi):
        inb = (xi >= 0) & (xi <= W - 1) & (yi >= 0) & (yi <= H - 1)
        xc = jnp.clip(xi, 0, W - 1).astype(jnp.int32)
        yc = jnp.clip(yi, 0, H - 1).astype(jnp.int32)
        v = feat[:, yc, xc]                                   # [C,N] gather
        return v * inb.astype(feat.dtype)[None, :]

    out = (get(x0, y0) * (wx0 * wy0)[None, :]
           + get(x1, y0) * (wx1 * wy0)[None, :]
           + get(x0, y1) * (wx0 * wy1)[None, :]
           + get(x1, y1) * (wx1 * wy1)[None, :])
    return out.T                                              # [N,C]


def setup_inputs(seed: int = 0):
    key = jax.random.key(seed)
    k1, k2, k3, k4 = jax.random.split(key, 4)
    points_3D = jax.random.normal(k1, (100000, 3), dtype=jnp.float32)
    intrinsics = jax.random.uniform(k2, (3, 3), dtype=jnp.float32)
    extrinsics = jax.random.uniform(k3, (4, 4), dtype=jnp.float32)
    feats_2D = jax.random.normal(k4, (2, 1, 128, 64, 176), dtype=jnp.float32)
    return {"points_3D": points_3D, "intrinsics": intrinsics,
            "extrinsics": extrinsics, "feats_2D": feats_2D}


def reference(points_3D, intrinsics, extrinsics, feats_2D):
    uv, valid_mask = project_pcd_to_img(points_3D, intrinsics, extrinsics)
    fused_feats = []
    for i in range(feats_2D.shape[0]):
        feat = feats_2D[i]                                    # [1,C,H,W]
        B, C, H, W = feat.shape
        f = feat[0]                                           # [C,H,W]
        u_norm = uv[:, 0] / W * 2 - 1
        v_norm = uv[:, 1] / H * 2 - 1
        sampled = bilinear_sample(f, u_norm, v_norm)          # [N,C]
        fused_feats.append(sampled)
    feat_cat = jnp.concatenate(fused_feats, axis=1)
    feat_cat = jnp.concatenate([points_3D, feat_cat], axis=1)  # fuse_with_xyz=True
    return (feat_cat, valid_mask)

if __name__ == "__main__":
    import jax
    _d = setup_inputs()
    print(jax.jit(kernel)(*tuple(_d.values())))

</pallas_src>

<mosaic_0001>
#map = affine_map<(d0, d1) -> (0, 0)>
#map1 = affine_map<(d0, d1) -> (0)>
module attributes {stable_mosaic.version = 14 : i64} {
  func.func @sc_kernel(%arg0: i32, %arg1: i32, %arg2: memref<11264x512xi32, #tpu.memory_space<hbm>>, %arg3: memref<100352xf32, #tpu.memory_space<hbm>>, %arg4: memref<100352xf32, #tpu.memory_space<hbm>>, %arg5: memref<100352xf32, #tpu.memory_space<hbm>>, %arg6: memref<16xf32, #tpu.memory_space<hbm>>, %arg7: memref<16xf32, #tpu.memory_space<hbm>>, %arg8: memref<100352x128xi32, #tpu.memory_space<hbm>>, %arg9: memref<100352xi32, #tpu.memory_space<hbm>>, %arg10: memref<3136xf32, #tpu.memory_space<vmem>>, %arg11: memref<3136xf32, #tpu.memory_space<vmem>>, %arg12: memref<3136xf32, #tpu.memory_space<vmem>>, %arg13: memref<16xf32, #tpu.memory_space<vmem>>, %arg14: memref<16xf32, #tpu.memory_space<vmem>>, %arg15: memref<3136xi32, #tpu.memory_space<vmem>>, %arg16: memref<32xi32, #tpu.memory_space<vmem>>, %arg17: memref<32xi32, #tpu.memory_space<vmem>>, %arg18: memref<48xf32, #tpu.memory_space<vmem>>, %arg19: memref<48xf32, #tpu.memory_space<vmem>>, %arg20: memref<48xf32, #tpu.memory_space<vmem>>, %arg21: memref<48xf32, #tpu.memory_space<vmem>>, %arg22: memref<48xf32, #tpu.memory_space<vmem>>, %arg23: memref<48xf32, #tpu.memory_space<vmem>>, %arg24: memref<48xf32, #tpu.memory_space<vmem>>, %arg25: memref<48xf32, #tpu.memory_space<vmem>>, %arg26: memref<32x512xi32, #tpu.memory_space<vmem>>, %arg27: memref<32x512xi32, #tpu.memory_space<vmem>>, %arg28: memref<32x128xi32, #tpu.memory_space<vmem>>, %arg29: memref<32x128xi32, #tpu.memory_space<vmem>>, %arg30: memref<!tpu.dma_semaphore, #tpu.memory_space<semaphore_mem>>, %arg31: memref<!tpu.dma_semaphore, #tpu.memory_space<semaphore_mem>>) attributes {dimension_semantics = [#tpu.dimension_semantics<core_parallel>, #tpu.dimension_semantics<subcore_parallel>], iteration_bounds = array<i64: 2, 16>, scalar_prefetch = 0 : i64, scratch_operands = 22 : i64, tpu.core_type = #tpu.core_type<sc_vector_subcore>, window_params = [{transform_indices = #map}, {transform_indices = #map1}, {transform_indices = #map1}, {transform_indices = #map1}, {transform_indices = #map1}, {transform_indices = #map1}, {transform_indices = #map}, {transform_indices = #map1}]} {
    %mul3A = arith.constant 2 : i32
    %mul3A_0 = arith.muli %arg1, %mul3A : i32
    %add3A = arith.addi %mul3A_0, %arg0 : i32
    %mul3A_1 = arith.constant 3136 : i32
    %mul3A_2 = arith.muli %add3A, %mul3A_1 : i32
    "tpu.region"() ({
      %run_scoped3A = tpu.sem_alloc : memref<!tpu.dma_semaphore, #tpu.memory_space<semaphore_mem>>
      tpu.enqueue_dma source(%arg6 : memref<16xf32, #tpu.memory_space<hbm>>) target(%arg13 : memref<16xf32, #tpu.memory_space<vmem>>) target_semaphore(%run_scoped3A : memref<!tpu.dma_semaphore, #tpu.memory_space<semaphore_mem>>)
      tpu.wait_dma2 semaphore(%run_scoped3A : memref<!tpu.dma_semaphore, #tpu.memory_space<semaphore_mem>>) src(%arg6 : memref<16xf32, #tpu.memory_space<hbm>>) dst(%arg13 : memref<16xf32, #tpu.memory_space<vmem>>)
      tpu.yield
    }) : () -> ()
    "tpu.region"() ({
      %run_scoped3A = tpu.sem_alloc : memref<!tpu.dma_semaphore, #tpu.memory_space<semaphore_mem>>
      tpu.enqueue_dma source(%arg7 : memref<16xf32, #tpu.memory_space<hbm>>) target(%arg14 : memref<16xf32, #tpu.memory_space<vmem>>) target_semaphore(%run_scoped3A : memref<!tpu.dma_semaphore, #tpu.memory_space<semaphore_mem>>)
      tpu.wait_dma2 semaphore(%run_scoped3A : memref<!tpu.dma_semaphore, #tpu.memory_space<semaphore_mem>>) src(%arg7 : memref<16xf32, #tpu.memory_space<hbm>>) dst(%arg14 : memref<16xf32, #tpu.memory_space<vmem>>)
      tpu.yield
    }) : () -> ()
    "tpu.region"() ({
      %run_scoped3A = tpu.sem_alloc : memref<!tpu.dma_semaphore, #tpu.memory_space<semaphore_mem>>
      %dma_start3A_72 = tpu.memref_slice %arg3[%mul3A_2] : memref<100352xf32, #tpu.memory_space<hbm>> -> memref<3136xf32, #tpu.memory_space<hbm>>
      %dma_start3A_73 = tpu.memref_slice %arg3[%mul3A_2] : memref<100352xf32, #tpu.memory_space<hbm>> -> memref<3136xf32, #tpu.memory_space<hbm>>
      tpu.enqueue_dma source(%dma_start3A_73 : memref<3136xf32, #tpu.memory_space<hbm>>) target(%arg10 : memref<3136xf32, #tpu.memory_space<vmem>>) target_semaphore(%run_scoped3A : memref<!tpu.dma_semaphore, #tpu.memory_space<semaphore_mem>>)
      %dma_wait3A = tpu.memref_slice %arg3[%mul3A_2] : memref<100352xf32, #tpu.memory_space<hbm>> -> memref<3136xf32, #tpu.memory_space<hbm>>
      %dma_wait3A_74 = tpu.memref_slice %arg3[%mul3A_2] : memref<100352xf32, #tpu.memory_space<hbm>> -> memref<3136xf32, #tpu.memory_space<hbm>>
      tpu.wait_dma2 semaphore(%run_scoped3A : memref<!tpu.dma_semaphore, #tpu.memory_space<semaphore_mem>>) src(%dma_wait3A_74 : memref<3136xf32, #tpu.memory_space<hbm>>) dst(%arg10 : memref<3136xf32, #tpu.memory_space<vmem>>)
      tpu.yield
    }) : () -> ()
    "tpu.region"() ({
      %run_scoped3A = tpu.sem_alloc : memref<!tpu.dma_semaphore, #tpu.memory_space<semaphore_mem>>
      %dma_start3A_72 = tpu.memref_slice %arg4[%mul3A_2] : memref<100352xf32, #tpu.memory_space<hbm>> -> memref<3136xf32, #tpu.memory_space<hbm>>
      %dma_start3A_73 = tpu.memref_slice %arg4[%mul3A_2] : memref<100352xf32, #tpu.memory_space<hbm>> -> memref<3136xf32, #tpu.memory_space<hbm>>
      tpu.enqueue_dma source(%dma_start3A_73 : memref<3136xf32, #tpu.memory_space<hbm>>) target(%arg11 : memref<3136xf32, #tpu.memory_space<vmem>>) target_semaphore(%run_scoped3A : memref<!tpu.dma_semaphore, #tpu.memory_space<semaphore_mem>>)
      %dma_wait3A = tpu.memref_slice %arg4[%mul3A_2] : memref<100352xf32, #tpu.memory_space<hbm>> -> memref<3136xf32, #tpu.memory_space<hbm>>
      %dma_wait3A_74 = tpu.memref_slice %arg4[%mul3A_2] : memref<100352xf32, #tpu.memory_space<hbm>> -> memref<3136xf32, #tpu.memory_space<hbm>>
      tpu.wait_dma2 semaphore(%run_scoped3A : memref<!tpu.dma_semaphore, #tpu.memory_space<semaphore_mem>>) src(%dma_wait3A_74 : memref<3136xf32, #tpu.memory_space<hbm>>) dst(%arg11 : memref<3136xf32, #tpu.memory_space<vmem>>)
      tpu.yield
    }) : () -> ()
    "tpu.region"() ({
      %run_scoped3A = tpu.sem_alloc : memref<!tpu.dma_semaphore, #tpu.memory_space<semaphore_mem>>
      %dma_start3A_72 = tpu.memref_slice %arg5[%mul3A_2] : memref<100352xf32, #tpu.memory_space<hbm>> -> memref<3136xf32, #tpu.memory_space<hbm>>
      %dma_start3A_73 = tpu.memref_slice %arg5[%mul3A_2] : memref<100352xf32, #tpu.memory_space<hbm>> -> memref<3136xf32, #tpu.memory_space<hbm>>
      tpu.enqueue_dma source(%dma_start3A_73 : memref<3136xf32, #tpu.memory_space<hbm>>) target(%arg12 : memref<3136xf32, #tpu.memory_space<vmem>>) target_semaphore(%run_scoped3A : memref<!tpu.dma_semaphore, #tpu.memory_space<semaphore_mem>>)
      %dma_wait3A = tpu.memref_slice %arg5[%mul3A_2] : memref<100352xf32, #tpu.memory_space<hbm>> -> memref<3136xf32, #tpu.memory_space<hbm>>
      %dma_wait3A_74 = tpu.memref_slice %arg5[%mul3A_2] : memref<100352xf32, #tpu.memory_space<hbm>> -> memref<3136xf32, #tpu.memory_space<hbm>>
      tpu.wait_dma2 semaphore(%run_scoped3A : memref<!tpu.dma_semaphore, #tpu.memory_space<semaphore_mem>>) src(%dma_wait3A_74 : memref<3136xf32, #tpu.memory_space<hbm>>) dst(%arg12 : memref<3136xf32, #tpu.memory_space<vmem>>)
      tpu.yield
    }) : () -> ()
    %get3A = arith.constant 0 : index
    %get3A_3 = tpu.vector_load %arg13[%get3A] {strides = array<i32>} : memref<16xf32, #tpu.memory_space<vmem>>, vector<16xf32>,
    %mul3A_4 = arith.constant 6.553700e+04 : f32
    %mul3A_5 = vector.broadcast %mul3A_4 : f32 to vector<16xf32>
    %mul3A_6 = arith.mulf %get3A_3, %mul3A_5 : vector<16xf32>
    %sub3A = arith.subf %mul3A_6, %get3A_3 : vector<16xf32>
    %sub3A_7 = arith.subf %mul3A_6, %sub3A : vector<16xf32>
    %get3A_8 = arith.constant 0 : index
    %get3A_9 = tpu.vector_load %arg14[%get3A_8] {strides = array<i32>} : memref<16xf32, #tpu.memory_space<vmem>>, vector<16xf32>,
    %mul3A_10 = arith.constant 6.553700e+04 : f32
    %mul3A_11 = vector.broadcast %mul3A_10 : f32 to vector<16xf32>
    %mul3A_12 = arith.mulf %get3A_9, %mul3A_11 : vector<16xf32>
    %sub3A_13 = arith.subf %mul3A_12, %get3A_9 : vector<16xf32>
    %sub3A_14 = arith.subf %mul3A_12, %sub3A_13 : vector<16xf32>
    %slice3A = vector.extract_strided_slice %sub3A_7 {offsets = [0], sizes = [1], strides = [1]} : vector<16xf32> to vector<1xf32>
    %squeeze3A = vector.extract %slice3A[0] : f32 from vector<1xf32>
    %slice3A_15 = vector.extract_strided_slice %sub3A_7 {offsets = [1], sizes = [1], strides = [1]} : vector<16xf32> to vector<1xf32>
    %squeeze3A_16 = vector.extract %slice3A_15[0] : f32 from vector<1xf32>
    %slice3A_17 = vector.extract_strided_slice %sub3A_7 {offsets = [2], sizes = [1], strides = [1]} : vector<16xf32> to vector<1xf32>
    %squeeze3A_18 = vector.extract %slice3A_17[0] : f32 from vector<1xf32>
    %slice3A_19 = vector.extract_strided_slice %sub3A_7 {offsets = [3], sizes = [1], strides = [1]} : vector<16xf32> to vector<1xf32>
    %squeeze3A_20 = vector.extract %slice3A_19[0] : f32 from vector<1xf32>
    %slice3A_21 = vector.extract_strided_slice %sub3A_7 {offsets = [4], sizes = [1], strides = [1]} : vector<16xf32> to vector<1xf32>
    %squeeze3A_22 = vector.extract %slice3A_21[0] : f32 from vector<1xf32>
    %slice3A_23 = vector.extract_strided_slice %sub3A_7 {offsets = [5], sizes = [1], strides = [1]} : vector<16xf32> to vector<1xf32>
    %squeeze3A_24 = vector.extract %slice3A_23[0] : f32 from vector<1xf32>
    %slice3A_25 = vector.extract_strided_slice %sub3A_7 {offsets = [6], sizes = [1], strides = [1]} : vector<16xf32> to vector<1xf32>
    %squeeze3A_26 = vector.extract %slice3A_25[0] : f32 from vector<1xf32>
    %slice3A_27 = vector.extract_strided_slice %sub3A_7 {offsets = [7], sizes = [1], strides = [1]} : vector<16xf32> to vector<1xf32>
    %squeeze3A_28 = vector.extract %slice3A_27[0] : f32 from vector<1xf32>
    %slice3A_29 = vector.extract_strided_slice %sub3A_7 {offsets = [8], sizes = [1], strides = [1]} : vector<16xf32> to vector<1xf32>
    %squeeze3A_30 = vector.extract %slice3A_29[0] : f32 from vector<1xf32>
    %slice3A_31 = vector.extract_strided_slice %sub3A_14 {offsets = [0], sizes = [1], strides = [1]} : vector<16xf32> to vector<1xf32>
    %squeeze3A_32 = vector.extract %slice3A_31[0] : f32 from vector<1xf32>
    %slice3A_33 = vector.extract_strided_slice %sub3A_14 {offsets = [1], sizes = [1], strides = [1]} : vector<16xf32> to vector<1xf32>
    %squeeze3A_34 = vector.extract %slice3A_33[0] : f32 from vector<1xf32>
    %slice3A_35 = vector.extract_strided_slice %sub3A_14 {offsets = [2], sizes = [1], strides = [1]} : vector<16xf32> to vector<1xf32>
    %squeeze3A_36 = vector.extract %slice3A_35[0] : f32 from vector<1xf32>
    %slice3A_37 = vector.extract_strided_slice %sub3A_14 {offsets = [3], sizes = [1], strides = [1]} : vector<16xf32> to vector<1xf32>
    %squeeze3A_38 = vector.extract %slice3A_37[0] : f32 from vector<1xf32>
    %slice3A_39 = vector.extract_strided_slice %sub3A_14 {offsets = [4], sizes = [1], strides = [1]} : vector<16xf32> to vector<1xf32>
    %squeeze3A_40 = vector.extract %slice3A_39[0] : f32 from vector<1xf32>
    %slice3A_41 = vector.extract_strided_slice %sub3A_14 {offsets = [5], sizes = [1], strides = [1]} : vector<16xf32> to vector<1xf32>
    %squeeze3A_42 = vector.extract %slice3A_41[0] : f32 from vector<1xf32>
    %slice3A_43 = vector.extract_strided_slice %sub3A_14 {offsets = [6], sizes = [1], strides = [1]} : vector<16xf32> to vector<1xf32>
    %squeeze3A_44 = vector.extract %slice3A_43[0] : f32 from vector<1xf32>
    %slice3A_45 = vector.extract_strided_slice %sub3A_14 {offsets = [7], sizes = [1], strides = [1]} : vector<16xf32> to vector<1xf32>
    %squeeze3A_46 = vector.extract %slice3A_45[0] : f32 from vector<1xf32>
    %slice3A_47 = vector.extract_strided_slice %sub3A_14 {offsets = [8], sizes = [1], strides = [1]} : vector<16xf32> to vector<1xf32>
    %squeeze3A_48 = vector.extract %slice3A_47[0] : f32 from vector<1xf32>
    %slice3A_49 = vector.extract_strided_slice %sub3A_14 {offsets = [9], sizes = [1], strides = [1]} : vector<16xf32> to vector<1xf32>
    %squeeze3A_50 = vector.extract %slice3A_49[0] : f32 from vector<1xf32>
    %slice3A_51 = vector.extract_strided_slice %sub3A_14 {offsets = [10], sizes = [1], strides = [1]} : vector<16xf32> to vector<1xf32>
    %squeeze3A_52 = vector.extract %slice3A_51[0] : f32 from vector<1xf32>
    %slice3A_53 = vector.extract_strided_slice %sub3A_14 {offsets = [11], sizes = [1], strides = [1]} : vector<16xf32> to vector<1xf32>
    %squeeze3A_54 = vector.extract %slice3A_53[0] : f32 from vector<1xf32>
    %parallel_loop3A = arith.constant 0 : i32
    %parallel_loop3A_55 = arith.constant 2 : i32
    %parallel_loop3A_56 = arith.constant 1 : i32
    %parallel_loop3A_57 = arith.constant 1.760000e+02 : f32
    %parallel_loop3A_58 = arith.constant 6.400000e+01 : f32
    %parallel_loop3A_59 = arith.constant 1.000000e+00 : f32
    %parallel_loop3A_60 = arith.constant 0.000000e+00 : f32
    scf.for %parallel_loop3A_72 = %parallel_loop3A to %parallel_loop3A_55 step %parallel_loop3A_56  : i32 {
      %parallel_loop3A_73 = arith.constant 16 : i32
      %parallel_loop3A_74 = arith.muli %parallel_loop3A_72, %parallel_loop3A_73 : i32
      %parallel_loop3A_75 = arith.constant 0 : i32
      %parallel_loop3A_76 = arith.addi %parallel_loop3A_75, %parallel_loop3A_74 : i32
      %parallel_loop3A_77 = arith.index_cast %parallel_loop3A_76 : i32 to index
      %parallel_loop3A_78 = tpu.vector_load %arg10[%parallel_loop3A_77] {strides = array<i32>} : memref<3136xf32, #tpu.memory_space<vmem>>, vector<16xf32>,
      %parallel_loop3A_79 = arith.constant 6.553700e+04 : f32
      %parallel_loop3A_80 = vector.broadcast %parallel_loop3A_79 : f32 to vector<16xf32>
      %parallel_loop3A_81 = arith.mulf %parallel_loop3A_78, %parallel_loop3A_80 : vector<16xf32>
      %parallel_loop3A_82 = arith.subf %parallel_loop3A_81, %parallel_loop3A_78 : vector<16xf32>
      %parallel_loop3A_83 = arith.subf %parallel_loop3A_81, %parallel_loop3A_82 : vector<16xf32>
      %parallel_loop3A_84 = arith.index_cast %parallel_loop3A_76 : i32 to index
      %parallel_loop3A_85 = tpu.vector_load %arg11[%parallel_loop3A_84] {strides = array<i32>} : memref<3136xf32, #tpu.memory_space<vmem>>, vector<16xf32>,
      %parallel_loop3A_86 = arith.constant 6.553700e+04 : f32
      %parallel_loop3A_87 = vector.broadcast %parallel_loop3A_86 : f32 to vector<16xf32>
      %parallel_loop3A_88 = arith.mulf %parallel_loop3A_85, %parallel_loop3A_87 : vector<16xf32>
      %parallel_loop3A_89 = arith.subf %parallel_loop3A_88, %parallel_loop3A_85 : vector<16xf32>
      %parallel_loop3A_90 = arith.subf %parallel_loop3A_88, %parallel_loop3A_89 : vector<16xf32>
      %parallel_loop3A_91 = arith.index_cast %parallel_loop3A_76 : i32 to index
      %parallel_loop3A_92 = tpu.vector_load %arg12[%parallel_loop3A_91] {strides = array<i32>} : memref<3136xf32, #tpu.memory_space<vmem>>, vector<16xf32>,
      %parallel_loop3A_93 = arith.constant 6.553700e+04 : f32
      %parallel_loop3A_94 = vector.broadcast %parallel_loop3A_93 : f32 to vector<16xf32>
      %parallel_loop3A_95 = arith.mulf %parallel_loop3A_92, %parallel_loop3A_94 : vector<16xf32>
      %parallel_loop3A_96 = arith.subf %parallel_loop3A_95, %parallel_loop3A_92 : vector<16xf32>
      %parallel_loop3A_97 = arith.subf %parallel_loop3A_95, %parallel_loop3A_96 : vector<16xf32>
      %parallel_loop3A_98 = vector.broadcast %squeeze3A_32 : f32 to vector<16xf32>
      %parallel_loop3A_99 = arith.mulf %parallel_loop3A_98, %parallel_loop3A_83 : vector<16xf32>
      %parallel_loop3A_100 = vector.broadcast %squeeze3A_34 : f32 to vector<16xf32>
      %parallel_loop3A_101 = arith.mulf %parallel_loop3A_100, %parallel_loop3A_90 : vector<16xf32>
      %parallel_loop3A_102 = arith.addf %parallel_loop3A_99, %parallel_loop3A_101 : vector<16xf32>
      %parallel_loop3A_103 = vector.broadcast %squeeze3A_36 : f32 to vector<16xf32>
      %parallel_loop3A_104 = arith.mulf %parallel_loop3A_103, %parallel_loop3A_97 : vector<16xf32>
      %parallel_loop3A_105 = arith.addf %parallel_loop3A_102, %parallel_loop3A_104 : vector<16xf32>
      %parallel_loop3A_106 = vector.broadcast %squeeze3A_38 : f32 to vector<16xf32>
      %parallel_loop3A_107 = arith.addf %parallel_loop3A_105, %parallel_loop3A_106 : vector<16xf32>
      %parallel_loop3A_108 = vector.broadcast %squeeze3A_40 : f32 to vector<16xf32>
      %parallel_loop3A_109 = arith.mulf %parallel_loop3A_108, %parallel_loop3A_83 : vector<16xf32>
      %parallel_loop3A_110 = vector.broadcast %squeeze3A_42 : f32 to vector<16xf32>
      %parallel_loop3A_111 = arith.mulf %parallel_loop3A_110, %parallel_loop3A_90 : vector<16xf32>
      %parallel_loop3A_112 = arith.addf %parallel_loop3A_109, %parallel_loop3A_111 : vector<16xf32>
      %parallel_loop3A_113 = vector.broadcast %squeeze3A_44 : f32 to vector<16xf32>
      %parallel_loop3A_114 = arith.mulf %parallel_loop3A_113, %parallel_loop3A_97 : vector<16xf32>
      %parallel_loop3A_115 = arith.addf %parallel_loop3A_112, %parallel_loop3A_114 : vector<16xf32>
      %parallel_loop3A_116 = vector.broadcast %squeeze3A_46 : f32 to vector<16xf32>
      %parallel_loop3A_117 = arith.addf %parallel_loop3A_115, %parallel_loop3A_116 : vector<16xf32>
      %parallel_loop3A_118 = vector.broadcast %squeeze3A_48 : f32 to vector<16xf32>
      %parallel_loop3A_119 = arith.mulf %parallel_loop3A_118, %parallel_loop3A_83 : vector<16xf32>
      %parallel_loop3A_120 = vector.broadcast %squeeze3A_50 : f32 to vector<16xf32>
      %parallel_loop3A_121 = arith.mulf %parallel_loop3A_120, %parallel_loop3A_90 : vector<16xf32>
      %parallel_loop3A_122 = arith.addf %parallel_loop3A_119, %parallel_loop3A_121 : vector<16xf32>
      %parallel_loop3A_123 = vector.broadcast %squeeze3A_52 : f32 to vector<16xf32>
      %parallel_loop3A_124 = arith.mulf %parallel_loop3A_123, %parallel_loop3A_97 : vector<16xf32>
      %parallel_loop3A_125 = arith.addf %parallel_loop3A_122, %parallel_loop3A_124 : vector<16xf32>
      %parallel_loop3A_126 = vector.broadcast %squeeze3A_54 : f32 to vector<16xf32>
      %parallel_loop3A_127 = arith.addf %parallel_loop3A_125, %parallel_loop3A_126 : vector<16xf32>
      %parallel_loop3A_128 = arith.constant 6.553700e+04 : f32
      %parallel_loop3A_129 = vector.broadcast %parallel_loop3A_128 : f32 to vector<16xf32>
      %parallel_loop3A_130 = arith.mulf %parallel_loop3A_107, %parallel_loop3A_129 : vector<16xf32>
      %parallel_loop3A_131 = arith.subf %parallel_loop3A_130, %parallel_loop3A_107 : vector<16xf32>
      %parallel_loop3A_132 = arith.subf %parallel_loop3A_130, %parallel_loop3A_131 : vector<16xf32>
      %parallel_loop3A_133 = arith.constant 6.553700e+04 : f32
      %parallel_loop3A_134 = vector.broadcast %parallel_loop3A_133 : f32 to vector<16xf32>
      %parallel_loop3A_135 = arith.mulf %parallel_loop3A_117, %parallel_loop3A_134 : vector<16xf32>
      %parallel_loop3A_136 = arith.subf %parallel_loop3A_135, %parallel_loop3A_117 : vector<16xf32>
      %parallel_loop3A_137 = arith.subf %parallel_loop3A_135, %parallel_loop3A_136 : vector<16xf32>
      %parallel_loop3A_138 = arith.constant 6.553700e+04 : f32
      %parallel_loop3A_139 = vector.broadcast %parallel_loop3A_138 : f32 to vector<16xf32>
      %parallel_loop3A_140 = arith.mulf %parallel_loop3A_127, %parallel_loop3A_139 : vector<16xf32>
      %parallel_loop3A_141 = arith.subf %parallel_loop3A_140, %parallel_loop3A_127 : vector<16xf32>
      %parallel_loop3A_142 = arith.subf %parallel_loop3A_140, %parallel_loop3A_141 : vector<16xf32>
      %parallel_loop3A_143 = vector.broadcast %squeeze3A : f32 to vector<16xf32>
      %parallel_loop3A_144 = arith.mulf %parallel_loop3A_143, %parallel_loop3A_132 : vector<16xf32>
      %parallel_loop3A_145 = vector.broadcast %squeeze3A_16 : f32 to vector<16xf32>
      %parallel_loop3A_146 = arith.mulf %parallel_loop3A_145, %parallel_loop3A_137 : vector<16xf32>
      %parallel_loop3A_147 = arith.addf %parallel_loop3A_144, %parallel_loop3A_146 : vector<16xf32>
      %parallel_loop3A_148 = vector.broadcast %squeeze3A_18 : f32 to vector<16xf32>
      %parallel_loop3A_149 = arith.mulf %parallel_loop3A_148, %parallel_loop3A_142 : vector<16xf32>
      %parallel_loop3A_150 = arith.addf %parallel_loop3A_147, %parallel_loop3A_149 : vector<16xf32>
      %parallel_loop3A_151 = vector.broadcast %squeeze3A_20 : f32 to vector<16xf32>
      %parallel_loop3A_152 = arith.mulf %parallel_loop3A_151, %parallel_loop3A_132 : vector<16xf32>
      %parallel_loop3A_153 = vector.broadcast %squeeze3A_22 : f32 to vector<16xf32>
      %parallel_loop3A_154 = arith.mulf %parallel_loop3A_153, %parallel_loop3A_137 : vector<16xf32>
      %parallel_loop3A_155 = arith.addf %parallel_loop3A_152, %parallel_loop3A_154 : vector<16xf32>
      %parallel_loop3A_156 = vector.broadcast %squeeze3A_24 : f32 to vector<16xf32>
      %parallel_loop3A_157 = arith.mulf %parallel_loop3A_156, %parallel_loop3A_142 : vector<16xf32>
      %parallel_loop3A_158 = arith.addf %parallel_loop3A_155, %parallel_loop3A_157 : vector<16xf32>
      %parallel_loop3A_159 = vector.broadcast %squeeze3A_26 : f32 to vector<16xf32>
      %parallel_loop3A_160 = arith.mulf %parallel_loop3A_159, %parallel_loop3A_132 : vector<16xf32>
      %parallel_loop3A_161 = vector.broadcast %squeeze3A_28 : f32 to vector<16xf32>
      %parallel_loop3A_162 = arith.mulf %parallel_loop3A_161, %parallel_loop3A_137 : vector<16xf32>
      %parallel_loop3A_163 = arith.addf %parallel_loop3A_160, %parallel_loop3A_162 : vector<16xf32>
      %parallel_loop3A_164 = vector.broadcast %squeeze3A_30 : f32 to vector<16xf32>
      %parallel_loop3A_165 = arith.mulf %parallel_loop3A_164, %parallel_loop3A_142 : vector<16xf32>
      %parallel_loop3A_166 = arith.addf %parallel_loop3A_163, %parallel_loop3A_165 : vector<16xf32>
      %parallel_loop3A_167 = math.absf %parallel_loop3A_166 : vector<16xf32>
      %parallel_loop3A_168 = arith.constant 9.99999993E-9 : f32
      %parallel_loop3A_169 = vector.broadcast %parallel_loop3A_168 : f32 to vector<16xf32>
      %parallel_loop3A_170 = arith.cmpf olt, %parallel_loop3A_167, %parallel_loop3A_169 : vector<16xf32>
      %parallel_loop3A_171 = arith.constant 9.99999993E-9 : f32
      %parallel_loop3A_172 = vector.broadcast %parallel_loop3A_171 : f32 to vector<16xf32>
      %parallel_loop3A_173 = arith.select %parallel_loop3A_170, %parallel_loop3A_172, %parallel_loop3A_166 : vector<16xi1>, vector<16xf32>
      %parallel_loop3A_174 = arith.divf %parallel_loop3A_150, %parallel_loop3A_173 : vector<16xf32>
      %parallel_loop3A_175 = arith.divf %parallel_loop3A_158, %parallel_loop3A_173 : vector<16xf32>
      %parallel_loop3A_176 = vector.broadcast %parallel_loop3A_57 : f32 to vector<16xf32>
      %parallel_loop3A_177 = arith.divf %parallel_loop3A_174, %parallel_loop3A_176 : vector<16xf32>
      %parallel_loop3A_178 = arith.constant 2.000000e+00 : f32
      %parallel_loop3A_179 = vector.broadcast %parallel_loop3A_178 : f32 to vector<16xf32>
      %parallel_loop3A_180 = arith.mulf %parallel_loop3A_177, %parallel_loop3A_179 : vector<16xf32>
      %parallel_loop3A_181 = arith.constant 1.000000e+00 : f32
      %parallel_loop3A_182 = vector.broadcast %parallel_loop3A_181 : f32 to vector<16xf32>
      %parallel_loop3A_183 = arith.subf %parallel_loop3A_180, %parallel_loop3A_182 : vector<16xf32>
      %parallel_loop3A_184 = vector.broadcast %parallel_loop3A_58 : f32 to vector<16xf32>
      %parallel_loop3A_185 = arith.divf %parallel_loop3A_175, %parallel_loop3A_184 : vector<16xf32>
      %parallel_loop3A_186 = arith.constant 2.000000e+00 : f32
      %parallel_loop3A_187 = vector.broadcast %parallel_loop3A_186 : f32 to vector<16xf32>
      %parallel_loop3A_188 = arith.mulf %parallel_loop3A_185, %parallel_loop3A_187 : vector<16xf32>
      %parallel_loop3A_189 = arith.constant 1.000000e+00 : f32
      %parallel_loop3A_190 = vector.broadcast %parallel_loop3A_189 : f32 to vector<16xf32>
      %parallel_loop3A_191 = arith.subf %parallel_loop3A_188, %parallel_loop3A_190 : vector<16xf32>
      %parallel_loop3A_192 = arith.constant 1.000000e+00 : f32
      %parallel_loop3A_193 = vector.broadcast %parallel_loop3A_192 : f32 to vector<16xf32>
      %parallel_loop3A_194 = arith.addf %parallel_loop3A_183, %parallel_loop3A_193 : vector<16xf32>
      %parallel_loop3A_195 = arith.constant 1.000000e+00 : f32
      %parallel_loop3A_196 = arith.subf %parallel_loop3A_57, %parallel_loop3A_195 : f32
      %parallel_loop3A_197 = arith.constant 5.000000e-01 : f32
      %parallel_loop3A_198 = arith.mulf %parallel_loop3A_197, %parallel_loop3A_196 : f32
      %parallel_loop3A_199 = vector.broadcast %parallel_loop3A_198 : f32 to vector<16xf32>
      %parallel_loop3A_200 = arith.mulf %parallel_loop3A_194, %parallel_loop3A_199 : vector<16xf32>
      %parallel_loop3A_201 = arith.constant 1.000000e+00 : f32
      %parallel_loop3A_202 = vector.broadcast %parallel_loop3A_201 : f32 to vector<16xf32>
      %parallel_loop3A_203 = arith.addf %parallel_loop3A_191, %parallel_loop3A_202 : vector<16xf32>
      %parallel_loop3A_204 = arith.constant 1.000000e+00 : f32
      %parallel_loop3A_205 = arith.subf %parallel_loop3A_58, %parallel_loop3A_204 : f32
      %parallel_loop3A_206 = arith.constant 5.000000e-01 : f32
      %parallel_loop3A_207 = arith.mulf %parallel_loop3A_206, %parallel_loop3A_205 : f32
      %parallel_loop3A_208 = vector.broadcast %parallel_loop3A_207 : f32 to vector<16xf32>
      %parallel_loop3A_209 = arith.mulf %parallel_loop3A_203, %parallel_loop3A_208 : vector<16xf32>
      %parallel_loop3A_210 = arith.constant -1.000000e+06 : f32
      %parallel_loop3A_211 = arith.constant 1.000000e+06 : f32
      %parallel_loop3A_212 = vector.broadcast %parallel_loop3A_210 : f32 to vector<16xf32>
      %parallel_loop3A_213 = arith.maximumf %parallel_loop3A_212, %parallel_loop3A_200 : vector<16xf32>
      %parallel_loop3A_214 = vector.broadcast %parallel_loop3A_211 : f32 to vector<16xf32>
      %parallel_loop3A_215 = arith.minimumf %parallel_loop3A_214, %parallel_loop3A_213 : vector<16xf32>
      %parallel_loop3A_216 = arith.constant -1.000000e+06 : f32
      %parallel_loop3A_217 = arith.constant 1.000000e+06 : f32
      %parallel_loop3A_218 = vector.broadcast %parallel_loop3A_216 : f32 to vector<16xf32>
      %parallel_loop3A_219 = arith.maximumf %parallel_loop3A_218, %parallel_loop3A_209 : vector<16xf32>
      %parallel_loop3A_220 = vector.broadcast %parallel_loop3A_217 : f32 to vector<16xf32>
      %parallel_loop3A_221 = arith.minimumf %parallel_loop3A_220, %parallel_loop3A_219 : vector<16xf32>
      %parallel_loop3A_222 = arith.fptosi %parallel_loop3A_215 : vector<16xf32> to vector<16xi32>
      %parallel_loop3A_223 = arith.fptosi %parallel_loop3A_221 : vector<16xf32> to vector<16xi32>
      %parallel_loop3A_224 = arith.sitofp %parallel_loop3A_222 : vector<16xi32> to vector<16xf32>
      %parallel_loop3A_225 = arith.cmpf ogt, %parallel_loop3A_224, %parallel_loop3A_215 : vector<16xf32>
      %parallel_loop3A_226 = arith.constant 1 : i32
      %parallel_loop3A_227 = vector.broadcast %parallel_loop3A_226 : i32 to vector<16xi32>
      %parallel_loop3A_228 = arith.subi %parallel_loop3A_222, %parallel_loop3A_227 : vector<16xi32>
      %parallel_loop3A_229 = arith.select %parallel_loop3A_225, %parallel_loop3A_228, %parallel_loop3A_222 : vector<16xi1>, vector<16xi32>
      %parallel_loop3A_230 = arith.sitofp %parallel_loop3A_223 : vector<16xi32> to vector<16xf32>
      %parallel_loop3A_231 = arith.cmpf ogt, %parallel_loop3A_230, %parallel_loop3A_221 : vector<16xf32>
      %parallel_loop3A_232 = arith.constant 1 : i32
      %parallel_loop3A_233 = vector.broadcast %parallel_loop3A_232 : i32 to vector<16xi32>
      %parallel_loop3A_234 = arith.subi %parallel_loop3A_223, %parallel_loop3A_233 : vector<16xi32>
      %parallel_loop3A_235 = arith.select %parallel_loop3A_231, %parallel_loop3A_234, %parallel_loop3A_223 : vector<16xi1>, vector<16xi32>
      %parallel_loop3A_236 = arith.constant 1 : i32
      %parallel_loop3A_237 = vector.broadcast %parallel_loop3A_236 : i32 to vector<16xi32>
      %parallel_loop3A_238 = arith.addi %parallel_loop3A_229, %parallel_loop3A_237 : vector<16xi32>
      %parallel_loop3A_239 = arith.constant 1 : i32
      %parallel_loop3A_240 = vector.broadcast %parallel_loop3A_239 : i32 to vector<16xi32>
      %parallel_loop3A_241 = arith.addi %parallel_loop3A_235, %parallel_loop3A_240 : vector<16xi32>
      %parallel_loop3A_242 = arith.sitofp %parallel_loop3A_229 : vector<16xi32> to vector<16xf32>
      %parallel_loop3A_243 = arith.subf %parallel_loop3A_215, %parallel_loop3A_242 : vector<16xf32>
      %parallel_loop3A_244 = arith.constant 1.000000e+00 : f32
      %parallel_loop3A_245 = vector.broadcast %parallel_loop3A_244 : f32 to vector<16xf32>
      %parallel_loop3A_246 = arith.subf %parallel_loop3A_245, %parallel_loop3A_243 : vector<16xf32>
      %parallel_loop3A_247 = arith.sitofp %parallel_loop3A_235 : vector<16xi32> to vector<16xf32>
      %parallel_loop3A_248 = arith.subf %parallel_loop3A_221, %parallel_loop3A_247 : vector<16xf32>
      %parallel_loop3A_249 = arith.constant 1.000000e+00 : f32
      %parallel_loop3A_250 = vector.broadcast %parallel_loop3A_249 : f32 to vector<16xf32>
      %parallel_loop3A_251 = arith.subf %parallel_loop3A_250, %parallel_loop3A_248 : vector<16xf32>
      %parallel_loop3A_252 = arith.constant 0 : i32
      %parallel_loop3A_253 = vector.broadcast %parallel_loop3A_252 : i32 to vector<16xi32>
      %parallel_loop3A_254 = arith.cmpi sge, %parallel_loop3A_229, %parallel_loop3A_253 : vector<16xi32>
      %parallel_loop3A_255 = arith.constant 175 : i32
      %parallel_loop3A_256 = vector.broadcast %parallel_loop3A_255 : i32 to vector<16xi32>
      %parallel_loop3A_257 = arith.cmpi sle, %parallel_loop3A_229, %parallel_loop3A_256 : vector<16xi32>
      %parallel_loop3A_258 = arith.andi %parallel_loop3A_254, %parallel_loop3A_257 : vector<16xi1>
      %parallel_loop3A_259 = vector.broadcast %parallel_loop3A_59 : f32 to vector<16xf32>
      %parallel_loop3A_260 = vector.broadcast %parallel_loop3A_60 : f32 to vector<16xf32>
      %parallel_loop3A_261 = arith.select %parallel_loop3A_258, %parallel_loop3A_259, %parallel_loop3A_260 : vector<16xi1>, vector<16xf32>
      %parallel_loop3A_262 = arith.mulf %parallel_loop3A_246, %parallel_loop3A_261 : vector<16xf32>
      %parallel_loop3A_263 = arith.constant 0 : i32
      %parallel_loop3A_264 = vector.broadcast %parallel_loop3A_263 : i32 to vector<16xi32>
      %parallel_loop3A_265 = arith.cmpi sge, %parallel_loop3A_238, %parallel_loop3A_264 : vector<16xi32>
      %parallel_loop3A_266 = arith.constant 175 : i32
      %parallel_loop3A_267 = vector.broadcast %parallel_loop3A_266 : i32 to vector<16xi32>
      %parallel_loop3A_268 = arith.cmpi sle, %parallel_loop3A_238, %parallel_loop3A_267 : vector<16xi32>
      %parallel_loop3A_269 = arith.andi %parallel_loop3A_265, %parallel_loop3A_268 : vector<16xi1>
      %parallel_loop3A_270 = vector.broadcast %parallel_loop3A_59 : f32 to vector<16xf32>
      %parallel_loop3A_271 = vector.broadcast %parallel_loop3A_60 : f32 to vector<16xf32>
      %parallel_loop3A_272 = arith.select %parallel_loop3A_269, %parallel_loop3A_270, %parallel_loop3A_271 : vector<16xi1>, vector<16xf32>
      %parallel_loop3A_273 = arith.mulf %parallel_loop3A_243, %parallel_loop3A_272 : vector<16xf32>
      %parallel_loop3A_274 = arith.constant 0 : i32
      %parallel_loop3A_275 = vector.broadcast %parallel_loop3A_274 : i32 to vector<16xi32>
      %parallel_loop3A_276 = arith.cmpi sge, %parallel_loop3A_235, %parallel_loop3A_275 : vector<16xi32>
      %parallel_loop3A_277 = arith.constant 63 : i32
      %parallel_loop3A_278 = vector.broadcast %parallel_loop3A_277 : i32 to vector<16xi32>
      %parallel_loop3A_279 = arith.cmpi sle, %parallel_loop3A_235, %parallel_loop3A_278 : vector<16xi32>
      %parallel_loop3A_280 = arith.andi %parallel_loop3A_276, %parallel_loop3A_279 : vector<16xi1>
      %parallel_loop3A_281 = vector.broadcast %parallel_loop3A_59 : f32 to vector<16xf32>
      %parallel_loop3A_282 = vector.broadcast %parallel_loop3A_60 : f32 to vector<16xf32>
      %parallel_loop3A_283 = arith.select %parallel_loop3A_280, %parallel_loop3A_281, %parallel_loop3A_282 : vector<16xi1>, vector<16xf32>
      %parallel_loop3A_284 = arith.mulf %parallel_loop3A_251, %parallel_loop3A_283 : vector<16xf32>
      %parallel_loop3A_285 = arith.constant 0 : i32
      %parallel_loop3A_286 = vector.broadcast %parallel_loop3A_285 : i32 to vector<16xi32>
      %parallel_loop3A_287 = arith.cmpi sge, %parallel_loop3A_241, %parallel_loop3A_286 : vector<16xi32>
      %parallel_loop3A_288 = arith.constant 63 : i32
      %parallel_loop3A_289 = vector.broadcast %parallel_loop3A_288 : i32 to vector<16xi32>
      %parallel_loop3A_290 = arith.cmpi sle, %parallel_loop3A_241, %parallel_loop3A_289 : vector<16xi32>
      %parallel_loop3A_291 = arith.andi %parallel_loop3A_287, %parallel_loop3A_290 : vector<16xi1>
      %parallel_loop3A_292 = vector.broadcast %parallel_loop3A_59 : f32 to vector<16xf32>
      %parallel_loop3A_293 = vector.broadcast %parallel_loop3A_60 : f32 to vector<16xf32>
      %parallel_loop3A_294 = arith.select %parallel_loop3A_291, %parallel_loop3A_292, %parallel_loop3A_293 : vector<16xi1>, vector<16xf32>
      %parallel_loop3A_295 = arith.mulf %parallel_loop3A_248, %parallel_loop3A_294 : vector<16xf32>
      %parallel_loop3A_296 = arith.constant 0 : i32
      %parallel_loop3A_297 = arith.constant 174 : i32
      %parallel_loop3A_298 = vector.broadcast %parallel_loop3A_296 : i32 to vector<16xi32>
      %parallel_loop3A_299 = arith.maxsi %parallel_loop3A_298, %parallel_loop3A_229 : vector<16xi32>
      %parallel_loop3A_300 = vector.broadcast %parallel_loop3A_297 : i32 to vector<16xi32>
      %parallel_loop3A_301 = arith.minsi %parallel_loop3A_300, %parallel_loop3A_299 : vector<16xi32>
      %parallel_loop3A_302 = arith.constant 0 : i32
      %parallel_loop3A_303 = arith.constant 62 : i32
      %parallel_loop3A_304 = vector.broadcast %parallel_loop3A_302 : i32 to vector<16xi32>
      %parallel_loop3A_305 = arith.maxsi %parallel_loop3A_304, %parallel_loop3A_235 : vector<16xi32>
      %parallel_loop3A_306 = vector.broadcast %parallel_loop3A_303 : i32 to vector<16xi32>
      %parallel_loop3A_307 = arith.minsi %parallel_loop3A_306, %parallel_loop3A_305 : vector<16xi32>
      %parallel_loop3A_308 = arith.cmpi eq, %parallel_loop3A_229, %parallel_loop3A_301 : vector<16xi32>
      %parallel_loop3A_309 = vector.broadcast %parallel_loop3A_60 : f32 to vector<16xf32>
      %parallel_loop3A_310 = arith.select %parallel_loop3A_308, %parallel_loop3A_262, %parallel_loop3A_309 : vector<16xi1>, vector<16xf32>
      %parallel_loop3A_311 = arith.cmpi eq, %parallel_loop3A_238, %parallel_loop3A_301 : vector<16xi32>
      %parallel_loop3A_312 = vector.broadcast %parallel_loop3A_60 : f32 to vector<16xf32>
      %parallel_loop3A_313 = arith.select %parallel_loop3A_311, %parallel_loop3A_273, %parallel_loop3A_312 : vector<16xi1>, vector<16xf32>
      %parallel_loop3A_314 = arith.addf %parallel_loop3A_310, %parallel_loop3A_313 : vector<16xf32>
      %parallel_loop3A_315 = arith.constant 1 : i32
      %parallel_loop3A_316 = vector.broadcast %parallel_loop3A_315 : i32 to vector<16xi32>
      %parallel_loop3A_317 = arith.addi %parallel_loop3A_301, %parallel_loop3A_316 : vector<16xi32>
      %parallel_loop3A_318 = arith.cmpi eq, %parallel_loop3A_229, %parallel_loop3A_317 : vector<16xi32>
      %parallel_loop3A_319 = vector.broadcast %parallel_loop3A_60 : f32 to vector<16xf32>
      %parallel_loop3A_320 = arith.select %parallel_loop3A_318, %parallel_loop3A_262, %parallel_loop3A_319 : vector<16xi1>, vector<16xf32>
      %parallel_loop3A_321 = arith.constant 1 : i32
      %parallel_loop3A_322 = vector.broadcast %parallel_loop3A_321 : i32 to vector<16xi32>
      %parallel_loop3A_323 = arith.addi %parallel_loop3A_301, %parallel_loop3A_322 : vector<16xi32>
      %parallel_loop3A_324 = arith.cmpi eq, %parallel_loop3A_238, %parallel_loop3A_323 : vector<16xi32>
      %parallel_loop3A_325 = vector.broadcast %parallel_loop3A_60 : f32 to vector<16xf32>
      %parallel_loop3A_326 = arith.select %parallel_loop3A_324, %parallel_loop3A_273, %parallel_loop3A_325 : vector<16xi1>, vector<16xf32>
      %parallel_loop3A_327 = arith.addf %parallel_loop3A_320, %parallel_loop3A_326 : vector<16xf32>
      %parallel_loop3A_328 = arith.cmpi eq, %parallel_loop3A_235, %parallel_loop3A_307 : vector<16xi32>
      %parallel_loop3A_329 = vector.broadcast %parallel_loop3A_60 : f32 to vector<16xf32>
      %parallel_loop3A_330 = arith.select %parallel_loop3A_328, %parallel_loop3A_284, %parallel_loop3A_329 : vector<16xi1>, vector<16xf32>
      %parallel_loop3A_331 = arith.cmpi eq, %parallel_loop3A_241, %parallel_loop3A_307 : vector<16xi32>
      %parallel_loop3A_332 = vector.broadcast %parallel_loop3A_60 : f32 to vector<16xf32>
      %parallel_loop3A_333 = arith.select %parallel_loop3A_331, %parallel_loop3A_295, %parallel_loop3A_332 : vector<16xi1>, vector<16xf32>
      %parallel_loop3A_334 = arith.addf %parallel_loop3A_330, %parallel_loop3A_333 : vector<16xf32>
      %parallel_loop3A_335 = arith.constant 1 : i32
      %parallel_loop3A_336 = vector.broadcast %parallel_loop3A_335 : i32 to vector<16xi32>
      %parallel_loop3A_337 = arith.addi %parallel_loop3A_307, %parallel_loop3A_336 : vector<16xi32>
      %parallel_loop3A_338 = arith.cmpi eq, %parallel_loop3A_235, %parallel_loop3A_337 : vector<16xi32>
      %parallel_loop3A_339 = vector.broadcast %parallel_loop3A_60 : f32 to vector<16xf32>
      %parallel_loop3A_340 = arith.select %parallel_loop3A_338, %parallel_loop3A_284, %parallel_loop3A_339 : vector<16xi1>, vector<16xf32>
      %parallel_loop3A_341 = arith.constant 1 : i32
      %parallel_loop3A_342 = vector.broadcast %parallel_loop3A_341 : i32 to vector<16xi32>
      %parallel_loop3A_343 = arith.addi %parallel_loop3A_307, %parallel_loop3A_342 : vector<16xi32>
      %parallel_loop3A_344 = arith.cmpi eq, %parallel_loop3A_241, %parallel_loop3A_343 : vector<16xi32>
      %parallel_loop3A_345 = vector.broadcast %parallel_loop3A_60 : f32 to vector<16xf32>
      %parallel_loop3A_346 = arith.select %parallel_loop3A_344, %parallel_loop3A_295, %parallel_loop3A_345 : vector<16xi1>, vector<16xf32>
      %parallel_loop3A_347 = arith.addf %parallel_loop3A_340, %parallel_loop3A_346 : vector<16xf32>
      %parallel_loop3A_348 = arith.constant 16 : i32
      %parallel_loop3A_349 = arith.muli %parallel_loop3A_72, %parallel_loop3A_348 : i32
      %parallel_loop3A_350 = arith.constant 176 : i32
      %parallel_loop3A_351 = vector.broadcast %parallel_loop3A_350 : i32 to vector<16xi32>
      %parallel_loop3A_352 = arith.muli %parallel_loop3A_307, %parallel_loop3A_351 : vector<16xi32>
      %parallel_loop3A_353 = arith.addi %parallel_loop3A_352, %parallel_loop3A_301 : vector<16xi32>
      %parallel_loop3A_354 = arith.index_cast %parallel_loop3A_349 : i32 to index
      %parallel_loop3A_355 = tpu.vector_load %arg16[%parallel_loop3A_354] {strides = array<i32>} : memref<32xi32, #tpu.memory_space<vmem>>, vector<16xi32>,
      tpu.vector_store %arg16[%parallel_loop3A_354], %parallel_loop3A_353 {strides = array<i32>} : memref<32xi32, #tpu.memory_space<vmem>>, vector<16xi32>,
      %parallel_loop3A_356 = arith.mulf %parallel_loop3A_334, %parallel_loop3A_314 : vector<16xf32>
      %parallel_loop3A_357 = arith.index_cast %parallel_loop3A_349 : i32 to index
      %parallel_loop3A_358 = tpu.vector_load %arg18[%parallel_loop3A_357] {strides = array<i32>} : memref<48xf32, #tpu.memory_space<vmem>>, vector<16xf32>,
      tpu.vector_store %arg18[%parallel_loop3A_357], %parallel_loop3A_356 {strides = array<i32>} : memref<48xf32, #tpu.memory_space<vmem>>, vector<16xf32>,
      %parallel_loop3A_359 = arith.mulf %parallel_loop3A_334, %parallel_loop3A_327 : vector<16xf32>
      %parallel_loop3A_360 = arith.index_cast %parallel_loop3A_349 : i32 to index
      %parallel_loop3A_361 = tpu.vector_load %arg19[%parallel_loop3A_360] {strides = array<i32>} : memref<48xf32, #tpu.memory_space<vmem>>, vector<16xf32>,
      tpu.vector_store %arg19[%parallel_loop3A_360], %parallel_loop3A_359 {strides = array<i32>} : memref<48xf32, #tpu.memory_space<vmem>>, vector<16xf32>,
      %parallel_loop3A_362 = arith.mulf %parallel_loop3A_347, %parallel_loop3A_314 : vector<16xf32>
      %parallel_loop3A_363 = arith.index_cast %parallel_loop3A_349 : i32 to index
      %parallel_loop3A_364 = tpu.vector_load %arg20[%parallel_loop3A_363] {strides = array<i32>} : memref<48xf32, #tpu.memory_space<vmem>>, vector<16xf32>,
      tpu.vector_store %arg20[%parallel_loop3A_363], %parallel_loop3A_362 {strides = array<i32>} : memref<48xf32, #tpu.memory_space<vmem>>, vector<16xf32>,
      %parallel_loop3A_365 = arith.mulf %parallel_loop3A_347, %parallel_loop3A_327 : vector<16xf32>
      %parallel_loop3A_366 = arith.index_cast %parallel_loop3A_349 : i32 to index
      %parallel_loop3A_367 = tpu.vector_load %arg21[%parallel_loop3A_366] {strides = array<i32>} : memref<48xf32, #tpu.memory_space<vmem>>, vector<16xf32>,
      tpu.vector_store %arg21[%parallel_loop3A_366], %parallel_loop3A_365 {strides = array<i32>} : memref<48xf32, #tpu.memory_space<vmem>>, vector<16xf32>,
      %parallel_loop3A_368 = arith.constant 0.000000e+00 : f32
      %parallel_loop3A_369 = vector.broadcast %parallel_loop3A_368 : f32 to vector<16xf32>
      %parallel_loop3A_370 = arith.cmpf ogt, %parallel_loop3A_127, %parallel_loop3A_369 : vector<16xf32>
      %parallel_loop3A_371 = arith.constant 1 : i32
      %parallel_loop3A_372 = arith.constant 0 : i32
      %parallel_loop3A_373 = vector.broadcast %parallel_loop3A_371 : i32 to vector<16xi32>
      %parallel_loop3A_374 = vector.broadcast %parallel_loop3A_372 : i32 to vector<16xi32>
      %parallel_loop3A_375 = arith.select %parallel_loop3A_370, %parallel_loop3A_373, %parallel_loop3A_374 : vector<16xi1>, vector<16xi32>
      %parallel_loop3A_376 = arith.index_cast %parallel_loop3A_76 : i32 to index
      %parallel_loop3A_377 = tpu.vector_load %arg15[%parallel_loop3A_376] {strides = array<i32>} : memref<3136xi32, #tpu.memory_space<vmem>>, vector<16xi32>,
      tpu.vector_store %arg15[%parallel_loop3A_376], %parallel_loop3A_375 {strides = array<i32>} : memref<3136xi32, #tpu.memory_space<vmem>>, vector<16xi32>,
    } {sc.loop_unroll_factor = 2 : i64, sc.parallel_access}
    %dma_start3A = arith.constant 0 : i32
    %dma_start3A_61 = arith.constant 0 : i32
    %dma_start3A_62 = tpu.memref_slice %arg2[%dma_start3A, %dma_start3A_61] : memref<11264x512xi32, #tpu.memory_space<hbm>> -> memref<11264x512xi32, #tpu.memory_space<hbm>>
    tpu.enqueue_indirect_dma source(%dma_start3A_62 : memref<11264x512xi32, #tpu.memory_space<hbm>>) target(%arg26 : memref<32x512xi32, #tpu.memory_space<vmem>>) offsets(%arg16 : memref<32xi32, #tpu.memory_space<vmem>>) semaphore(%arg30 : memref<!tpu.dma_semaphore, #tpu.memory_space<semaphore_mem>>)
    %scan3A = arith.constant 0 : i32
    %scan3A_63 = arith.constant 1.760000e+02 : f32
    %scan3A_64 = arith.constant 6.400000e+01 : f32
    %scan3A_65 = arith.constant 1.000000e+00 : f32
    %scan3A_66 = arith.constant 0.000000e+00 : f32
    %scan3A_67 = arith.constant 0 : i32
    %scan3A_68 = arith.constant 49 : i32
    %scan3A_69 = arith.addi %scan3A_67, %scan3A_68 : i32
    %scan3A_70 = arith.constant 1 : i32
    scf.for %scan3A_72 = %scan3A_67 to %scan3A_69 step %scan3A_70  : i32 {
      %mul3A_73 = arith.constant 2 : i32
      %mul3A_74 = arith.muli %mul3A_73, %scan3A_72 : i32
      %add3A_75 = arith.constant 1 : i32
      %add3A_76 = arith.addi %mul3A_74, %add3A_75 : i32
      %parallel_loop3A_77 = arith.constant 0 : i32
      %parallel_loop3A_78 = arith.constant 2 : i32
      %parallel_loop3A_79 = arith.constant 1 : i32
      scf.for %parallel_loop3A_98 = %parallel_loop3A_77 to %parallel_loop3A_78 step %parallel_loop3A_79  : i32 {
        %parallel_loop3A_99 = arith.constant 32 : i32
        %parallel_loop3A_100 = arith.muli %add3A_76, %parallel_loop3A_99 : i32
        %parallel_loop3A_101 = arith.constant 16 : i32
        %parallel_loop3A_102 = arith.muli %parallel_loop3A_98, %parallel_loop3A_101 : i32
        %parallel_loop3A_103 = arith.addi %parallel_loop3A_100, %parallel_loop3A_102 : i32
        %parallel_loop3A_104 = arith.index_cast %parallel_loop3A_103 : i32 to index
        %parallel_loop3A_105 = tpu.vector_load %arg10[%parallel_loop3A_104] {strides = array<i32>} : memref<3136xf32, #tpu.memory_space<vmem>>, vector<16xf32>,
        %parallel_loop3A_106 = arith.constant 6.553700e+04 : f32
        %parallel_loop3A_107 = vector.broadcast %parallel_loop3A_106 : f32 to vector<16xf32>
        %parallel_loop3A_108 = arith.mulf %parallel_loop3A_105, %parallel_loop3A_107 : vector<16xf32>
        %parallel_loop3A_109 = arith.subf %parallel_loop3A_108, %parallel_loop3A_105 : vector<16xf32>
        %parallel_loop3A_110 = arith.subf %parallel_loop3A_108, %parallel_loop3A_109 : vector<16xf32>
        %parallel_loop3A_111 = arith.index_cast %parallel_loop3A_103 : i32 to index
        %parallel_loop3A_112 = tpu.vector_load %arg11[%parallel_loop3A_111] {strides = array<i32>} : memref<3136xf32, #tpu.memory_space<vmem>>, vector<16xf32>,
        %parallel_loop3A_113 = arith.constant 6.553700e+04 : f32
        %parallel_loop3A_114 = vector.broadcast %parallel_loop3A_113 : f32 to vector<16xf32>
        %parallel_loop3A_115 = arith.mulf %parallel_loop3A_112, %parallel_loop3A_114 : vector<16xf32>
        %parallel_loop3A_116 = arith.subf %parallel_loop3A_115, %parallel_loop3A_112 : vector<16xf32>
        %parallel_loop3A_117 = arith.subf %parallel_loop3A_115, %parallel_loop3A_116 : vector<16xf32>
        %parallel_loop3A_118 = arith.index_cast %parallel_loop3A_103 : i32 to index
        %parallel_loop3A_119 = tpu.vector_load %arg12[%parallel_loop3A_118] {strides = array<i32>} : memref<3136xf32, #tpu.memory_space<vmem>>, vector<16xf32>,
        %parallel_loop3A_120 = arith.constant 6.553700e+04 : f32
        %parallel_loop3A_121 = vector.broadcast %parallel_loop3A_120 : f32 to vector<16xf32>
        %parallel_loop3A_122 = arith.mulf %parallel_loop3A_119, %parallel_loop3A_121 : vector<16xf32>
        %parallel_loop3A_123 = arith.subf %parallel_loop3A_122, %parallel_loop3A_119 : vector<16xf32>
        %parallel_loop3A_124 = arith.subf %parallel_loop3A_122, %parallel_loop3A_123 : vector<16xf32>
        %parallel_loop3A_125 = vector.broadcast %squeeze3A_32 : f32 to vector<16xf32>
        %parallel_loop3A_126 = arith.mulf %parallel_loop3A_125, %parallel_loop3A_110 : vector<16xf32>
        %parallel_loop3A_127 = vector.broadcast %squeeze3A_34 : f32 to vector<16xf32>
        %parallel_loop3A_128 = arith.mulf %parallel_loop3A_127, %parallel_loop3A_117 : vector<16xf32>
        %parallel_loop3A_129 = arith.addf %parallel_loop3A_126, %parallel_loop3A_128 : vector<16xf32>
        %parallel_loop3A_130 = vector.broadcast %squeeze3A_36 : f32 to vector<16xf32>
        %parallel_loop3A_131 = arith.mulf %parallel_loop3A_130, %parallel_loop3A_124 : vector<16xf32>
        %parallel_loop3A_132 = arith.addf %parallel_loop3A_129, %parallel_loop3A_131 : vector<16xf32>
        %parallel_loop3A_133 = vector.broadcast %squeeze3A_38 : f32 to vector<16xf32>
        %parallel_loop3A_134 = arith.addf %parallel_loop3A_132, %parallel_loop3A_133 : vector<16xf32>
        %parallel_loop3A_135 = vector.broadcast %squeeze3A_40 : f32 to vector<16xf32>
        %parallel_loop3A_136 = arith.mulf %parallel_loop3A_135, %parallel_loop3A_110 : vector<16xf32>
        %parallel_loop3A_137 = vector.broadcast %squeeze3A_42 : f32 to vector<16xf32>
        %parallel_loop3A_138 = arith.mulf %parallel_loop3A_137, %parallel_loop3A_117 : vector<16xf32>
        %parallel_loop3A_139 = arith.addf %parallel_loop3A_136, %parallel_loop3A_138 : vector<16xf32>
        %parallel_loop3A_140 = vector.broadcast %squeeze3A_44 : f32 to vector<16xf32>
        %parallel_loop3A_141 = arith.mulf %parallel_loop3A_140, %parallel_loop3A_124 : vector<16xf32>
        %parallel_loop3A_142 = arith.addf %parallel_loop3A_139, %parallel_loop3A_141 : vector<16xf32>
        %parallel_loop3A_143 = vector.broadcast %squeeze3A_46 : f32 to vector<16xf32>
        %parallel_loop3A_144 = arith.addf %parallel_loop3A_142, %parallel_loop3A_143 : vector<16xf32>
        %parallel_loop3A_145 = vector.broadcast %squeeze3A_48 : f32 to vector<16xf32>
        %parallel_loop3A_146 = arith.mulf %parallel_loop3A_145, %parallel_loop3A_110 : vector<16xf32>
        %parallel_loop3A_147 = vector.broadcast %squeeze3A_50 : f32 to vector<16xf32>
        %parallel_loop3A_148 = arith.mulf %parallel_loop3A_147, %parallel_loop3A_117 : vector<16xf32>
        %parallel_loop3A_149 = arith.addf %parallel_loop3A_146, %parallel_loop3A_148 : vector<16xf32>
        %parallel_loop3A_150 = vector.broadcast %squeeze3A_52 : f32 to vector<16xf32>
        %parallel_loop3A_151 = arith.mulf %parallel_loop3A_150, %parallel_loop3A_124 : vector<16xf32>
        %parallel_loop3A_152 = arith.addf %parallel_loop3A_149, %parallel_loop3A_151 : vector<16xf32>
        %parallel_loop3A_153 = vector.broadcast %squeeze3A_54 : f32 to vector<16xf32>
        %parallel_loop3A_154 = arith.addf %parallel_loop3A_152, %parallel_loop3A_153 : vector<16xf32>
        %parallel_loop3A_155 = arith.constant 6.553700e+04 : f32
        %parallel_loop3A_156 = vector.broadcast %parallel_loop3A_155 : f32 to vector<16xf32>
        %parallel_loop3A_157 = arith.mulf %parallel_loop3A_134, %parallel_loop3A_156 : vector<16xf32>
        %parallel_loop3A_158 = arith.subf %parallel_loop3A_157, %parallel_loop3A_134 : vector<16xf32>
        %parallel_loop3A_159 = arith.subf %parallel_loop3A_157, %parallel_loop3A_158 : vector<16xf32>
        %parallel_loop3A_160 = arith.constant 6.553700e+04 : f32
        %parallel_loop3A_161 = vector.broadcast %parallel_loop3A_160 : f32 to vector<16xf32>
        %parallel_loop3A_162 = arith.mulf %parallel_loop3A_144, %parallel_loop3A_161 : vector<16xf32>
        %parallel_loop3A_163 = arith.subf %parallel_loop3A_162, %parallel_loop3A_144 : vector<16xf32>
        %parallel_loop3A_164 = arith.subf %parallel_loop3A_162, %parallel_loop3A_163 : vector<16xf32>
        %parallel_loop3A_165 = arith.constant 6.553700e+04 : f32
        %parallel_loop3A_166 = vector.broadcast %parallel_loop3A_165 : f32 to vector<16xf32>
        %parallel_loop3A_167 = arith.mulf %parallel_loop3A_154, %parallel_loop3A_166 : vector<16xf32>
        %parallel_loop3A_168 = arith.subf %parallel_loop3A_167, %parallel_loop3A_154 : vector<16xf32>
        %parallel_loop3A_169 = arith.subf %parallel_loop3A_167, %parallel_loop3A_168 : vector<16xf32>
        %parallel_loop3A_170 = vector.broadcast %squeeze3A : f32 to vector<16xf32>
        %parallel_loop3A_171 = arith.mulf %parallel_loop3A_170, %parallel_loop3A_159 : vector<16xf32>
        %parallel_loop3A_172 = vector.broadcast %squeeze3A_16 : f32 to vector<16xf32>
        %parallel_loop3A_173 = arith.mulf %parallel_loop3A_172, %parallel_loop3A_164 : vector<16xf32>
        %parallel_loop3A_174 = arith.addf %parallel_loop3A_171, %parallel_loop3A_173 : vector<16xf32>
        %parallel_loop3A_175 = vector.broadcast %squeeze3A_18 : f32 to vector<16xf32>
        %parallel_loop3A_176 = arith.mulf %parallel_loop3A_175, %parallel_loop3A_169 : vector<16xf32>
        %parallel_loop3A_177 = arith.addf %parallel_loop3A_174, %parallel_loop3A_176 : vector<16xf32>
        %parallel_loop3A_178 = vector.broadcast %squeeze3A_20 : f32 to vector<16xf32>
        %parallel_loop3A_179 = arith.mulf %parallel_loop3A_178, %parallel_loop3A_159 : vector<16xf32>
        %parallel_loop3A_180 = vector.broadcast %squeeze3A_22 : f32 to vector<16xf32>
        %parallel_loop3A_181 = arith.mulf %parallel_loop3A_180, %parallel_loop3A_164 : vector<16xf32>
        %parallel_loop3A_182 = arith.addf %parallel_loop3A_179, %parallel_loop3A_181 : vector<16xf32>
        %parallel_loop3A_183 = vector.broadcast %squeeze3A_24 : f32 to vector<16xf32>
        %parallel_loop3A_184 = arith.mulf %parallel_loop3A_183, %parallel_loop3A_169 : vector<16xf32>
        %parallel_loop3A_185 = arith.addf %parallel_loop3A_182, %parallel_loop3A_184 : vector<16xf32>
        %parallel_loop3A_186 = vector.broadcast %squeeze3A_26 : f32 to vector<16xf32>
        %parallel_loop3A_187 = arith.mulf %parallel_loop3A_186, %parallel_loop3A_159 : vector<16xf32>
        %parallel_loop3A_188 = vector.broadcast %squeeze3A_28 : f32 to vector<16xf32>
        %parallel_loop3A_189 = arith.mulf %parallel_loop3A_188, %parallel_loop3A_164 : vector<16xf32>
        %parallel_loop3A_190 = arith.addf %parallel_loop3A_187, %parallel_loop3A_189 : vector<16xf32>
        %parallel_loop3A_191 = vector.broadcast %squeeze3A_30 : f32 to vector<16xf32>
        %parallel_loop3A_192 = arith.mulf %parallel_loop3A_191, %parallel_loop3A_169 : vector<16xf32>
        %parallel_loop3A_193 = arith.addf %parallel_loop3A_190, %parallel_loop3A_192 : vector<16xf32>
        %parallel_loop3A_194 = math.absf %parallel_loop3A_193 : vector<16xf32>
        %parallel_loop3A_195 = arith.constant 9.99999993E-9 : f32
        %parallel_loop3A_196 = vector.broadcast %parallel_loop3A_195 : f32 to vector<16xf32>
        %parallel_loop3A_197 = arith.cmpf olt, %parallel_loop3A_194, %parallel_loop3A_196 : vector<16xf32>
        %parallel_loop3A_198 = arith.constant 9.99999993E-9 : f32
        %parallel_loop3A_199 = vector.broadcast %parallel_loop3A_198 : f32 to vector<16xf32>
        %parallel_loop3A_200 = arith.select %parallel_loop3A_197, %parallel_loop3A_199, %parallel_loop3A_193 : vector<16xi1>, vector<16xf32>
        %parallel_loop3A_201 = arith.divf %parallel_loop3A_177, %parallel_loop3A_200 : vector<16xf32>
        %parallel_loop3A_202 = arith.divf %parallel_loop3A_185, %parallel_loop3A_200 : vector<16xf32>
        %parallel_loop3A_203 = vector.broadcast %scan3A_63 : f32 to vector<16xf32>
        %parallel_loop3A_204 = arith.divf %parallel_loop3A_201, %parallel_loop3A_203 : vector<16xf32>
        %parallel_loop3A_205 = arith.constant 2.000000e+00 : f32
        %parallel_loop3A_206 = vector.broadcast %parallel_loop3A_205 : f32 to vector<16xf32>
        %parallel_loop3A_207 = arith.mulf %parallel_loop3A_204, %parallel_loop3A_206 : vector<16xf32>
        %parallel_loop3A_208 = arith.constant 1.000000e+00 : f32
        %parallel_loop3A_209 = vector.broadcast %parallel_loop3A_208 : f32 to vector<16xf32>
        %parallel_loop3A_210 = arith.subf %parallel_loop3A_207, %parallel_loop3A_209 : vector<16xf32>
        %parallel_loop3A_211 = vector.broadcast %scan3A_64 : f32 to vector<16xf32>
        %parallel_loop3A_212 = arith.divf %parallel_loop3A_202, %parallel_loop3A_211 : vector<16xf32>
        %parallel_loop3A_213 = arith.constant 2.000000e+00 : f32
        %parallel_loop3A_214 = vector.broadcast %parallel_loop3A_213 : f32 to vector<16xf32>
        %parallel_loop3A_215 = arith.mulf %parallel_loop3A_212, %parallel_loop3A_214 : vector<16xf32>
        %parallel_loop3A_216 = arith.constant 1.000000e+00 : f32
        %parallel_loop3A_217 = vector.broadcast %parallel_loop3A_216 : f32 to vector<16xf32>
        %parallel_loop3A_218 = arith.subf %parallel_loop3A_215, %parallel_loop3A_217 : vector<16xf32>
        %parallel_loop3A_219 = arith.constant 1.000000e+00 : f32
        %parallel_loop3A_220 = vector.broadcast %parallel_loop3A_219 : f32 to vector<16xf32>
        %parallel_loop3A_221 = arith.addf %parallel_loop3A_210, %parallel_loop3A_220 : vector<16xf32>
        %parallel_loop3A_222 = arith.constant 1.000000e+00 : f32
        %parallel_loop3A_223 = arith.subf %scan3A_63, %parallel_loop3A_222 : f32
        %parallel_loop3A_224 = arith.constant 5.000000e-01 : f32
        %parallel_loop3A_225 = arith.mulf %parallel_loop3A_224, %parallel_loop3A_223 : f32
        %parallel_loop3A_226 = vector.broadcast %parallel_loop3A_225 : f32 to vector<16xf32>
        %parallel_loop3A_227 = arith.mulf %parallel_loop3A_221, %parallel_loop3A_226 : vector<16xf32>
        %parallel_loop3A_228 = arith.constant 1.000000e+00 : f32
        %parallel_loop3A_229 = vector.broadcast %parallel_loop3A_228 : f32 to vector<16xf32>
        %parallel_loop3A_230 = arith.addf %parallel_loop3A_218, %parallel_loop3A_229 : vector<16xf32>
        %parallel_loop3A_231 = arith.constant 1.000000e+00 : f32
        %parallel_loop3A_232 = arith.subf %scan3A_64, %parallel_loop3A_231 : f32
        %parallel_loop3A_233 = arith.constant 5.000000e-01 : f32
        %parallel_loop3A_234 = arith.mulf %parallel_loop3A_233, %parallel_loop3A_232 : f32
        %parallel_loop3A_235 = vector.broadcast %parallel_loop3A_234 : f32 to vector<16xf32>
        %parallel_loop3A_236 = arith.mulf %parallel_loop3A_230, %parallel_loop3A_235 : vector<16xf32>
        %parallel_loop3A_237 = arith.constant -1.000000e+06 : f32
        %parallel_loop3A_238 = arith.constant 1.000000e+06 : f32
        %parallel_loop3A_239 = vector.broadcast %parallel_loop3A_237 : f32 to vector<16xf32>
        %parallel_loop3A_240 = arith.maximumf %parallel_loop3A_239, %parallel_loop3A_227 : vector<16xf32>
        %parallel_loop3A_241 = vector.broadcast %parallel_loop3A_238 : f32 to vector<16xf32>
        %parallel_loop3A_242 = arith.minimumf %parallel_loop3A_241, %parallel_loop3A_240 : vector<16xf32>
        %parallel_loop3A_243 = arith.constant -1.000000e+06 : f32
        %parallel_loop3A_244 = arith.constant 1.000000e+06 : f32
        %parallel_loop3A_245 = vector.broadcast %parallel_loop3A_243 : f32 to vector<16xf32>
        %parallel_loop3A_246 = arith.maximumf %parallel_loop3A_245, %parallel_loop3A_236 : vector<16xf32>
        %parallel_loop3A_247 = vector.broadcast %parallel_loop3A_244 : f32 to vector<16xf32>
        %parallel_loop3A_248 = arith.minimumf %parallel_loop3A_247, %parallel_loop3A_246 : vector<16xf32>
        %parallel_loop3A_249 = arith.fptosi %parallel_loop3A_242 : vector<16xf32> to vector<16xi32>
        %parallel_loop3A_250 = arith.fptosi %parallel_loop3A_248 : vector<16xf32> to vector<16xi32>
        %parallel_loop3A_251 = arith.sitofp %parallel_loop3A_249 : vector<16xi32> to vector<16xf32>
        %parallel_loop3A_252 = arith.cmpf ogt, %parallel_loop3A_251, %parallel_loop3A_242 : vector<16xf32>
        %parallel_loop3A_253 = arith.constant 1 : i32
        %parallel_loop3A_254 = vector.broadcast %parallel_loop3A_253 : i32 to vector<16xi32>
        %parallel_loop3A_255 = arith.subi %parallel_loop3A_249, %parallel_loop3A_254 : vector<16xi32>
        %parallel_loop3A_256 = arith.select %parallel_loop3A_252, %parallel_loop3A_255, %parallel_loop3A_249 : vector<16xi1>, vector<16xi32>
        %parallel_loop3A_257 = arith.sitofp %parallel_loop3A_250 : vector<16xi32> to vector<16xf32>
        %parallel_loop3A_258 = arith.cmpf ogt, %parallel_loop3A_257, %parallel_loop3A_248 : vector<16xf32>
        %parallel_loop3A_259 = arith.constant 1 : i32
        %parallel_loop3A_260 = vector.broadcast %parallel_loop3A_259 : i32 to vector<16xi32>
        %parallel_loop3A_261 = arith.subi %parallel_loop3A_250, %parallel_loop3A_260 : vector<16xi32>
        %parallel_loop3A_262 = arith.select %parallel_loop3A_258, %parallel_loop3A_261, %parallel_loop3A_250 : vector<16xi1>, vector<16xi32>
        %parallel_loop3A_263 = arith.constant 1 : i32
        %parallel_loop3A_264 = vector.broadcast %parallel_loop3A_263 : i32 to vector<16xi32>
        %parallel_loop3A_265 = arith.addi %parallel_loop3A_256, %parallel_loop3A_264 : vector<16xi32>
        %parallel_loop3A_266 = arith.constant 1 : i32
        %parallel_loop3A_267 = vector.broadcast %parallel_loop3A_266 : i32 to vector<16xi32>
        %parallel_loop3A_268 = arith.addi %parallel_loop3A_262, %parallel_loop3A_267 : vector<16xi32>
        %parallel_loop3A_269 = arith.sitofp %parallel_loop3A_256 : vector<16xi32> to vector<16xf32>
        %parallel_loop3A_270 = arith.subf %parallel_loop3A_242, %parallel_loop3A_269 : vector<16xf32>
        %parallel_loop3A_271 = arith.constant 1.000000e+00 : f32
        %parallel_loop3A_272 = vector.broadcast %parallel_loop3A_271 : f32 to vector<16xf32>
        %parallel_loop3A_273 = arith.subf %parallel_loop3A_272, %parallel_loop3A_270 : vector<16xf32>
        %parallel_loop3A_274 = arith.sitofp %parallel_loop3A_262 : vector<16xi32> to vector<16xf32>
        %parallel_loop3A_275 = arith.subf %parallel_loop3A_248, %parallel_loop3A_274 : vector<16xf32>
        %parallel_loop3A_276 = arith.constant 1.000000e+00 : f32
        %parallel_loop3A_277 = vector.broadcast %parallel_loop3A_276 : f32 to vector<16xf32>
        %parallel_loop3A_278 = arith.subf %parallel_loop3A_277, %parallel_loop3A_275 : vector<16xf32>
        %parallel_loop3A_279 = arith.constant 0 : i32
        %parallel_loop3A_280 = vector.broadcast %parallel_loop3A_279 : i32 to vector<16xi32>
        %parallel_loop3A_281 = arith.cmpi sge, %parallel_loop3A_256, %parallel_loop3A_280 : vector<16xi32>
        %parallel_loop3A_282 = arith.constant 175 : i32
        %parallel_loop3A_283 = vector.broadcast %parallel_loop3A_282 : i32 to vector<16xi32>
        %parallel_loop3A_284 = arith.cmpi sle, %parallel_loop3A_256, %parallel_loop3A_283 : vector<16xi32>
        %parallel_loop3A_285 = arith.andi %parallel_loop3A_281, %parallel_loop3A_284 : vector<16xi1>
        %parallel_loop3A_286 = vector.broadcast %scan3A_65 : f32 to vector<16xf32>
        %parallel_loop3A_287 = vector.broadcast %scan3A_66 : f32 to vector<16xf32>
        %parallel_loop3A_288 = arith.select %parallel_loop3A_285, %parallel_loop3A_286, %parallel_loop3A_287 : vector<16xi1>, vector<16xf32>
        %parallel_loop3A_289 = arith.mulf %parallel_loop3A_273, %parallel_loop3A_288 : vector<16xf32>
        %parallel_loop3A_290 = arith.constant 0 : i32
        %parallel_loop3A_291 = vector.broadcast %parallel_loop3A_290 : i32 to vector<16xi32>
        %parallel_loop3A_292 = arith.cmpi sge, %parallel_loop3A_265, %parallel_loop3A_291 : vector<16xi32>
        %parallel_loop3A_293 = arith.constant 175 : i32
        %parallel_loop3A_294 = vector.broadcast %parallel_loop3A_293 : i32 to vector<16xi32>
        %parallel_loop3A_295 = arith.cmpi sle, %parallel_loop3A_265, %parallel_loop3A_294 : vector<16xi32>
        %parallel_loop3A_296 = arith.andi %parallel_loop3A_292, %parallel_loop3A_295 : vector<16xi1>
        %parallel_loop3A_297 = vector.broadcast %scan3A_65 : f32 to vector<16xf32>
        %parallel_loop3A_298 = vector.broadcast %scan3A_66 : f32 to vector<16xf32>
        %parallel_loop3A_299 = arith.select %parallel_loop3A_296, %parallel_loop3A_297, %parallel_loop3A_298 : vector<16xi1>, vector<16xf32>
        %parallel_loop3A_300 = arith.mulf %parallel_loop3A_270, %parallel_loop3A_299 : vector<16xf32>
        %parallel_loop3A_301 = arith.constant 0 : i32
        %parallel_loop3A_302 = vector.broadcast %parallel_loop3A_301 : i32 to vector<16xi32>
        %parallel_loop3A_303 = arith.cmpi sge, %parallel_loop3A_262, %parallel_loop3A_302 : vector<16xi32>
        %parallel_loop3A_304 = arith.constant 63 : i32
        %parallel_loop3A_305 = vector.broadcast %parallel_loop3A_304 : i32 to vector<16xi32>
        %parallel_loop3A_306 = arith.cmpi sle, %parallel_loop3A_262, %parallel_loop3A_305 : vector<16xi32>
        %parallel_loop3A_307 = arith.andi %parallel_loop3A_303, %parallel_loop3A_306 : vector<16xi1>
        %parallel_loop3A_308 = vector.broadcast %scan3A_65 : f32 to vector<16xf32>
        %parallel_loop3A_309 = vector.broadcast %scan3A_66 : f32 to vector<16xf32>
        %parallel_loop3A_310 = arith.select %parallel_loop3A_307, %parallel_loop3A_308, %parallel_loop3A_309 : vector<16xi1>, vector<16xf32>
        %parallel_loop3A_311 = arith.mulf %parallel_loop3A_278, %parallel_loop3A_310 : vector<16xf32>
        %parallel_loop3A_312 = arith.constant 0 : i32
        %parallel_loop3A_313 = vector.broadcast %parallel_loop3A_312 : i32 to vector<16xi32>
        %parallel_loop3A_314 = arith.cmpi sge, %parallel_loop3A_268, %parallel_loop3A_313 : vector<16xi32>
        %parallel_loop3A_315 = arith.constant 63 : i32
        %parallel_loop3A_316 = vector.broadcast %parallel_loop3A_315 : i32 to vector<16xi32>
        %parallel_loop3A_317 = arith.cmpi sle, %parallel_loop3A_268, %parallel_loop3A_316 : vector<16xi32>
        %parallel_loop3A_318 = arith.andi %parallel_loop3A_314, %parallel_loop3A_317 : vector<16xi1>
        %parallel_loop3A_319 = vector.broadcast %scan3A_65 : f32 to vector<16xf32>
        %parallel_loop3A_320 = vector.broadcast %scan3A_66 : f32 to vector<16xf32>
        %parallel_loop3A_321 = arith.select %parallel_loop3A_318, %parallel_loop3A_319, %parallel_loop3A_320 : vector<16xi1>, vector<16xf32>
        %parallel_loop3A_322 = arith.mulf %parallel_loop3A_275, %parallel_loop3A_321 : vector<16xf32>
        %parallel_loop3A_323 = arith.constant 0 : i32
        %parallel_loop3A_324 = arith.constant 174 : i32
        %parallel_loop3A_325 = vector.broadcast %parallel_loop3A_323 : i32 to vector<16xi32>
        %parallel_loop3A_326 = arith.maxsi %parallel_loop3A_325, %parallel_loop3A_256 : vector<16xi32>
        %parallel_loop3A_327 = vector.broadcast %parallel_loop3A_324 : i32 to vector<16xi32>
        %parallel_loop3A_328 = arith.minsi %parallel_loop3A_327, %parallel_loop3A_326 : vector<16xi32>
        %parallel_loop3A_329 = arith.constant 0 : i32
        %parallel_loop3A_330 = arith.constant 62 : i32
        %parallel_loop3A_331 = vector.broadcast %parallel_loop3A_329 : i32 to vector<16xi32>
        %parallel_loop3A_332 = arith.maxsi %parallel_loop3A_331, %parallel_loop3A_262 : vector<16xi32>
        %parallel_loop3A_333 = vector.broadcast %parallel_loop3A_330 : i32 to vector<16xi32>
        %parallel_loop3A_334 = arith.minsi %parallel_loop3A_333, %parallel_loop3A_332 : vector<16xi32>
        %parallel_loop3A_335 = arith.cmpi eq, %parallel_loop3A_256, %parallel_loop3A_328 : vector<16xi32>
        %parallel_loop3A_336 = vector.broadcast %scan3A_66 : f32 to vector<16xf32>
        %parallel_loop3A_337 = arith.select %parallel_loop3A_335, %parallel_loop3A_289, %parallel_loop3A_336 : vector<16xi1>, vector<16xf32>
        %parallel_loop3A_338 = arith.cmpi eq, %parallel_loop3A_265, %parallel_loop3A_328 : vector<16xi32>
        %parallel_loop3A_339 = vector.broadcast %scan3A_66 : f32 to vector<16xf32>
        %parallel_loop3A_340 = arith.select %parallel_loop3A_338, %parallel_loop3A_300, %parallel_loop3A_339 : vector<16xi1>, vector<16xf32>
        %parallel_loop3A_341 = arith.addf %parallel_loop3A_337, %parallel_loop3A_340 : vector<16xf32>
        %parallel_loop3A_342 = arith.constant 1 : i32
        %parallel_loop3A_343 = vector.broadcast %parallel_loop3A_342 : i32 to vector<16xi32>
        %parallel_loop3A_344 = arith.addi %parallel_loop3A_328, %parallel_loop3A_343 : vector<16xi32>
        %parallel_loop3A_345 = arith.cmpi eq, %parallel_loop3A_256, %parallel_loop3A_344 : vector<16xi32>
        %parallel_loop3A_346 = vector.broadcast %scan3A_66 : f32 to vector<16xf32>
        %parallel_loop3A_347 = arith.select %parallel_loop3A_345, %parallel_loop3A_289, %parallel_loop3A_346 : vector<16xi1>, vector<16xf32>
        %parallel_loop3A_348 = arith.constant 1 : i32
        %parallel_loop3A_349 = vector.broadcast %parallel_loop3A_348 : i32 to vector<16xi32>
        %parallel_loop3A_350 = arith.addi %parallel_loop3A_328, %parallel_loop3A_349 : vector<16xi32>
        %parallel_loop3A_351 = arith.cmpi eq, %parallel_loop3A_265, %parallel_loop3A_350 : vector<16xi32>
        %parallel_loop3A_352 = vector.broadcast %scan3A_66 : f32 to vector<16xf32>
        %parallel_loop3A_353 = arith.select %parallel_loop3A_351, %parallel_loop3A_300, %parallel_loop3A_352 : vector<16xi1>, vector<16xf32>
        %parallel_loop3A_354 = arith.addf %parallel_loop3A_347, %parallel_loop3A_353 : vector<16xf32>
        %parallel_loop3A_355 = arith.cmpi eq, %parallel_loop3A_262, %parallel_loop3A_334 : vector<16xi32>
        %parallel_loop3A_356 = vector.broadcast %scan3A_66 : f32 to vector<16xf32>
        %parallel_loop3A_357 = arith.select %parallel_loop3A_355, %parallel_loop3A_311, %parallel_loop3A_356 : vector<16xi1>, vector<16xf32>
        %parallel_loop3A_358 = arith.cmpi eq, %parallel_loop3A_268, %parallel_loop3A_334 : vector<16xi32>
        %parallel_loop3A_359 = vector.broadcast %scan3A_66 : f32 to vector<16xf32>
        %parallel_loop3A_360 = arith.select %parallel_loop3A_358, %parallel_loop3A_322, %parallel_loop3A_359 : vector<16xi1>, vector<16xf32>
        %parallel_loop3A_361 = arith.addf %parallel_loop3A_357, %parallel_loop3A_360 : vector<16xf32>
        %parallel_loop3A_362 = arith.constant 1 : i32
        %parallel_loop3A_363 = vector.broadcast %parallel_loop3A_362 : i32 to vector<16xi32>
        %parallel_loop3A_364 = arith.addi %parallel_loop3A_334, %parallel_loop3A_363 : vector<16xi32>
        %parallel_loop3A_365 = arith.cmpi eq, %parallel_loop3A_262, %parallel_loop3A_364 : vector<16xi32>
        %parallel_loop3A_366 = vector.broadcast %scan3A_66 : f32 to vector<16xf32>
        %parallel_loop3A_367 = arith.select %parallel_loop3A_365, %parallel_loop3A_311, %parallel_loop3A_366 : vector<16xi1>, vector<16xf32>
        %parallel_loop3A_368 = arith.constant 1 : i32
        %parallel_loop3A_369 = vector.broadcast %parallel_loop3A_368 : i32 to vector<16xi32>
        %parallel_loop3A_370 = arith.addi %parallel_loop3A_334, %parallel_loop3A_369 : vector<16xi32>
        %parallel_loop3A_371 = arith.cmpi eq, %parallel_loop3A_268, %parallel_loop3A_370 : vector<16xi32>
        %parallel_loop3A_372 = vector.broadcast %scan3A_66 : f32 to vector<16xf32>
        %parallel_loop3A_373 = arith.select %parallel_loop3A_371, %parallel_loop3A_322, %parallel_loop3A_372 : vector<16xi1>, vector<16xf32>
        %parallel_loop3A_374 = arith.addf %parallel_loop3A_367, %parallel_loop3A_373 : vector<16xf32>
        %parallel_loop3A_375 = arith.constant 16 : i32
        %parallel_loop3A_376 = arith.muli %parallel_loop3A_98, %parallel_loop3A_375 : i32
        %parallel_loop3A_377 = arith.constant 176 : i32
        %parallel_loop3A_378 = vector.broadcast %parallel_loop3A_377 : i32 to vector<16xi32>
        %parallel_loop3A_379 = arith.muli %parallel_loop3A_334, %parallel_loop3A_378 : vector<16xi32>
        %parallel_loop3A_380 = arith.addi %parallel_loop3A_379, %parallel_loop3A_328 : vector<16xi32>
        %parallel_loop3A_381 = arith.index_cast %parallel_loop3A_376 : i32 to index
        %parallel_loop3A_382 = tpu.vector_load %arg17[%parallel_loop3A_381] {strides = array<i32>} : memref<32xi32, #tpu.memory_space<vmem>>, vector<16xi32>,
        tpu.vector_store %arg17[%parallel_loop3A_381], %parallel_loop3A_380 {strides = array<i32>} : memref<32xi32, #tpu.memory_space<vmem>>, vector<16xi32>,
        %parallel_loop3A_383 = arith.mulf %parallel_loop3A_361, %parallel_loop3A_341 : vector<16xf32>
        %parallel_loop3A_384 = arith.index_cast %parallel_loop3A_376 : i32 to index
        %parallel_loop3A_385 = tpu.vector_load %arg22[%parallel_loop3A_384] {strides = array<i32>} : memref<48xf32, #tpu.memory_space<vmem>>, vector<16xf32>,
        tpu.vector_store %arg22[%parallel_loop3A_384], %parallel_loop3A_383 {strides = array<i32>} : memref<48xf32, #tpu.memory_space<vmem>>, vector<16xf32>,
        %parallel_loop3A_386 = arith.mulf %parallel_loop3A_361, %parallel_loop3A_354 : vector<16xf32>
        %parallel_loop3A_387 = arith.index_cast %parallel_loop3A_376 : i32 to index
        %parallel_loop3A_388 = tpu.vector_load %arg23[%parallel_loop3A_387] {strides = array<i32>} : memref<48xf32, #tpu.memory_space<vmem>>, vector<16xf32>,
        tpu.vector_store %arg23[%parallel_loop3A_387], %parallel_loop3A_386 {strides = array<i32>} : memref<48xf32, #tpu.memory_space<vmem>>, vector<16xf32>,
        %parallel_loop3A_389 = arith.mulf %parallel_loop3A_374, %parallel_loop3A_341 : vector<16xf32>
        %parallel_loop3A_390 = arith.index_cast %parallel_loop3A_376 : i32 to index
        %parallel_loop3A_391 = tpu.vector_load %arg24[%parallel_loop3A_390] {strides = array<i32>} : memref<48xf32, #tpu.memory_space<vmem>>, vector<16xf32>,
        tpu.vector_store %arg24[%parallel_loop3A_390], %parallel_loop3A_389 {strides = array<i32>} : memref<48xf32, #tpu.memory_space<vmem>>, vector<16xf32>,
        %parallel_loop3A_392 = arith.mulf %parallel_loop3A_374, %parallel_loop3A_354 : vector<16xf32>
        %parallel_loop3A_393 = arith.index_cast %parallel_loop3A_376 : i32 to index
        %parallel_loop3A_394 = tpu.vector_load %arg25[%parallel_loop3A_393] {strides = array<i32>} : memref<48xf32, #tpu.memory_space<vmem>>, vector<16xf32>,
        tpu.vector_store %arg25[%parallel_loop3A_393], %parallel_loop3A_392 {strides = array<i32>} : memref<48xf32, #tpu.memory_space<vmem>>, vector<16xf32>,
        %parallel_loop3A_395 = arith.constant 0.000000e+00 : f32
        %parallel_loop3A_396 = vector.broadcast %parallel_loop3A_395 : f32 to vector<16xf32>
        %parallel_loop3A_397 = arith.cmpf ogt, %parallel_loop3A_154, %parallel_loop3A_396 : vector<16xf32>
        %parallel_loop3A_398 = arith.constant 1 : i32
        %parallel_loop3A_399 = arith.constant 0 : i32
        %parallel_loop3A_400 = vector.broadcast %parallel_loop3A_398 : i32 to vector<16xi32>
        %parallel_loop3A_401 = vector.broadcast %parallel_loop3A_399 : i32 to vector<16xi32>
        %parallel_loop3A_402 = arith.select %parallel_loop3A_397, %parallel_loop3A_400, %parallel_loop3A_401 : vector<16xi1>, vector<16xi32>
        %parallel_loop3A_403 = arith.index_cast %parallel_loop3A_103 : i32 to index
        %parallel_loop3A_404 = tpu.vector_load %arg15[%parallel_loop3A_403] {strides = array<i32>} : memref<3136xi32, #tpu.memory_space<vmem>>, vector<16xi32>,
        tpu.vector_store %arg15[%parallel_loop3A_403], %parallel_loop3A_402 {strides = array<i32>} : memref<3136xi32, #tpu.memory_space<vmem>>, vector<16xi32>,
      } {sc.loop_unroll_factor = 2 : i64, sc.parallel_access}
      %dma_start3A_80 = arith.constant 0 : i32
      %dma_start3A_81 = arith.constant 0 : i32
      %dma_start3A_82 = tpu.memref_slice %arg2[%dma_start3A_80, %dma_start3A_81] : memref<11264x512xi32, #tpu.memory_space<hbm>> -> memref<11264x512xi32, #tpu.memory_space<hbm>>
      tpu.enqueue_indirect_dma source(%dma_start3A_82 : memref<11264x512xi32, #tpu.memory_space<hbm>>) target(%arg27 : memref<32x512xi32, #tpu.memory_space<vmem>>) offsets(%arg17 : memref<32xi32, #tpu.memory_space<vmem>>) semaphore(%arg31 : memref<!tpu.dma_semaphore, #tpu.memory_space<semaphore_mem>>)
      %dma_wait3A = arith.constant 0 : i32
      %dma_wait3A_83 = arith.constant 0 : i32
      %dma_wait3A_84 = tpu.memref_slice %arg2[%dma_wait3A, %dma_wait3A_83] : memref<11264x512xi32, #tpu.memory_space<hbm>> -> memref<11264x512xi32, #tpu.memory_space<hbm>>
      tpu.wait_indirect_dma semaphore(%arg30 : memref<!tpu.dma_semaphore, #tpu.memory_space<semaphore_mem>>) src(%dma_wait3A_84 : memref<11264x512xi32, #tpu.memory_space<hbm>>) dst(%arg26 : memref<32x512xi32, #tpu.memory_space<vmem>>)
      %mul3A_85 = arith.constant 32 : i32
      %mul3A_86 = arith.muli %mul3A_74, %mul3A_85 : i32
      %add3A_87 = arith.addi %mul3A_2, %mul3A_86 : i32
      "tpu.region"() ({
        %run_scoped3A = tpu.sem_alloc : memref<!tpu.dma_semaphore, #tpu.memory_space<semaphore_mem>>
        %dma_start3A_98 = arith.constant 0 : i32
        %dma_start3A_99 = tpu.memref_slice %arg8[%add3A_87, %dma_start3A_98] : memref<100352x128xi32, #tpu.memory_space<hbm>> -> memref<32x128xi32, #tpu.memory_space<hbm>>
        %dma_start3A_100 = arith.constant 0 : i32
        %dma_start3A_101 = tpu.memref_slice %arg8[%add3A_87, %dma_start3A_100] : memref<100352x128xi32, #tpu.memory_space<hbm>> -> memref<32x128xi32, #tpu.memory_space<hbm>>
        tpu.enqueue_dma source(%arg28 : memref<32x128xi32, #tpu.memory_space<vmem>>) target(%dma_start3A_101 : memref<32x128xi32, #tpu.memory_space<hbm>>) target_semaphore(%run_scoped3A : memref<!tpu.dma_semaphore, #tpu.memory_space<semaphore_mem>>)
        %dma_wait3A_102 = arith.constant 0 : i32
        %dma_wait3A_103 = tpu.memref_slice %arg8[%add3A_87, %dma_wait3A_102] : memref<100352x128xi32, #tpu.memory_space<hbm>> -> memref<32x128xi32, #tpu.memory_space<hbm>>
        %dma_wait3A_104 = arith.constant 0 : i32
        %dma_wait3A_105 = tpu.memref_slice %arg8[%add3A_87, %dma_wait3A_104] : memref<100352x128xi32, #tpu.memory_space<hbm>> -> memref<32x128xi32, #tpu.memory_space<hbm>>
        tpu.wait_dma2 semaphore(%run_scoped3A : memref<!tpu.dma_semaphore, #tpu.memory_space<semaphore_mem>>) src(%arg28 : memref<32x128xi32, #tpu.memory_space<vmem>>) dst(%dma_wait3A_105 : memref<32x128xi32, #tpu.memory_space<hbm>>)
        tpu.yield
      }) : () -> ()
      %lt3A = arith.constant 48 : i32
      %lt3A_88 = arith.cmpi slt, %scan3A_72, %lt3A : i32
      %convert_element_type3A = arith.extui %lt3A_88 : i1 to i32
      %cond3A = arith.constant 0 : i32
      %cond3A_89 = arith.cmpi ne, %convert_element_type3A, %cond3A : i32
      scf.if %cond3A_89 {
        %add3A_98 = arith.constant 2 : i32
        %add3A_99 = arith.addi %mul3A_74, %add3A_98 : i32
        %parallel_loop3A_100 = arith.constant 0 : i32
        %parallel_loop3A_101 = arith.constant 2 : i32
        %parallel_loop3A_102 = arith.constant 1 : i32
        scf.for %parallel_loop3A_106 = %parallel_loop3A_100 to %parallel_loop3A_101 step %parallel_loop3A_102  : i32 {
          %parallel_loop3A_107 = arith.constant 32 : i32
          %parallel_loop3A_108 = arith.muli %add3A_99, %parallel_loop3A_107 : i32
          %parallel_loop3A_109 = arith.constant 16 : i32
          %parallel_loop3A_110 = arith.muli %parallel_loop3A_106, %parallel_loop3A_109 : i32
          %parallel_loop3A_111 = arith.addi %parallel_loop3A_108, %parallel_loop3A_110 : i32
          %parallel_loop3A_112 = arith.index_cast %parallel_loop3A_111 : i32 to index
          %parallel_loop3A_113 = tpu.vector_load %arg10[%parallel_loop3A_112] {strides = array<i32>} : memref<3136xf32, #tpu.memory_space<vmem>>, vector<16xf32>,
          %parallel_loop3A_114 = arith.constant 6.553700e+04 : f32
          %parallel_loop3A_115 = vector.broadcast %parallel_loop3A_114 : f32 to vector<16xf32>
          %parallel_loop3A_116 = arith.mulf %parallel_loop3A_113, %parallel_loop3A_115 : vector<16xf32>
          %parallel_loop3A_117 = arith.subf %parallel_loop3A_116, %parallel_loop3A_113 : vector<16xf32>
          %parallel_loop3A_118 = arith.subf %parallel_loop3A_116, %parallel_loop3A_117 : vector<16xf32>
          %parallel_loop3A_119 = arith.index_cast %parallel_loop3A_111 : i32 to index
          %parallel_loop3A_120 = tpu.vector_load %arg11[%parallel_loop3A_119] {strides = array<i32>} : memref<3136xf32, #tpu.memory_space<vmem>>, vector<16xf32>,
          %parallel_loop3A_121 = arith.constant 6.553700e+04 : f32
          %parallel_loop3A_122 = vector.broadcast %parallel_loop3A_121 : f32 to vector<16xf32>
          %parallel_loop3A_123 = arith.mulf %parallel_loop3A_120, %parallel_loop3A_122 : vector<16xf32>
          %parallel_loop3A_124 = arith.subf %parallel_loop3A_123, %parallel_loop3A_120 : vector<16xf32>
          %parallel_loop3A_125 = arith.subf %parallel_loop3A_123, %parallel_loop3A_124 : vector<16xf32>
          %parallel_loop3A_126 = arith.index_cast %parallel_loop3A_111 : i32 to index
          %parallel_loop3A_127 = tpu.vector_load %arg12[%parallel_loop3A_126] {strides = array<i32>} : memref<3136xf32, #tpu.memory_space<vmem>>, vector<16xf32>,
          %parallel_loop3A_128 = arith.constant 6.553700e+04 : f32
          %parallel_loop3A_129 = vector.broadcast %parallel_loop3A_128 : f32 to vector<16xf32>
          %parallel_loop3A_130 = arith.mulf %parallel_loop3A_127, %parallel_loop3A_129 : vector<16xf32>
          %parallel_loop3A_131 = arith.subf %parallel_loop3A_130, %parallel_loop3A_127 : vector<16xf32>
          %parallel_loop3A_132 = arith.subf %parallel_loop3A_130, %parallel_loop3A_131 : vector<16xf32>
          %parallel_loop3A_133 = vector.broadcast %squeeze3A_32 : f32 to vector<16xf32>
          %parallel_loop3A_134 = arith.mulf %parallel_loop3A_133, %parallel_loop3A_118 : vector<16xf32>
          %parallel_loop3A_135 = vector.broadcast %squeeze3A_34 : f32 to vector<16xf32>
          %parallel_loop3A_136 = arith.mulf %parallel_loop3A_135, %parallel_loop3A_125 : vector<16xf32>
          %parallel_loop3A_137 = arith.addf %parallel_loop3A_134, %parallel_loop3A_136 : vector<16xf32>
          %parallel_loop3A_138 = vector.broadcast %squeeze3A_36 : f32 to vector<16xf32>
          %parallel_loop3A_139 = arith.mulf %parallel_loop3A_138, %parallel_loop3A_132 : vector<16xf32>
          %parallel_loop3A_140 = arith.addf %parallel_loop3A_137, %parallel_loop3A_139 : vector<16xf32>
          %parallel_loop3A_141 = vector.broadcast %squeeze3A_38 : f32 to vector<16xf32>
          %parallel_loop3A_142 = arith.addf %parallel_loop3A_140, %parallel_loop3A_141 : vector<16xf32>
          %parallel_loop3A_143 = vector.broadcast %squeeze3A_40 : f32 to vector<16xf32>
          %parallel_loop3A_144 = arith.mulf %parallel_loop3A_143, %parallel_loop3A_118 : vector<16xf32>
          %parallel_loop3A_145 = vector.broadcast %squeeze3A_42 : f32 to vector<16xf32>
          %parallel_loop3A_146 = arith.mulf %parallel_loop3A_145, %parallel_loop3A_125 : vector<16xf32>
          %parallel_loop3A_147 = arith.addf %parallel_loop3A_144, %parallel_loop3A_146 : vector<16xf32>
          %parallel_loop3A_148 = vector.broadcast %squeeze3A_44 : f32 to vector<16xf32>
          %parallel_loop3A_149 = arith.mulf %parallel_loop3A_148, %parallel_loop3A_132 : vector<16xf32>
          %parallel_loop3A_150 = arith.addf %parallel_loop3A_147, %parallel_loop3A_149 : vector<16xf32>
          %parallel_loop3A_151 = vector.broadcast %squeeze3A_46 : f32 to vector<16xf32>
          %parallel_loop3A_152 = arith.addf %parallel_loop3A_150, %parallel_loop3A_151 : vector<16xf32>
          %parallel_loop3A_153 = vector.broadcast %squeeze3A_48 : f32 to vector<16xf32>
          %parallel_loop3A_154 = arith.mulf %parallel_loop3A_153, %parallel_loop3A_118 : vector<16xf32>
          %parallel_loop3A_155 = vector.broadcast %squeeze3A_50 : f32 to vector<16xf32>
          %parallel_loop3A_156 = arith.mulf %parallel_loop3A_155, %parallel_loop3A_125 : vector<16xf32>
          %parallel_loop3A_157 = arith.addf %parallel_loop3A_154, %parallel_loop3A_156 : vector<16xf32>
          %parallel_loop3A_158 = vector.broadcast %squeeze3A_52 : f32 to vector<16xf32>
          %parallel_loop3A_159 = arith.mulf %parallel_loop3A_158, %parallel_loop3A_132 : vector<16xf32>
          %parallel_loop3A_160 = arith.addf %parallel_loop3A_157, %parallel_loop3A_159 : vector<16xf32>
          %parallel_loop3A_161 = vector.broadcast %squeeze3A_54 : f32 to vector<16xf32>
          %parallel_loop3A_162 = arith.addf %parallel_loop3A_160, %parallel_loop3A_161 : vector<16xf32>
          %parallel_loop3A_163 = arith.constant 6.553700e+04 : f32
          %parallel_loop3A_164 = vector.broadcast %parallel_loop3A_163 : f32 to vector<16xf32>
          %parallel_loop3A_165 = arith.mulf %parallel_loop3A_142, %parallel_loop3A_164 : vector<16xf32>
          %parallel_loop3A_166 = arith.subf %parallel_loop3A_165, %parallel_loop3A_142 : vector<16xf32>
          %parallel_loop3A_167 = arith.subf %parallel_loop3A_165, %parallel_loop3A_166 : vector<16xf32>
          %parallel_loop3A_168 = arith.constant 6.553700e+04 : f32
          %parallel_loop3A_169 = vector.broadcast %parallel_loop3A_168 : f32 to vector<16xf32>
          %parallel_loop3A_170 = arith.mulf %parallel_loop3A_152, %parallel_loop3A_169 : vector<16xf32>
          %parallel_loop3A_171 = arith.subf %parallel_loop3A_170, %parallel_loop3A_152 : vector<16xf32>
          %parallel_loop3A_172 = arith.subf %parallel_loop3A_170, %parallel_loop3A_171 : vector<16xf32>
          %parallel_loop3A_173 = arith.constant 6.553700e+04 : f32
          %parallel_loop3A_174 = vector.broadcast %parallel_loop3A_173 : f32 to vector<16xf32>
          %parallel_loop3A_175 = arith.mulf %parallel_loop3A_162, %parallel_loop3A_174 : vector<16xf32>
          %parallel_loop3A_176 = arith.subf %parallel_loop3A_175, %parallel_loop3A_162 : vector<16xf32>
          %parallel_loop3A_177 = arith.subf %parallel_loop3A_175, %parallel_loop3A_176 : vector<16xf32>
          %parallel_loop3A_178 = vector.broadcast %squeeze3A : f32 to vector<16xf32>
          %parallel_loop3A_179 = arith.mulf %parallel_loop3A_178, %parallel_loop3A_167 : vector<16xf32>
          %parallel_loop3A_180 = vector.broadcast %squeeze3A_16 : f32 to vector<16xf32>
          %parallel_loop3A_181 = arith.mulf %parallel_loop3A_180, %parallel_loop3A_172 : vector<16xf32>
          %parallel_loop3A_182 = arith.addf %parallel_loop3A_179, %parallel_loop3A_181 : vector<16xf32>
          %parallel_loop3A_183 = vector.broadcast %squeeze3A_18 : f32 to vector<16xf32>
          %parallel_loop3A_184 = arith.mulf %parallel_loop3A_183, %parallel_loop3A_177 : vector<16xf32>
          %parallel_loop3A_185 = arith.addf %parallel_loop3A_182, %parallel_loop3A_184 : vector<16xf32>
          %parallel_loop3A_186 = vector.broadcast %squeeze3A_20 : f32 to vector<16xf32>
          %parallel_loop3A_187 = arith.mulf %parallel_loop3A_186, %parallel_loop3A_167 : vector<16xf32>
          %parallel_loop3A_188 = vector.broadcast %squeeze3A_22 : f32 to vector<16xf32>
          %parallel_loop3A_189 = arith.mulf %parallel_loop3A_188, %parallel_loop3A_172 : vector<16xf32>
          %parallel_loop3A_190 = arith.addf %parallel_loop3A_187, %parallel_loop3A_189 : vector<16xf32>
          %parallel_loop3A_191 = vector.broadcast %squeeze3A_24 : f32 to vector<16xf32>
          %parallel_loop3A_192 = arith.mulf %parallel_loop3A_191, %parallel_loop3A_177 : vector<16xf32>
          %parallel_loop3A_193 = arith.addf %parallel_loop3A_190, %parallel_loop3A_192 : vector<16xf32>
          %parallel_loop3A_194 = vector.broadcast %squeeze3A_26 : f32 to vector<16xf32>
          %parallel_loop3A_195 = arith.mulf %parallel_loop3A_194, %parallel_loop3A_167 : vector<16xf32>
          %parallel_loop3A_196 = vector.broadcast %squeeze3A_28 : f32 to vector<16xf32>
          %parallel_loop3A_197 = arith.mulf %parallel_loop3A_196, %parallel_loop3A_172 : vector<16xf32>
          %parallel_loop3A_198 = arith.addf %parallel_loop3A_195, %parallel_loop3A_197 : vector<16xf32>
          %parallel_loop3A_199 = vector.broadcast %squeeze3A_30 : f32 to vector<16xf32>
          %parallel_loop3A_200 = arith.mulf %parallel_loop3A_199, %parallel_loop3A_177 : vector<16xf32>
          %parallel_loop3A_201 = arith.addf %parallel_loop3A_198, %parallel_loop3A_200 : vector<16xf32>
          %parallel_loop3A_202 = math.absf %parallel_loop3A_201 : vector<16xf32>
          %parallel_loop3A_203 = arith.constant 9.99999993E-9 : f32
          %parallel_loop3A_204 = vector.broadcast %parallel_loop3A_203 : f32 to vector<16xf32>
          %parallel_loop3A_205 = arith.cmpf olt, %parallel_loop3A_202, %parallel_loop3A_204 : vector<16xf32>
          %parallel_loop3A_206 = arith.constant 9.99999993E-9 : f32
          %parallel_loop3A_207 = vector.broadcast %parallel_loop3A_206 : f32 to vector<16xf32>
          %parallel_loop3A_208 = arith.select %parallel_loop3A_205, %parallel_loop3A_207, %parallel_loop3A_201 : vector<16xi1>, vector<16xf32>
          %parallel_loop3A_209 = arith.divf %parallel_loop3A_185, %parallel_loop3A_208 : vector<16xf32>
          %parallel_loop3A_210 = arith.divf %parallel_loop3A_193, %parallel_loop3A_208 : vector<16xf32>
          %parallel_loop3A_211 = vector.broadcast %scan3A_63 : f32 to vector<16xf32>
          %parallel_loop3A_212 = arith.divf %parallel_loop3A_209, %parallel_loop3A_211 : vector<16xf32>
          %parallel_loop3A_213 = arith.constant 2.000000e+00 : f32
          %parallel_loop3A_214 = vector.broadcast %parallel_loop3A_213 : f32 to vector<16xf32>
          %parallel_loop3A_215 = arith.mulf %parallel_loop3A_212, %parallel_loop3A_214 : vector<16xf32>
          %parallel_loop3A_216 = arith.constant 1.000000e+00 : f32
          %parallel_loop3A_217 = vector.broadcast %parallel_loop3A_216 : f32 to vector<16xf32>
          %parallel_loop3A_218 = arith.subf %parallel_loop3A_215, %parallel_loop3A_217 : vector<16xf32>
          %parallel_loop3A_219 = vector.broadcast %scan3A_64 : f32 to vector<16xf32>
          %parallel_loop3A_220 = arith.divf %parallel_loop3A_210, %parallel_loop3A_219 : vector<16xf32>
          %parallel_loop3A_221 = arith.constant 2.000000e+00 : f32
          %parallel_loop3A_222 = vector.broadcast %parallel_loop3A_221 : f32 to vector<16xf32>
          %parallel_loop3A_223 = arith.mulf %parallel_loop3A_220, %parallel_loop3A_222 : vector<16xf32>
          %parallel_loop3A_224 = arith.constant 1.000000e+00 : f32
          %parallel_loop3A_225 = vector.broadcast %parallel_loop3A_224 : f32 to vector<16xf32>
          %parallel_loop3A_226 = arith.subf %parallel_loop3A_223, %parallel_loop3A_225 : vector<16xf32>
          %parallel_loop3A_227 = arith.constant 1.000000e+00 : f32
          %parallel_loop3A_228 = vector.broadcast %parallel_loop3A_227 : f32 to vector<16xf32>
          %parallel_loop3A_229 = arith.addf %parallel_loop3A_218, %parallel_loop3A_228 : vector<16xf32>
          %parallel_loop3A_230 = arith.constant 1.000000e+00 : f32
          %parallel_loop3A_231 = arith.subf %scan3A_63, %parallel_loop3A_230 : f32
          %parallel_loop3A_232 = arith.constant 5.000000e-01 : f32
          %parallel_loop3A_233 = arith.mulf %parallel_loop3A_232, %parallel_loop3A_231 : f32
          %parallel_loop3A_234 = vector.broadcast %parallel_loop3A_233 : f32 to vector<16xf32>
          %parallel_loop3A_235 = arith.mulf %parallel_loop3A_229, %parallel_loop3A_234 : vector<16xf32>
          %parallel_loop3A_236 = arith.constant 1.000000e+00 : f32
          %parallel_loop3A_237 = vector.broadcast %parallel_loop3A_236 : f32 to vector<16xf32>
          %parallel_loop3A_238 = arith.addf %parallel_loop3A_226, %parallel_loop3A_237 : vector<16xf32>
          %parallel_loop3A_239 = arith.constant 1.000000e+00 : f32
          %parallel_loop3A_240 = arith.subf %scan3A_64, %parallel_loop3A_239 : f32
          %parallel_loop3A_241 = arith.constant 5.000000e-01 : f32
          %parallel_loop3A_242 = arith.mulf %parallel_loop3A_241, %parallel_loop3A_240 : f32
          %parallel_loop3A_243 = vector.broadcast %parallel_loop3A_242 : f32 to vector<16xf32>
          %parallel_loop3A_244 = arith.mulf %parallel_loop3A_238, %parallel_loop3A_243 : vector<16xf32>
          %parallel_loop3A_245 = arith.constant -1.000000e+06 : f32
          %parallel_loop3A_246 = arith.constant 1.000000e+06 : f32
          %parallel_loop3A_247 = vector.broadcast %parallel_loop3A_245 : f32 to vector<16xf32>
          %parallel_loop3A_248 = arith.maximumf %parallel_loop3A_247, %parallel_loop3A_235 : vector<16xf32>
          %parallel_loop3A_249 = vector.broadcast %parallel_loop3A_246 : f32 to vector<16xf32>
          %parallel_loop3A_250 = arith.minimumf %parallel_loop3A_249, %parallel_loop3A_248 : vector<16xf32>
          %parallel_loop3A_251 = arith.constant -1.000000e+06 : f32
          %parallel_loop3A_252 = arith.constant 1.000000e+06 : f32
          %parallel_loop3A_253 = vector.broadcast %parallel_loop3A_251 : f32 to vector<16xf32>
          %parallel_loop3A_254 = arith.maximumf %parallel_loop3A_253, %parallel_loop3A_244 : vector<16xf32>
          %parallel_loop3A_255 = vector.broadcast %parallel_loop3A_252 : f32 to vector<16xf32>
          %parallel_loop3A_256 = arith.minimumf %parallel_loop3A_255, %parallel_loop3A_254 : vector<16xf32>
          %parallel_loop3A_257 = arith.fptosi %parallel_loop3A_250 : vector<16xf32> to vector<16xi32>
          %parallel_loop3A_258 = arith.fptosi %parallel_loop3A_256 : vector<16xf32> to vector<16xi32>
          %parallel_loop3A_259 = arith.sitofp %parallel_loop3A_257 : vector<16xi32> to vector<16xf32>
          %parallel_loop3A_260 = arith.cmpf ogt, %parallel_loop3A_259, %parallel_loop3A_250 : vector<16xf32>
          %parallel_loop3A_261 = arith.constant 1 : i32
          %parallel_loop3A_262 = vector.broadcast %parallel_loop3A_261 : i32 to vector<16xi32>
          %parallel_loop3A_263 = arith.subi %parallel_loop3A_257, %parallel_loop3A_262 : vector<16xi32>
          %parallel_loop3A_264 = arith.select %parallel_loop3A_260, %parallel_loop3A_263, %parallel_loop3A_257 : vector<16xi1>, vector<16xi32>
          %parallel_loop3A_265 = arith.sitofp %parallel_loop3A_258 : vector<16xi32> to vector<16xf32>
          %parallel_loop3A_266 = arith.cmpf ogt, %parallel_loop3A_265, %parallel_loop3A_256 : vector<16xf32>
          %parallel_loop3A_267 = arith.constant 1 : i32
          %parallel_loop3A_268 = vector.broadcast %parallel_loop3A_267 : i32 to vector<16xi32>
          %parallel_loop3A_269 = arith.subi %parallel_loop3A_258, %parallel_loop3A_268 : vector<16xi32>
          %parallel_loop3A_270 = arith.select %parallel_loop3A_266, %parallel_loop3A_269, %parallel_loop3A_258 : vector<16xi1>, vector<16xi32>
          %parallel_loop3A_271 = arith.constant 1 : i32
          %parallel_loop3A_272 = vector.broadcast %parallel_loop3A_271 : i32 to vector<16xi32>
          %parallel_loop3A_273 = arith.addi %parallel_loop3A_264, %parallel_loop3A_272 : vector<16xi32>
          %parallel_loop3A_274 = arith.constant 1 : i32
          %parallel_loop3A_275 = vector.broadcast %parallel_loop3A_274 : i32 to vector<16xi32>
          %parallel_loop3A_276 = arith.addi %parallel_loop3A_270, %parallel_loop3A_275 : vector<16xi32>
          %parallel_loop3A_277 = arith.sitofp %parallel_loop3A_264 : vector<16xi32> to vector<16xf32>
          %parallel_loop3A_278 = arith.subf %parallel_loop3A_250, %parallel_loop3A_277 : vector<16xf32>
          %parallel_loop3A_279 = arith.constant 1.000000e+00 : f32
          %parallel_loop3A_280 = vector.broadcast %parallel_loop3A_279 : f32 to vector<16xf32>
          %parallel_loop3A_281 = arith.subf %parallel_loop3A_280, %parallel_loop3A_278 : vector<16xf32>
          %parallel_loop3A_282 = arith.sitofp %parallel_loop3A_270 : vector<16xi32> to vector<16xf32>
          %parallel_loop3A_283 = arith.subf %parallel_loop3A_256, %parallel_loop3A_282 : vector<16xf32>
          %parallel_loop3A_284 = arith.constant 1.000000e+00 : f32
          %parallel_loop3A_285 = vector.broadcast %parallel_loop3A_284 : f32 to vector<16xf32>
          %parallel_loop3A_286 = arith.subf %parallel_loop3A_285, %parallel_loop3A_283 : vector<16xf32>
          %parallel_loop3A_287 = arith.constant 0 : i32
          %parallel_loop3A_288 = vector.broadcast %parallel_loop3A_287 : i32 to vector<16xi32>
          %parallel_loop3A_289 = arith.cmpi sge, %parallel_loop3A_264, %parallel_loop3A_288 : vector<16xi32>
          %parallel_loop3A_290 = arith.constant 175 : i32
          %parallel_loop3A_291 = vector.broadcast %parallel_loop3A_290 : i32 to vector<16xi32>
          %parallel_loop3A_292 = arith.cmpi sle, %parallel_loop3A_264, %parallel_loop3A_291 : vector<16xi32>
          %parallel_loop3A_293 = arith.andi %parallel_loop3A_289, %parallel_loop3A_292 : vector<16xi1>
          %parallel_loop3A_294 = vector.broadcast %scan3A_65 : f32 to vector<16xf32>
          %parallel_loop3A_295 = vector.broadcast %scan3A_66 : f32 to vector<16xf32>
          %parallel_loop3A_296 = arith.select %parallel_loop3A_293, %parallel_loop3A_294, %parallel_loop3A_295 : vector<16xi1>, vector<16xf32>
          %parallel_loop3A_297 = arith.mulf %parallel_loop3A_281, %parallel_loop3A_296 : vector<16xf32>
          %parallel_loop3A_298 = arith.constant 0 : i32
          %parallel_loop3A_299 = vector.broadcast %parallel_loop3A_298 : i32 to vector<16xi32>
          %parallel_loop3A_300 = arith.cmpi sge, %parallel_loop3A_273, %parallel_loop3A_299 : vector<16xi32>
          %parallel_loop3A_301 = arith.constant 175 : i32
          %parallel_loop3A_302 = vector.broadcast %parallel_loop3A_301 : i32 to vector<16xi32>
          %parallel_loop3A_303 = arith.cmpi sle, %parallel_loop3A_273, %parallel_loop3A_302 : vector<16xi32>
          %parallel_loop3A_304 = arith.andi %parallel_loop3A_300, %parallel_loop3A_303 : vector<16xi1>
          %parallel_loop3A_305 = vector.broadcast %scan3A_65 : f32 to vector<16xf32>
          %parallel_loop3A_306 = vector.broadcast %scan3A_66 : f32 to vector<16xf32>
          %parallel_loop3A_307 = arith.select %parallel_loop3A_304, %parallel_loop3A_305, %parallel_loop3A_306 : vector<16xi1>, vector<16xf32>
          %parallel_loop3A_308 = arith.mulf %parallel_loop3A_278, %parallel_loop3A_307 : vector<16xf32>
          %parallel_loop3A_309 = arith.constant 0 : i32
          %parallel_loop3A_310 = vector.broadcast %parallel_loop3A_309 : i32 to vector<16xi32>
          %parallel_loop3A_311 = arith.cmpi sge, %parallel_loop3A_270, %parallel_loop3A_310 : vector<16xi32>
          %parallel_loop3A_312 = arith.constant 63 : i32
          %parallel_loop3A_313 = vector.broadcast %parallel_loop3A_312 : i32 to vector<16xi32>
          %parallel_loop3A_314 = arith.cmpi sle, %parallel_loop3A_270, %parallel_loop3A_313 : vector<16xi32>
          %parallel_loop3A_315 = arith.andi %parallel_loop3A_311, %parallel_loop3A_314 : vector<16xi1>
          %parallel_loop3A_316 = vector.broadcast %scan3A_65 : f32 to vector<16xf32>
          %parallel_loop3A_317 = vector.broadcast %scan3A_66 : f32 to vector<16xf32>
          %parallel_loop3A_318 = arith.select %parallel_loop3A_315, %parallel_loop3A_316, %parallel_loop3A_317 : vector<16xi1>, vector<16xf32>
          %parallel_loop3A_319 = arith.mulf %parallel_loop3A_286, %parallel_loop3A_318 : vector<16xf32>
          %parallel_loop3A_320 = arith.constant 0 : i32
          %parallel_loop3A_321 = vector.broadcast %parallel_loop3A_320 : i32 to vector<16xi32>
          %parallel_loop3A_322 = arith.cmpi sge, %parallel_loop3A_276, %parallel_loop3A_321 : vector<16xi32>
          %parallel_loop3A_323 = arith.constant 63 : i32
          %parallel_loop3A_324 = vector.broadcast %parallel_loop3A_323 : i32 to vector<16xi32>
          %parallel_loop3A_325 = arith.cmpi sle, %parallel_loop3A_276, %parallel_loop3A_324 : vector<16xi32>
          %parallel_loop3A_326 = arith.andi %parallel_loop3A_322, %parallel_loop3A_325 : vector<16xi1>
          %parallel_loop3A_327 = vector.broadcast %scan3A_65 : f32 to vector<16xf32>
          %parallel_loop3A_328 = vector.broadcast %scan3A_66 : f32 to vector<16xf32>
          %parallel_loop3A_329 = arith.select %parallel_loop3A_326, %parallel_loop3A_327, %parallel_loop3A_328 : vector<16xi1>, vector<16xf32>
          %parallel_loop3A_330 = arith.mulf %parallel_loop3A_283, %parallel_loop3A_329 : vector<16xf32>
          %parallel_loop3A_331 = arith.constant 0 : i32
          %parallel_loop3A_332 = arith.constant 174 : i32
          %parallel_loop3A_333 = vector.broadcast %parallel_loop3A_331 : i32 to vector<16xi32>
          %parallel_loop3A_334 = arith.maxsi %parallel_loop3A_333, %parallel_loop3A_264 : vector<16xi32>
          %parallel_loop3A_335 = vector.broadcast %parallel_loop3A_332 : i32 to vector<16xi32>
          %parallel_loop3A_336 = arith.minsi %parallel_loop3A_335, %parallel_loop3A_334 : vector<16xi32>
          %parallel_loop3A_337 = arith.constant 0 : i32
          %parallel_loop3A_338 = arith.constant 62 : i32
          %parallel_loop3A_339 = vector.broadcast %parallel_loop3A_337 : i32 to vector<16xi32>
          %parallel_loop3A_340 = arith.maxsi %parallel_loop3A_339, %parallel_loop3A_270 : vector<16xi32>
          %parallel_loop3A_341 = vector.broadcast %parallel_loop3A_338 : i32 to vector<16xi32>
          %parallel_loop3A_342 = arith.minsi %parallel_loop3A_341, %parallel_loop3A_340 : vector<16xi32>
          %parallel_loop3A_343 = arith.cmpi eq, %parallel_loop3A_264, %parallel_loop3A_336 : vector<16xi32>
          %parallel_loop3A_344 = vector.broadcast %scan3A_66 : f32 to vector<16xf32>
          %parallel_loop3A_345 = arith.select %parallel_loop3A_343, %parallel_loop3A_297, %parallel_loop3A_344 : vector<16xi1>, vector<16xf32>
          %parallel_loop3A_346 = arith.cmpi eq, %parallel_loop3A_273, %parallel_loop3A_336 : vector<16xi32>
          %parallel_loop3A_347 = vector.broadcast %scan3A_66 : f32 to vector<16xf32>
          %parallel_loop3A_348 = arith.select %parallel_loop3A_346, %parallel_loop3A_308, %parallel_loop3A_347 : vector<16xi1>, vector<16xf32>
          %parallel_loop3A_349 = arith.addf %parallel_loop3A_345, %parallel_loop3A_348 : vector<16xf32>
          %parallel_loop3A_350 = arith.constant 1 : i32
          %parallel_loop3A_351 = vector.broadcast %parallel_loop3A_350 : i32 to vector<16xi32>
          %parallel_loop3A_352 = arith.addi %parallel_loop3A_336, %parallel_loop3A_351 : vector<16xi32>
          %parallel_loop3A_353 = arith.cmpi eq, %parallel_loop3A_264, %parallel_loop3A_352 : vector<16xi32>
          %parallel_loop3A_354 = vector.broadcast %scan3A_66 : f32 to vector<16xf32>
          %parallel_loop3A_355 = arith.select %parallel_loop3A_353, %parallel_loop3A_297, %parallel_loop3A_354 : vector<16xi1>, vector<16xf32>
          %parallel_loop3A_356 = arith.constant 1 : i32
          %parallel_loop3A_357 = vector.broadcast %parallel_loop3A_356 : i32 to vector<16xi32>
          %parallel_loop3A_358 = arith.addi %parallel_loop3A_336, %parallel_loop3A_357 : vector<16xi32>
          %parallel_loop3A_359 = arith.cmpi eq, %parallel_loop3A_273, %parallel_loop3A_358 : vector<16xi32>
          %parallel_loop3A_360 = vector.broadcast %scan3A_66 : f32 to vector<16xf32>
          %parallel_loop3A_361 = arith.select %parallel_loop3A_359, %parallel_loop3A_308, %parallel_loop3A_360 : vector<16xi1>, vector<16xf32>
          %parallel_loop3A_362 = arith.addf %parallel_loop3A_355, %parallel_loop3A_361 : vector<16xf32>
          %parallel_loop3A_363 = arith.cmpi eq, %parallel_loop3A_270, %parallel_loop3A_342 : vector<16xi32>
          %parallel_loop3A_364 = vector.broadcast %scan3A_66 : f32 to vector<16xf32>
          %parallel_loop3A_365 = arith.select %parallel_loop3A_363, %parallel_loop3A_319, %parallel_loop3A_364 : vector<16xi1>, vector<16xf32>
          %parallel_loop3A_366 = arith.cmpi eq, %parallel_loop3A_276, %parallel_loop3A_342 : vector<16xi32>
          %parallel_loop3A_367 = vector.broadcast %scan3A_66 : f32 to vector<16xf32>
          %parallel_loop3A_368 = arith.select %parallel_loop3A_366, %parallel_loop3A_330, %parallel_loop3A_367 : vector<16xi1>, vector<16xf32>
          %parallel_loop3A_369 = arith.addf %parallel_loop3A_365, %parallel_loop3A_368 : vector<16xf32>
          %parallel_loop3A_370 = arith.constant 1 : i32
          %parallel_loop3A_371 = vector.broadcast %parallel_loop3A_370 : i32 to vector<16xi32>
          %parallel_loop3A_372 = arith.addi %parallel_loop3A_342, %parallel_loop3A_371 : vector<16xi32>
          %parallel_loop3A_373 = arith.cmpi eq, %parallel_loop3A_270, %parallel_loop3A_372 : vector<16xi32>
          %parallel_loop3A_374 = vector.broadcast %scan3A_66 : f32 to vector<16xf32>
          %parallel_loop3A_375 = arith.select %parallel_loop3A_373, %parallel_loop3A_319, %parallel_loop3A_374 : vector<16xi1>, vector<16xf32>
          %parallel_loop3A_376 = arith.constant 1 : i32
          %parallel_loop3A_377 = vector.broadcast %parallel_loop3A_376 : i32 to vector<16xi32>
          %parallel_loop3A_378 = arith.addi %parallel_loop3A_342, %parallel_loop3A_377 : vector<16xi32>
          %parallel_loop3A_379 = arith.cmpi eq, %parallel_loop3A_276, %parallel_loop3A_378 : vector<16xi32>
          %parallel_loop3A_380 = vector.broadcast %scan3A_66 : f32 to vector<16xf32>
          %parallel_loop3A_381 = arith.select %parallel_loop3A_379, %parallel_loop3A_330, %parallel_loop3A_380 : vector<16xi1>, vector<16xf32>
          %parallel_loop3A_382 = arith.addf %parallel_loop3A_375, %parallel_loop3A_381 : vector<16xf32>
          %parallel_loop3A_383 = arith.constant 16 : i32
          %parallel_loop3A_384 = arith.muli %parallel_loop3A_106, %parallel_loop3A_383 : i32
          %parallel_loop3A_385 = arith.constant 176 : i32
          %parallel_loop3A_386 = vector.broadcast %parallel_loop3A_385 : i32 to vector<16xi32>
          %parallel_loop3A_387 = arith.muli %parallel_loop3A_342, %parallel_loop3A_386 : vector<16xi32>
          %parallel_loop3A_388 = arith.addi %parallel_loop3A_387, %parallel_loop3A_336 : vector<16xi32>
          %parallel_loop3A_389 = arith.index_cast %parallel_loop3A_384 : i32 to index
          %parallel_loop3A_390 = tpu.vector_load %arg16[%parallel_loop3A_389] {strides = array<i32>} : memref<32xi32, #tpu.memory_space<vmem>>, vector<16xi32>,
          tpu.vector_store %arg16[%parallel_loop3A_389], %parallel_loop3A_388 {strides = array<i32>} : memref<32xi32, #tpu.memory_space<vmem>>, vector<16xi32>,
          %parallel_loop3A_391 = arith.mulf %parallel_loop3A_369, %parallel_loop3A_349 : vector<16xf32>
          %parallel_loop3A_392 = arith.index_cast %parallel_loop3A_384 : i32 to index
          %parallel_loop3A_393 = tpu.vector_load %arg18[%parallel_loop3A_392] {strides = array<i32>} : memref<48xf32, #tpu.memory_space<vmem>>, vector<16xf32>,
          tpu.vector_store %arg18[%parallel_loop3A_392], %parallel_loop3A_391 {strides = array<i32>} : memref<48xf32, #tpu.memory_space<vmem>>, vector<16xf32>,
          %parallel_loop3A_394 = arith.mulf %parallel_loop3A_369, %parallel_loop3A_362 : vector<16xf32>
          %parallel_loop3A_395 = arith.index_cast %parallel_loop3A_384 : i32 to index
          %parallel_loop3A_396 = tpu.vector_load %arg19[%parallel_loop3A_395] {strides = array<i32>} : memref<48xf32, #tpu.memory_space<vmem>>, vector<16xf32>,
          tpu.vector_store %arg19[%parallel_loop3A_395], %parallel_loop3A_394 {strides = array<i32>} : memref<48xf32, #tpu.memory_space<vmem>>, vector<16xf32>,
          %parallel_loop3A_397 = arith.mulf %parallel_loop3A_382, %parallel_loop3A_349 : vector<16xf32>
          %parallel_loop3A_398 = arith.index_cast %parallel_loop3A_384 : i32 to index
          %parallel_loop3A_399 = tpu.vector_load %arg20[%parallel_loop3A_398] {strides = array<i32>} : memref<48xf32, #tpu.memory_space<vmem>>, vector<16xf32>,
          tpu.vector_store %arg20[%parallel_loop3A_398], %parallel_loop3A_397 {strides = array<i32>} : memref<48xf32, #tpu.memory_space<vmem>>, vector<16xf32>,
          %parallel_loop3A_400 = arith.mulf %parallel_loop3A_382, %parallel_loop3A_362 : vector<16xf32>
          %parallel_loop3A_401 = arith.index_cast %parallel_loop3A_384 : i32 to index
          %parallel_loop3A_402 = tpu.vector_load %arg21[%parallel_loop3A_401] {strides = array<i32>} : memref<48xf32, #tpu.memory_space<vmem>>, vector<16xf32>,
          tpu.vector_store %arg21[%parallel_loop3A_401], %parallel_loop3A_400 {strides = array<i32>} : memref<48xf32, #tpu.memory_space<vmem>>, vector<16xf32>,
          %parallel_loop3A_403 = arith.constant 0.000000e+00 : f32
          %parallel_loop3A_404 = vector.broadcast %parallel_loop3A_403 : f32 to vector<16xf32>
          %parallel_loop3A_405 = arith.cmpf ogt, %parallel_loop3A_162, %parallel_loop3A_404 : vector<16xf32>
          %parallel_loop3A_406 = arith.constant 1 : i32
          %parallel_loop3A_407 = arith.constant 0 : i32
          %parallel_loop3A_408 = vector.broadcast %parallel_loop3A_406 : i32 to vector<16xi32>
          %parallel_loop3A_409 = vector.broadcast %parallel_loop3A_407 : i32 to vector<16xi32>
          %parallel_loop3A_410 = arith.select %parallel_loop3A_405, %parallel_loop3A_408, %parallel_loop3A_409 : vector<16xi1>, vector<16xi32>
          %parallel_loop3A_411 = arith.index_cast %parallel_loop3A_111 : i32 to index
          %parallel_loop3A_412 = tpu.vector_load %arg15[%parallel_loop3A_411] {strides = array<i32>} : memref<3136xi32, #tpu.memory_space<vmem>>, vector<16xi32>,
          tpu.vector_store %arg15[%parallel_loop3A_411], %parallel_loop3A_410 {strides = array<i32>} : memref<3136xi32, #tpu.memory_space<vmem>>, vector<16xi32>,
        } {sc.loop_unroll_factor = 2 : i64, sc.parallel_access}
        %dma_start3A_103 = arith.constant 0 : i32
        %dma_start3A_104 = arith.constant 0 : i32
        %dma_start3A_105 = tpu.memref_slice %arg2[%dma_start3A_103, %dma_start3A_104] : memref<11264x512xi32, #tpu.memory_space<hbm>> -> memref<11264x512xi32, #tpu.memory_space<hbm>>
        tpu.enqueue_indirect_dma source(%dma_start3A_105 : memref<11264x512xi32, #tpu.memory_space<hbm>>) target(%arg26 : memref<32x512xi32, #tpu.memory_space<vmem>>) offsets(%arg16 : memref<32xi32, #tpu.memory_space<vmem>>) semaphore(%arg30 : memref<!tpu.dma_semaphore, #tpu.memory_space<semaphore_mem>>)
      } else {
      }
      %dma_wait3A_90 = arith.constant 0 : i32
      %dma_wait3A_91 = arith.constant 0 : i32
      %dma_wait3A_92 = tpu.memref_slice %arg2[%dma_wait3A_90, %dma_wait3A_91] : memref<11264x512xi32, #tpu.memory_space<hbm>> -> memref<11264x512xi32, #tpu.memory_space<hbm>>
      tpu.wait_indirect_dma semaphore(%arg31 : memref<!tpu.dma_semaphore, #tpu.memory_space<semaphore_mem>>) src(%dma_wait3A_92 : memref<11264x512xi32, #tpu.memory_space<hbm>>) dst(%arg27 : memref<32x512xi32, #tpu.memory_space<vmem>>)
      %add3A_93 = arith.constant 1 : i32
      %add3A_94 = arith.addi %mul3A_74, %add3A_93 : i32
      %mul3A_95 = arith.constant 32 : i32
      %mul3A_96 = arith.muli %add3A_94, %mul3A_95 : i32
      %add3A_97 = arith.addi %mul3A_2, %mul3A_96 : i32
      "tpu.region"() ({
        %run_scoped3A = tpu.sem_alloc : memref<!tpu.dma_semaphore, #tpu.memory_space<semaphore_mem>>
        %dma_start3A_98 = arith.constant 0 : i32
        %dma_start3A_99 = tpu.memref_slice %arg8[%add3A_97, %dma_start3A_98] : memref<100352x128xi32, #tpu.memory_space<hbm>> -> memref<32x128xi32, #tpu.memory_space<hbm>>
        %dma_start3A_100 = arith.constant 0 : i32
        %dma_start3A_101 = tpu.memref_slice %arg8[%add3A_97, %dma_start3A_100] : memref<100352x128xi32, #tpu.memory_space<hbm>> -> memref<32x128xi32, #tpu.memory_space<hbm>>
        tpu.enqueue_dma source(%arg29 : memref<32x128xi32, #tpu.memory_space<vmem>>) target(%dma_start3A_101 : memref<32x128xi32, #tpu.memory_space<hbm>>) target_semaphore(%run_scoped3A : memref<!tpu.dma_semaphore, #tpu.memory_space<semaphore_mem>>)
        %dma_wait3A_102 = arith.constant 0 : i32
        %dma_wait3A_103 = tpu.memref_slice %arg8[%add3A_97, %dma_wait3A_102] : memref<100352x128xi32, #tpu.memory_space<hbm>> -> memref<32x128xi32, #tpu.memory_space<hbm>>
        %dma_wait3A_104 = arith.constant 0 : i32
        %dma_wait3A_105 = tpu.memref_slice %arg8[%add3A_97, %dma_wait3A_104] : memref<100352x128xi32, #tpu.memory_space<hbm>> -> memref<32x128xi32, #tpu.memory_space<hbm>>
        tpu.wait_dma2 semaphore(%run_scoped3A : memref<!tpu.dma_semaphore, #tpu.memory_space<semaphore_mem>>) src(%arg29 : memref<32x128xi32, #tpu.memory_space<vmem>>) dst(%dma_wait3A_105 : memref<32x128xi32, #tpu.memory_space<hbm>>)
        tpu.yield
      }) : () -> ()
    }
    %scan3A_71 = arith.constant 49 : i32
    "tpu.region"() ({
      %run_scoped3A = tpu.sem_alloc : memref<!tpu.dma_semaphore, #tpu.memory_space<semaphore_mem>>
      %dma_start3A_72 = tpu.memref_slice %arg9[%mul3A_2] : memref<100352xi32, #tpu.memory_space<hbm>> -> memref<3136xi32, #tpu.memory_space<hbm>>
      %dma_start3A_73 = tpu.memref_slice %arg9[%mul3A_2] : memref<100352xi32, #tpu.memory_space<hbm>> -> memref<3136xi32, #tpu.memory_space<hbm>>
      tpu.enqueue_dma source(%arg15 : memref<3136xi32, #tpu.memory_space<vmem>>) target(%dma_start3A_73 : memref<3136xi32, #tpu.memory_space<hbm>>) target_semaphore(%run_scoped3A : memref<!tpu.dma_semaphore, #tpu.memory_space<semaphore_mem>>)
      %dma_wait3A = tpu.memref_slice %arg9[%mul3A_2] : memref<100352xi32, #tpu.memory_space<hbm>> -> memref<3136xi32, #tpu.memory_space<hbm>>
      %dma_wait3A_74 = tpu.memref_slice %arg9[%mul3A_2] : memref<100352xi32, #tpu.memory_space<hbm>> -> memref<3136xi32, #tpu.memory_space<hbm>>
      tpu.wait_dma2 semaphore(%run_scoped3A : memref<!tpu.dma_semaphore, #tpu.memory_space<semaphore_mem>>) src(%arg15 : memref<3136xi32, #tpu.memory_space<vmem>>) dst(%dma_wait3A_74 : memref<3136xi32, #tpu.memory_space<hbm>>)
      tpu.yield
    }) : () -> ()
    return
  }
}

</mosaic_0001>

<sc_bundles>
// kernel: kernel.3.cloned.1.call-start
scs
__scs_entry_jumppad:
0x0: {  	(pc) =	sbr.rel $0x88, $3  }
0x1: {  	(tag) =	ssettag $0x0;
	lr =	simm.s32 $0x1  }
0x2: {  	[smem:$0x3F9D] =	sst lr;
	_ =	strace $0xD0000000  }
0x3: {  	_ = 	snop  }
0x4: {  	_ = 	snop  }
0x5: {  	_ = 	snop  }
0x6: {  	_ = 	snop  }
0x7: {  	_ = 	snop  }
__scs_overlays_trampoline_lowered:
0x8: {  	[smem:$0x3FAC] =	sst s0  }
0x9: {  	[smem:$0x3FAD] =	sst s1  }
0xa: {  	[smem:$0x3FAE] =	sst s2  }
0xb: {  	[smem:$0x3FAF] =	sst s3  }
0xc: {  	[smem:$0x3FB0] =	sst s4  }
0xd: {  	[smem:$0x3FB1] =	sst s5  }
0xe: {  	[smem:$0x3FB2] =	sst s6  }
0xf: {  	[smem:$0x3FB3] =	sst s7  }
0x10: {  	[smem:$0x3FB4] =	sst s8  }
0x11: {  	[smem:$0x3FB5] =	sst s9;
	s0 =	simm.s32 @!p0 $0x0  }
0x12: {  	s1 =	sld [smem:$0x3F9B];
	s0 =	simm.s32 @p0 $0x1  }
0x13: {  	[smem:$0x3FB6] =	sst s0;
	s0 =	simm.s32 @!p1 $0x0  }
0x14: {  	s2 =	sld [smem:$0x3F9A];
	s0 =	simm.s32 @p1 $0x1  }
0x15: {  	[smem:$0x3FB7] =	sst s0;
	s0 =	simm.s32 @!p2 $0x0  }
0x16: {  	s3 =	sld [smem:$0x3FDB];
	s0 =	simm.s32 @p2 $0x1  }
0x17: {  	s4 =	simm.s32 $0x1BF5;
	[smem:$0x3FB9] =	sst s0  }
0x18: {  	s0 =	sld [smem:$0x3F9C];
	_ =	swait.ge [sflag:s4], $0x0  }
0x19: {  	s7 =	sld [smem:$0x3F9D]  }
0x1a: {  	s8 =	sadd.s32 $0xFFFFE003, lr  }
0x1b: {  	s9 =	sadd.s32 $0xFFFFFEF7, lr;
	s5 =	simm.s32 $0xFFFFFFFF;
	p2 =	slt.u32 s8, $0xFFFFF086  }
0x1c: {  	p1 =	slt.u32 s9, $0xF7A;
	s5 =	simm.s32 @!p2 $0x0  }
0x1d: {  	s5 =	simm.s32 @p1 $0x1;
	p0 =	seq.s32 s7, s2  }
0x1e: {  	s7 =	smul.u32 @!p0 $0xF7A, s2;
	p2 =	seq.s32 @!p0 s5, $0x0  }
0x1f: {  	s9 =	smul.u32 $0xF7A, s1;
	s8 =	simm.s32 @!p0 $0x1BF5;
	p2 =	por !p2, p0  }
0x20: {  	[sflag:s8] =	ssyncset.s32 @!p0 $0xFFFFF086;
	s6 =	sadd.s32 @!p0 s3, s7;
	s7 =	simm.s32 @!p0 $0x108  }
0x21: {  	s3 =	sadd.s32 s3, s9;
	s6 =	sadd.s32 @!p0 $0x88, s6;
	s7 =	simm.s32 @p2 $0x1082  }
0x22: {  	[simem:s7], [sflag:s8] =	dma.local @!p0 [hbm:s6], $0xF7A  }
0x23: {  	s9 =	sor.u32 $0xD0000000, s2;
	s6 =	simm.s32 $0x108;
	_ =	swait.ge @!p0 [sflag:s8], $0x0  }
0x24: {  	s3 =	sadd.s32 $0x88, s3;
	s6 =	simm.s32 @!p1 $0x1082;
	[sflag:s4] =	ssyncset.s32 $0xFFFFF086  }
0x25: {  	[simem:s6], [sflag:s4] =	dma.local [hbm:s3], $0xF7A  }
0x26: {  	[smem:$0x3F9D] =	sst s1;
	(tag) =	ssettag s2;
	_ =	strace s9  }
0x27: {  	s1 =	sld [smem:$0x3FAD]  }
0x28: {  	s2 =	sld [smem:$0x3FAE]  }
0x29: {  	s4 =	sld [smem:$0x3FB0]  }
0x2a: {  	p0 =	seq.s32 s5, $0x0;
	s5 =	sld [smem:$0x3FB1]  }
0x2b: {  	s6 =	sld [smem:$0x3FB2]  }
0x2c: {  	s7 =	sld [smem:$0x3FB3]  }
0x2d: {  	s3 =	simm.s32 $0x108;
	s8 =	sld [smem:$0x3FB4]  }
0x2e: {  	s3 =	simm.s32 @!p0 $0x1082;
	s9 =	sld [smem:$0x3FB5]  }
0x2f: {  	lr =	sadd.s32 s0, s3;
	s0 =	sld [smem:$0x3FAC]  }
0x30: {  	s3 =	sld [smem:$0x3FAF]  }
0x31: {  	[smem:$0x3FB8] =	sst s10  }
0x32: {  	s10 =	sld [smem:$0x3FB6];
	_ =	sdelay $0x3  }
0x33: {  	p0 =	seq.s32 s10, $0x1;
	s10 =	sld [smem:$0x3FB8];
	_ =	sdelay $0x3  }
0x34: {  	[smem:$0x3FB8] =	sst s10  }
0x35: {  	s10 =	sld [smem:$0x3FB7];
	_ =	sdelay $0x3  }
0x36: {  	p1 =	seq.s32 s10, $0x1;
	s10 =	sld [smem:$0x3FB8];
	_ =	sdelay $0x3  }
0x37: {  	[smem:$0x3FB8] =	sst s10  }
0x38: {  	s10 =	sld [smem:$0x3FB9]  }
0x39: {  	_ = 	snop;
	(pc) =	sbr.ind lr, $3  }
0x3a: {  	_ = 	snop  }
0x3b: {  	_ = 	snop  }
0x3c: {  	p2 =	seq.s32 s10, $0x1;
	s10 =	sld [smem:$0x3FB8]  }
0x3d: {  	_ =	shalt  }
0x3e: {  	_ =	shalt  }
0x3f: {  	_ =	shalt  }
0x40: {  	_ =	shalt  }
0x41: {  	_ =	shalt  }
0x42: {  	_ =	shalt  }
0x43: {  	_ =	shalt  }
0x44: {  	_ =	shalt  }
0x45: {  	_ =	shalt  }
0x46: {  	_ =	shalt  }
0x47: {  	_ =	shalt  }
0x48: {  	_ =	shalt  }
0x49: {  	_ =	shalt  }
0x4a: {  	_ =	shalt  }
0x4b: {  	_ =	shalt  }
0x4c: {  	_ =	shalt  }
0x4d: {  	_ =	shalt  }
0x4e: {  	_ =	shalt  }
0x4f: {  	_ =	shalt  }
0x50: {  	_ =	shalt  }
0x51: {  	_ =	shalt  }
0x52: {  	_ =	shalt  }
0x53: {  	_ =	shalt  }
0x54: {  	_ =	shalt  }
0x55: {  	_ =	shalt  }
0x56: {  	_ =	shalt  }
0x57: {  	_ =	shalt  }
0x58: {  	_ =	shalt  }
0x59: {  	_ =	shalt  }
0x5a: {  	_ =	shalt  }
0x5b: {  	_ =	shalt  }
0x5c: {  	_ =	shalt  }
0x5d: {  	_ =	shalt  }
0x5e: {  	_ =	shalt  }
0x5f: {  	_ =	shalt  }
0x60: {  	_ =	shalt  }
0x61: {  	_ =	shalt  }
0x62: {  	_ =	shalt  }
0x63: {  	_ =	shalt  }
0x64: {  	_ =	shalt  }
0x65: {  	_ =	shalt  }
0x66: {  	_ =	shalt  }
0x67: {  	_ =	shalt  }
0x68: {  	_ =	shalt  }
0x69: {  	_ =	shalt  }
0x6a: {  	_ =	shalt  }
0x6b: {  	_ =	shalt  }
0x6c: {  	_ =	shalt  }
0x6d: {  	_ =	shalt  }
0x6e: {  	_ =	shalt  }
0x6f: {  	_ =	shalt  }
0x70: {  	_ =	shalt  }
0x71: {  	_ =	shalt  }
0x72: {  	_ =	shalt  }
0x73: {  	_ =	shalt  }
0x74: {  	_ =	shalt  }
0x75: {  	_ =	shalt  }
0x76: {  	_ =	shalt  }
0x77: {  	_ =	shalt  }
0x78: {  	_ =	shalt  }
0x79: {  	_ =	shalt  }
0x7a: {  	_ =	shalt  }
0x7b: {  	_ =	shalt  }
0x7c: {  	_ =	shalt  }
0x7d: {  	_ =	shalt  }
0x7e: {  	_ =	shalt  }
0x7f: {  	_ =	shalt  }
0x80: {  	_ =	shalt  }
0x81: {  	_ =	shalt  }
0x82: {  	_ =	shalt  }
0x83: {  	_ =	shalt  }
0x84: {  	_ =	shalt  }
0x85: {  	_ =	shalt  }
0x86: {  	_ =	shalt  }
0x87: {  	_ =	shalt  }
.Lfunc_end0:
.L_simem_size_0:
called_computation.2_lowered:
.L_overlay_start_0:
0x88: {  	s2 =	sld [smem:$0x3FD9]  }
0x89: {  	s3 =	sld [smem:$0x3FFE];
	_ =	sdelay $0x1  }
0x8a: {  	s1 =	srdreg.scid  }
0x8b: {  	s0 =	sand.u32 $0x1, s1  }
0x8c: {  	s14 =	sshll.u32 s0, $0xA;
	s2 =	sadd.s32 s3, s2  }
0x8d: {  	s2 =	sadd.s32 s2, s14  }
0x8e: {  	[smem:$0x3FC4] =	sst s2  }
0x8f: {  	_ = 	snop  }
0x90: {  	s2 =	sld [smem:$0x3FD0];
	_ =	sdelay $0x2  }
0x91: {  	s15 =	simm.s32 $0xA;
	s4 =	simm.s32 $0x10  }
0x92: {  	[smem:s4], [sflag:s15] =	dma.local [hbm:s2], $0x1  }
0x93: {  	_ =	swait.eq [sflag:s15], $0x1  }
0x94: {  	[sflag:s15] =	ssyncset.done $0x0  }
0x95: {  	s16 =	sld [smem:$0x10];
	[sflag:s15] =	ssyncadd.s32 $0xFFFFFFFF  }
0x96: {  	s17 =	sld [smem:$0x11];
	(tm) =	ssettm $0x1  }
0x97: {  	s18 =	sld [smem:$0x3FFB];
	_ =	sdelay $0x3  }
0x98: {  	_ =	strace s18  }
0x99: {  	s4 =	sld [smem:$0x3FFC];
	_ =	sdelay $0x3  }
0x9a: {  	_ =	strace s4  }
0x9b: {  	s4 =	sld [smem:$0x3FFD];
	_ =	sdelay $0x3  }
0x9c: {  	_ =	strace s4  }
0x9d: {  	_ =	strace $0x8FFFFFFF  }
0x9e: {  	s19 =	sld [smem:$0x3FDB];
	_ =	sdelay $0x1  }
0x9f: {  	s5 =	simm.s32 $_scs_section_size  }
0xa0: {  	s6 =	simm.s32 $_size__tile_overlayer_lowered;
	s7 =	simm.s32 $_tile_overlayer_lowered  }
0xa1: {  	s22 =	simm.s32 $0x1BFF;
	s21 =	sshll.u32 s7, $0x1;
	s4 =	sadd.s32 s5, s19  }
0xa2: {  	s8 =	simm.s32 $0x0;
	s20 =	sshll.u32 s6, $0x1;
	s6 =	sadd.s32 s21, s4  }
0xa3: {  	[timem:s8], [sflag:s22] =	dma.local [hbm:s6], s20  }
0xa4: {  	_ =	swait.ge [sflag:s22], s20  }
0xa5: {  	s5 =	ssub.s32 $0x0, s20;
	[sflag:s22] =	ssyncset.done $0x0  }
0xa6: {  	[sflag:s22] =	ssyncadd.s32 s5;
	_ =	sdelay $0x1  }
0xa7: {  	s23 =	simm.s32 $0x1B8B  }
0xa8: {  	_ =	swait.ge [sflag:s23], $0x1  }
0xa9: {  	[sflag:s23] =	ssyncset.done $0x0  }
0xaa: {  	s25 =	simm.s32 $0x1B8E;
	s24 =	sld [smem:$0x3FFE];
	[sflag:s23] =	ssyncadd.s32 $0xFFFFFFFF  }
0xab: {  	s26 =	simm.s32 $execute0_lowered;
	[smem:$0x3FD2] =	sst s25  }
0xac: {  	s6 =	sshll.u32 s26, $0x1;
	_ =	strace $0x80000049;
	[dreg:$0x1] =	wrdreg $0xFFFFFFFF  }
0xad: {  	s28 =	simm.s32 $_size_execute0_lowered;
	s4 =	sadd.s32 s4, s6;
	[dreg:$0x0] =	wrdreg $0x0  }
0xae: {  	s6 =	sshll.u32 s28, $0x1;
	[dreg:$0x2] =	wrdreg s4  }
0xaf: {  	[dreg:$0x3] =	wrdreg s6  }
0xb0: {  	[dreg:$0x4] =	wrdreg $0xC0  }
0xb1: {  	_ =	task [dreg:s8], $0x5FFFF  }
0xb2: {  	[dreg:$0x1] =	wrdreg $0xFFFFFFFF  }
0xb3: {  	[dreg:$0x0] =	wrdreg $0x60  }
0xb4: {  	[dreg:$0x2] =	wrdreg s24  }
0xb5: {  	[dreg:$0x3] =	wrdreg s17  }
0xb6: {  	[dreg:$0x4] =	wrdreg s16  }
0xb7: {  	[dreg:$0x5] =	wrdreg $0x9  }
0xb8: {  	_ =	task.clear_ibuf [dreg:s8], $0x6FFFF;
	_ =	strace $0x90000049  }
0xb9: {  	s29 =	simm.s32 $0x9;
	_ =	strace $0x8000004B  }
0xba: {  	_ =	swait.ge [sflag:s29], $0x1  }
0xbb: {  	[sflag:s29] =	ssyncadd.s32 $0xFFFFFFFF  }
0xbc: {  	_ =	strace $0x9000004B  }
0xbd: {  	_ =	sfence  }
0xbe: {  	s30 =	sld [smem:$0x0];
	_ =	sdelay $0x2  }
0xbf: {  	s31 =	sshll.u32 s1, $0xD;
	s1 =	sshrl.u32 s1, $0x2  }
0xc0: {  	s3 =	sand.u32 $0x4000, s31;
	s1 =	sadd.s32 s1, s30  }
0xc1: {  	s0 =	sor.u32 s3, s0;
	s1 =	sshll.u32 s1, $0x11  }
0xc2: {  	s0 =	sor.u32 s1, s0  }
0xc3: {  	s0 =	sadd.s32 $0x8F2B, s0  }
0xc4: {  	[sflag:s0] =	ssyncadd.remote.s32 $0x1  }
0xc5: {  	_ =	sfence.sel $0xFFFF  }
0xc6: {  	[dreg:$0x0] =	wrdreg $0xFFFFFFFF;
	(pc) =	sbr.abs _section_cstart, $3  }
0xc7: {  	[dreg:$0x1] =	wrdreg $0xFFFFFFFF  }
0xc8: {  	_ =	task.clear_ibuf [dreg:s8], $0x2FFFF;
	_ =	strace $0x9FFFFFFF  }
0xc9: {  	(tm) =	ssettm $0x7FFFFFFF  }
tec
execute0_lowered:
.L_overlay_start_1:
0x0: {  	(tag) =	ssettag $0x1  }
0x1: {  	s0 =	rddreg [dreg:$0x0]  }
0x2: {  	s1 =	rddreg [dreg:$0x2];
	s2 =	srdreg.scid  }
0x3: {  	s9 =	stileid.u32;
	s3 =	simm.s32 $0x0;
	s15 =	simm.s32 $0x3  }
0x4: {  	s28 =	simm.s32 $0x7800;
	s29 =	simm.s32 $0x8000;
	s30 =	simm.s32 $0x8800  }
0x5: {  	s31 =	simm.s32 $0x9000;
	s14 =	simm.s32 $0xB000;
	s16 =	simm.s32 $0x1  }
0x6: {  	s17 =	simm.s32 $0xB800;
	s18 =	simm.s32 $0x2;
	s2 =	sand.u32 $0x1, s2  }
0x7: {  	s4 =	sshll.u32 s9, $0x1;
	[smem:$0x7FF] =	sst s3;
	s7 =	smul.u32 $0xC4000, s9  }
0x8: {  	s6 =	sadd.s32 $0x16B200, s0;
	s21 =	smul.u32 $0x18800, s9;
	s9 =	sadd.s32 $0x1D00, s0  }
0x9: {  	s4 =	sor.u32 s2, s4;
	_ =	strace $0x8000004A;
	s10 =	smul.u32 $0x62000, s2  }
0xa: {  	[dreg:$0x4] =	wrdreg s6;
	s19 =	ssub.s32 $0x2, s2;
	s2 =	smul.u32 $0xC400, s2  }
0xb: {  	v0 =	vimm.f32 $1.760000000e+02;
	s5 =	smul.u32 $0xC40, s4;
	s4 =	sadd.s32 $0x1C00, s0;
	s8 =	sshrl.u32 s19, $0x1  }
0xc: {  	s25 =	sadd.s32 s21, s1;
	(erf) = vrcp.f32 v0;
	v0 =	vimm.f32 $6.400000000e+01;
	s21 =	simm.s32 $0x4800;
	s6 =	ssub.s32 s19, s8  }
0xd: {  	s24 =	sadd.s32 s10, s7;
	s2 =	sadd.s32 s2, s25;
	(erf) = vrcp.f32 v0;
	s19 =	simm.s32 $0x3800  }
0xe: {  	s25 =	simm.s32 $0x6800;
	s5 =	sshrl.u32 s5, $0x3;
	s26 =	smax.u32 s6, $0x1  }
0xf: {  	s7 =	sadd.s32 $0x200, s2;
	s2 =	simm.s32 $0xA800;
	s6 =	simm.s32 $0x0  }
0x10: {  	s5 =	sadd.s32 s5, s0;
	s0 =	sshrl.u32 s24, $0x3;
	[dreg:$0x9] =	wrdreg s26  }
0x11: {  	s24 =	simm.s32 $0x6000;
	s26 =	simm.s32 $0x7000;
	s20 =	sadd.s32 $0x164E00, s5  }
.Ltmp0:
0x12: {  	s22 =	sadd.s32 $0x168000, s5;
	[dreg:$0x5] =	wrdreg s20;
	(pc) =	sbr.rel .LBB2_1-.Ltmp0, $4  }
0x13: {  	s23 =	sadd.s32 $0x161C00, s5;
	s5 =	sadd.s32 $0xB1C00, s5;
	[dreg:$0x6] =	wrdreg s22  }
0x14: {  	v6 =	vlaneseq.u32;
	v2 =	vimm.f32 $0.0e+00;
	s10 =	sadd.s32 s0, s1;
	s0 =	simm.s32 $0x9800;
	[dreg:$0x7] =	wrdreg s23  }
0x15: {  	vm0 =	vmmov $0xffff;
	v3 =	vand.u32 $0x7, v6;
	v5 =	vshrl.u32 v6, $0x3;
	s1 =	simm.s32 $0xA000;
	[dreg:$0x8] =	wrdreg s5;
	s20 =	simm.s32 $0x4000;
	v1 =	vpop (erf)  }
0x16: {  	v6 =	vor.u32 $0x8, v6;
	v5 =	vmul.u32 $0x8, v5;
	v0 =	vimm.s32 $0x0;
	s22 =	simm.s32 $0x5000;
	s23 =	simm.s32 $0x5800;
	s5 =	simm.s32 $0xC800;
	v4 =	vpop (erf)  }
.LBB2_5:
0x17: {  	s8 =	rddreg [dreg:$0x8];
	s11 =	simm.s32 $0x2680  }
0x18: {  	[hbm4b:s8+s3] =	stream.linear.scatter [tilespmem:s11], [sflag:$0x3], $0xC40, $0x38;
	[tilespmem:$0xD800] =	vst v63  }
0x19: {  	_ =	swait.ge [sflag:s15], $0xC40  }
0x1a: {  	s6 =	sadd.s32 $0x1, s6;
	s13 =	rddreg [dreg:$0x9]  }
0x1b: {  	p0 =	sne.s32 s6, s13  }
.Ltmp1:
0x1c: {  	_ = 	snop;
	(pc) =	sbr.rel @!p0 .LBB2_6-.Ltmp1, $3  }
0x1d: {  	_ =	sdelay $0x1  }
0x1e: {  	[sflag:s15] =	ssyncset.done $0x0  }
0x1f: {  	[sflag:s15] =	ssyncadd.s32 $0xFFFFF3C0  }
.LBB2_1:
0x20: {  	s8 =	rddreg [dreg:$0x1];
	s11 =	simm.s32 $0x2580  }
0x21: {  	[tilespmem:s11], [sflag:$0x3] =	stream.linear.gather [hbm4b:s8+s3], $0x80, $0x38;
	[tilespmem:$0xD800] =	vst v63  }
0x22: {  	_ =	swait.ge [sflag:s15], $0x80  }
0x23: {  	[sflag:s15] =	ssyncset.done $0x0  }
0x24: {  	s13 =	simm.s32 $0x2600;
	s12 =	rddreg [dreg:$0x4];
	[sflag:s15] =	ssyncadd.s32 $0xFFFFFF80  }
0x25: {  	[tilespmem:s13], [sflag:$0x3] =	stream.linear.gather [hbm4b:s12+s3], $0x80, $0x38;
	[tilespmem:$0xD800] =	vst v63  }
0x26: {  	_ =	swait.ge [sflag:s15], $0x80  }
0x27: {  	[sflag:s15] =	ssyncset.done $0x0  }
0x28: {  	s11 =	rddreg [dreg:$0x6];
	[sflag:s15] =	ssyncadd.s32 $0xFFFFFF80  }
0x29: {  	[tilespmem:s3], [sflag:$0x3] =	stream.linear.gather [hbm4b:s11+s3], $0xC40, $0x38;
	[tilespmem:$0xD800] =	vst v63  }
0x2a: {  	_ =	swait.ge [sflag:s15], $0xC40  }
0x2b: {  	[sflag:s15] =	ssyncset.done $0x0  }
0x2c: {  	s13 =	simm.s32 $0xC80;
	s12 =	rddreg [dreg:$0x5];
	[sflag:s15] =	ssyncadd.s32 $0xFFFFF3C0  }
0x2d: {  	[tilespmem:s13], [sflag:$0x3] =	stream.linear.gather [hbm4b:s12+s3], $0xC40, $0x38;
	[tilespmem:$0xD800] =	vst v63  }
0x2e: {  	_ =	swait.ge [sflag:s15], $0xC40  }
0x2f: {  	[sflag:s15] =	ssyncset.done $0x0  }
0x30: {  	s13 =	simm.s32 $0x1900;
	s12 =	rddreg [dreg:$0x7];
	[sflag:s15] =	ssyncadd.s32 $0xFFFFF3C0  }
0x31: {  	[tilespmem:s13], [sflag:$0x3] =	stream.linear.gather [hbm4b:s12+s3], $0xC40, $0x38;
	[tilespmem:$0xD800] =	vst v63  }
0x32: {  	_ =	swait.ge [sflag:s15], $0xC40  }
0x33: {  	[sflag:s15] =	ssyncset.done $0x0  }
0x34: {  	[sflag:s15] =	ssyncadd.s32 $0xFFFFF3C0  }
0x35: {  	v7 =	vld [tilespmem:$0x2600];
	_ =	sdelay $0x1  }
0x36: {  	v8 =	vld [tilespmem:$0x0]  }
0x37: {  	v12 =	vld [tilespmem:$0x1900]  }
0x38: {  	v9 =	vld [tilespmem:$0xC80]  }
0x39: {  	v10 =	vmul.f32 $6.553700000e+04, v7;
	_ =	sdelay $0x1  }
0x3a: {  	v11 =	vmul.f32 $6.553700000e+04, v8;
	v7 =	vsub.f32 v10, v7  }
0x3b: {  	v13 =	vmul.f32 $6.553700000e+04, v12  }
0x3c: {  	v18 =	vsub.f32 v10, v7;
	v7 =	vsub.f32 v11, v8;
	v8 =	vmul.f32 $6.553700000e+04, v9  }
0x3d: {  	v12 =	vsub.f32 v13, v12  }
0x3e: {  	v15 =	vsub.f32 v11, v7;
	v9 =	vsub.f32 v8, v9;
	v7 =	vbroadcast v18, $0x0  }
0x3f: {  	v19 =	vsub.f32 v13, v12;
	v10 =	vbroadcast v18, $0x5;
	v11 =	vbroadcast v18, $0x2  }
0x40: {  	v12 =	vbroadcast v18, $0x6;
	v16 =	vsub.f32 v8, v9;
	v8 =	vbroadcast v18, $0x1  }
0x41: {  	v13 =	vbroadcast v18, $0x8;
	v9 =	vbroadcast v18, $0x4  }
0x42: {  	v14 =	vmul.f32 v15, v7;
	v17 =	vmul.f32 v16, v8  }
0x43: {  	v23 =	vmul.f32 v19, v11;
	v20 =	vmul.f32 v15, v9  }
0x44: {  	v22 =	vld [tilespmem:$0x2580];
	v21 =	vmul.f32 v16, v10;
	v17 =	vadd.f32 v17, v14;
	v14 =	vbroadcast v18, $0x9  }
0x45: {  	v24 =	vmul.f32 v15, v13;
	v15 =	vbroadcast v18, $0xA  }
0x46: {  	v20 =	vadd.f32 v21, v20;
	v21 =	vmul.f32 v19, v12;
	v25 =	vmul.f32 v16, v14  }
0x47: {  	v19 =	vmul.f32 v19, v15;
	v23 =	vadd.f32 v23, v17;
	v16 =	vbroadcast v18, $0x3  }
0x48: {  	v20 =	vadd.f32 v21, v20;
	v17 =	vbroadcast v18, $0x7;
	v21 =	vadd.f32 v25, v24  }
0x49: {  	v24 =	vmul.f32 $6.553700000e+04, v22;
	v23 =	vadd.f32 v23, v16  }
0x4a: {  	v18 =	vbroadcast v18, $0xB;
	v20 =	vadd.f32 v20, v17;
	v19 =	vadd.f32 v19, v21  }
0x4b: {  	v21 =	vsub.f32 v24, v22;
	v22 =	vmul.f32 $6.553700000e+04, v23  }
0x4c: {  	v32 =	vld [tilespmem:$0x10];
	v25 =	vmul.f32 $6.553700000e+04, v20;
	v28 =	vadd.f32 v19, v18  }
0x4d: {  	v33 =	vld [tilespmem:$0xC90];
	v27 =	vsub.f32 v24, v21;
	v19 =	vsub.f32 v22, v23  }
0x4e: {  	v35 =	vld [tilespmem:$0x1910];
	v20 =	vsub.f32 v25, v20;
	v21 =	vmul.f32 $6.553700000e+04, v28  }
0x4f: {  	v29 =	vsub.f32 v22, v19;
	v19 =	vbroadcast v27, $0x6  }
0x50: {  	v30 =	vsub.f32 v25, v20;
	v20 =	vbroadcast v27, $0x7;
	v22 =	vsub.f32 v21, v28  }
0x51: {  	v37 =	vmul.f32 $6.553700000e+04, v32;
	v23 =	vmul.f32 v29, v19  }
0x52: {  	v31 =	vsub.f32 v21, v22;
	v22 =	vmul.f32 v30, v20;
	v21 =	vbroadcast v27, $0x8  }
0x53: {  	v61 =	vmul.f32 $6.553700000e+04, v33;
	v39 =	vmul.f32 $6.553700000e+04, v35  }
0x54: {  	v32 =	vsub.f32 v37, v32;
	v23 =	vadd.f32 v22, v23;
	v24 =	vmul.f32 v31, v21  }
0x55: {  	v33 =	vsub.f32 v61, v33;
	v35 =	vsub.f32 v39, v35  }
0x56: {  	v32 =	vsub.f32 v37, v32;
	v26 =	vadd.f32 v23, v24  }
0x57: {  	v33 =	vsub.f32 v61, v33;
	v63 =	vsub.f32 v39, v35  }
0x58: {  	v41 =	vmul.f32 v32, v7;
	v25 =	vand.u32 $0x7FFFFFFF, v26  }
0x59: {  	v43 =	vmul.f32 v33, v10;
	v44 =	vmul.f32 v63, v11;
	vm1 =	vlt.f32 v25, $9.999999930e-09  }
0x5a: {  	v45 =	vmul.f32 v63, v12;
	v22 =	vbroadcast v27, $0x0;
	v26 =	vsel vm1, $0x322BCC77, v26  }
0x5b: {  	v23 =	vbroadcast v27, $0x1;
	(erf) = vrcp.f32 v26  }
0x5c: {  	v34 =	vmul.f32 v29, v22;
	v25 =	vbroadcast v27, $0x3  }
0x5d: {  	v24 =	vbroadcast v27, $0x2;
	v26 =	vbroadcast v27, $0x4  }
0x5e: {  	v36 =	vmul.f32 v30, v23;
	v29 =	vmul.f32 v29, v25  }
0x5f: {  	v27 =	vbroadcast v27, $0x5;
	v30 =	vmul.f32 v30, v26  }
0x60: {  	v42 =	vmul.f32 v32, v9;
	v34 =	vadd.f32 v36, v34;
	v36 =	vmul.f32 v33, v8  }
0x61: {  	v38 =	vmul.f32 v31, v24;
	v62 =	vmul.f32 v31, v27;
	v29 =	vadd.f32 v30, v29  }
0x62: {  	v32 =	vmul.f32 v32, v13;
	v35 =	vadd.f32 v36, v41;
	v30 =	vadd.f32 v43, v42  }
0x63: {  	v33 =	vmul.f32 v33, v14;
	v34 =	vadd.f32 v34, v38;
	v29 =	vadd.f32 v29, v62  }
0x64: {  	v35 =	vadd.f32 v44, v35;
	v30 =	vadd.f32 v45, v30;
	v46 =	vpop (erf)  }
0x65: {  	v32 =	vadd.f32 v33, v32;
	v31 =	vmul.f32 v63, v15;
	v29 =	vmul.f32 v46, v29  }
0x66: {  	v48 =	vadd.f32 v35, v16;
	v30 =	vadd.f32 v30, v17  }
0x67: {  	v31 =	vadd.f32 v31, v32;
	v34 =	vmul.f32 v46, v34;
	v29 =	vmul.f32 v29, v4  }
0x68: {  	v50 =	vmul.f32 $6.553700000e+04, v48;
	v52 =	vmul.f32 $6.553700000e+04, v30  }
0x69: {  	v47 =	vmul.f32 v34, v1;
	v51 =	vadd.f32 v29, v29;
	v29 =	vadd.f32 v31, v18  }
0x6a: {  	v34 =	vsub.f32 v50, v48;
	v30 =	vsub.f32 v52, v30  }
0x6b: {  	v49 =	vadd.f32 v47, v47;
	v53 =	vmul.f32 $6.553700000e+04, v29  }
0x6c: {  	v33 =	vsub.f32 v50, v34;
	v30 =	vsub.f32 v52, v30  }
0x6d: {  	v32 =	vadd.f32 $-1.000000000e+00, v49;
	v54 =	vsub.f32 v53, v29  }
0x6e: {  	v35 =	vadd.f32 $-1.000000000e+00, v51;
	v56 =	vmul.f32 v33, v19;
	v57 =	vmul.f32 v30, v20  }
0x6f: {  	v47 =	vmul.f32 v33, v22;
	v41 =	vmul.f32 v30, v23;
	v31 =	vsub.f32 v53, v54  }
0x70: {  	v33 =	vmul.f32 v33, v25;
	v32 =	vadd.f32 $1.000000000e+00, v32;
	v55 =	vadd.f32 $1.000000000e+00, v35  }
0x71: {  	v30 =	vmul.f32 v30, v26;
	v35 =	vadd.f32 v57, v56;
	v58 =	vmul.f32 v31, v21  }
0x72: {  	v32 =	vmul.f32 $8.750000000e+01, v32;
	v34 =	vmul.f32 $3.150000000e+01, v55  }
0x73: {  	v35 =	vadd.f32 v35, v58  }
0x74: {  	v30 =	vadd.f32 v30, v33;
	v32 =	vmax.f32 v32, $-1.000000000e+06;
	v34 =	vmax.f32 v34, $-1.000000000e+06  }
0x75: {  	v48 =	vmul.f32 v31, v24;
	v31 =	vmul.f32 v31, v27;
	v63 =	vand.u32 $0x7FFFFFFF, v35  }
0x76: {  	v32 =	vmin.f32 v32, $1.000000000e+06;
	v34 =	vmin.f32 v34, $1.000000000e+06;
	vm2 =	vlt.f32 v63, $9.999999930e-09  }
0x77: {  	v59 =	vtrunc.f32 v32;
	v61 =	vtrunc.f32 v34;
	v35 =	vsel vm2, $0x322BCC77, v35  }
0x78: {  	v60 =	vcvt.f32.s32 v59;
	vm1 =	vlt.f32 v32, v59;
	(erf) = vrcp.f32 v35  }
0x79: {  	v62 =	vcvt.f32.s32 v61;
	v40 =	vsel vm1, $0xFFFFFFFF, v0;
	vm1 =	vlt.f32 v34, v61  }
0x7a: {  	v30 =	vadd.f32 v30, v31;
	v42 =	vsel vm1, $0xFFFFFFFF, v0  }
0x7b: {  	v36 =	vadd.s32 v60, v40;
	v40 =	vadd.f32 v41, v47;
	v37 =	vadd.s32 v62, v42  }
0x7c: {  	v43 =	vcvt.s32.f32 v36;
	v45 =	vadd.s32 $0x1, v36;
	vm1 =	vlt.u32 v36, $0xB0  }
0x7d: {  	v44 =	vcvt.s32.f32 v37;
	v39 =	vadd.s32 $0x1, v37;
	v50 =	vadd.f32 v40, v48  }
0x7e: {  	v32 =	vsub.f32 v32, v43;
	v43 =	vsel vm1, $0x3F800000, v2;
	vm1 =	vlt.u32 v45, $0xB0  }
0x7f: {  	v34 =	vsub.f32 v34, v44;
	v51 =	vsel vm1, $0x3F800000, v2;
	vm1 =	vlt.u32 v37, $0x40  }
0x80: {  	v46 =	vsub.f32 $1.000000000e+00, v32;
	v53 =	vsel vm1, $0x3F800000, v2;
	vm1 =	vlt.u32 v39, $0x40  }
0x81: {  	v32 =	vmul.f32 v51, v32;
	v42 =	vsub.f32 $1.000000000e+00, v34;
	v54 =	vsel vm1, $0x3F800000, v2;
	v52 =	vpop (erf)  }
0x82: {  	vm1 =	vgt.s32 v36, $0x0;
	v49 =	vmul.f32 v46, v43;
	v35 =	vmul.f32 v52, v50  }
0x83: {  	v31 =	vmul.f32 v54, v34;
	v55 =	vnsel vm1, $0x0, v36;
	v30 =	vmul.f32 v52, v30  }
0x84: {  	vm1 =	vgt.s32 v37, $0x0;
	v40 =	vmul.f32 v42, v53;
	v35 =	vmul.f32 v35, v1  }
0x85: {  	v34 =	vmin.u32 v55, $0xAE;
	v56 =	vnsel vm1, $0x0, v37;
	v30 =	vmul.f32 v30, v4  }
0x86: {  	vm1 =	veq.s32 v36, v34;
	v41 =	vmin.u32 v56, $0x3E;
	v35 =	vadd.f32 v35, v35  }
0x87: {  	vm2 =	veq.s32 v45, v34;
	v58 =	vadd.s32 $0x1, v34;
	v30 =	vadd.f32 v30, v30  }
0x88: {  	v57 =	vnsel vm1, $0x0, v49;
	v59 =	vnsel vm2, $0x0, v32;
	v35 =	vadd.f32 $-1.000000000e+00, v35  }
0x89: {  	vm2 =	veq.s32 v36, v58;
	v32 =	vnsel vm1, $0x0, v32;
	v30 =	vadd.f32 $-1.000000000e+00, v30  }
0x8a: {  	vm1 =	veq.s32 v37, v41;
	v63 =	vadd.s32 $0x1, v41;
	v35 =	vadd.f32 $1.000000000e+00, v35  }
0x8b: {  	v33 =	vnsel vm2, $0x0, v49;
	v36 =	vadd.f32 v59, v57;
	v30 =	vadd.f32 $1.000000000e+00, v30  }
0x8c: {  	vm2 =	veq.s32 v39, v41;
	v61 =	vnsel vm1, $0x0, v40;
	v60 =	vmul.f32 $8.750000000e+01, v35  }
0x8d: {  	v32 =	vadd.f32 v32, v33;
	v52 =	vmul.u32 $0xB0, v41;
	v30 =	vmul.f32 $3.150000000e+01, v30  }
0x8e: {  	v62 =	vnsel vm2, $0x0, v31;
	v31 =	vnsel vm1, $0x0, v31;
	v33 =	vmax.f32 v60, $-1.000000000e+06  }
0x8f: {  	v34 =	vadd.s32 v34, v52;
	v30 =	vmax.f32 v30, $-1.000000000e+06;
	v33 =	vmin.f32 v33, $1.000000000e+06  }
0x90: {  	v35 =	vadd.f32 v62, v61;
	v30 =	vmin.f32 v30, $1.000000000e+06;
	v47 =	vtrunc.f32 v33  }
0x91: {  	v49 =	vtrunc.f32 v30;
	v48 =	vcvt.f32.s32 v47;
	vm2 =	vlt.f32 v33, v47  }
0x92: {  	v50 =	vcvt.f32.s32 v49;
	v44 =	vsel vm2, $0xFFFFFFFF, v0;
	vm2 =	vlt.f32 v30, v49  }
0x93: {  	v43 =	vsel vm2, $0xFFFFFFFF, v0;
	vm2 =	veq.s32 v37, v63;
	v51 =	vadd.s32 v48, v44  }
0x94: {  	v39 =	vadd.s32 v50, v43;
	v53 =	vcvt.s32.f32 v51;
	v40 =	vnsel vm2, $0x0, v40  }
0x95: {  	v55 =	vadd.s32 $0x1, v51;
	vm1 =	vlt.u32 v51, $0xB0;
	v54 =	vcvt.s32.f32 v39  }
0x96: {  	v31 =	vadd.f32 v31, v40;
	v56 =	vadd.s32 $0x1, v39;
	vm2 =	vlt.u32 v55, $0xB0  }
0x97: {  	[tilespmem:$0x3300] =	vst v34;
	v57 =	vsel vm1, $0x3F800000, v2;
	vm1 =	vlt.u32 v39, $0x40;
	v33 =	vsub.f32 v33, v53  }
0x98: {  	v52 =	vld [tilespmem:$0x3300];
	v58 =	vsel vm2, $0x3F800000, v2;
	v59 =	vsel vm1, $0x3F800000, v2;
	vm1 =	vlt.u32 v56, $0x40  }
0x99: {  	vm2 =	vgt.s32 v51, $0x0;
	v53 =	vmul.f32 v36, v35;
	v35 =	vmul.f32 v32, v35  }
0x9a: {  	v30 =	vsub.f32 v30, v54;
	v60 =	vsel vm1, $0x3F800000, v2;
	v61 =	vnsel vm2, $0x0, v51  }
0x9b: {  	vm1 =	vgt.s32 v39, $0x0;
	v36 =	vmul.f32 v36, v31;
	v31 =	vmul.f32 v32, v31  }
0x9c: {  	v41 =	vsub.f32 $1.000000000e+00, v33;
	v33 =	vmul.f32 v58, v33;
	v62 =	vmin.u32 v61, $0xAE  }
0x9d: {  	v63 =	vnsel vm1, $0x0, v39;
	v58 =	vshll.u32 v52, $0x2;
	v42 =	vsub.f32 $1.000000000e+00, v30  }
0x9e: {  	v30 =	vmul.f32 v60, v30;
	vm1 =	veq.s32 v55, v62;
	v48 =	vadd.s32 $0x1, v62  }
0x9f: {  	[tilespmem:$0x3480] =	vst v35;
	vm2 =	veq.s32 v51, v62;
	v49 =	vmin.u32 v63, $0x3E;
	v35 =	vand.u32 $0xFFFFFFE0, v58  }
0xa0: {  	v41 =	vmul.f32 v41, v57;
	v45 =	vnsel vm1, $0x0, v33;
	vm1 =	veq.s32 v51, v48  }
0xa1: {  	v33 =	vnsel vm2, $0x0, v33;
	v51 =	vadd.s32 $0x1, v49;
	v34 =	vmul.u32 $0xB0, v49  }
0xa2: {  	v42 =	vmul.f32 v42, v59;
	v59 =	vand.u32 $0x7, v52;
	v50 =	vnsel vm2, $0x0, v41  }
0xa3: {  	v38 =	vnsel vm1, $0x0, v41;
	vm1 =	veq.s32 v56, v49;
	vm2 =	veq.s32 v39, v51  }
0xa4: {  	v61 =	vor.u32 v59, v35;
	v54 =	vnsel vm1, $0x0, v30;
	vm1 =	veq.s32 v39, v49  }
0xa5: {  	[tilespmem:$0x3400] =	vst v53;
	v55 =	vadd.f32 v45, v50;
	v57 =	vnsel vm2, $0x0, v42;
	v56 =	vnsel vm1, $0x0, v42  }
0xa6: {  	[tilespmem:$0x3500] =	vst v36;
	vm2 =	vgt.f32 v28, $0.0e+00;
	v60 =	vadd.f32 v33, v38;
	v37 =	vadd.f32 v54, v56  }
0xa7: {  	[tilespmem:$0x3580] =	vst v31;
	v35 =	vperm.xlane v61, v3;
	v28 =	vsel vm2, $0x1, v0;
	v30 =	vnsel vm1, $0x0, v30  }
0xa8: {  	v30 =	vadd.f32 v30, v57;
	[tilespmem:$0x2680] =	vst v28;
	v28 =	vadd.s32 v62, v34;
	v62 =	vmul.f32 v55, v37  }
0xa9: {  	[tilespmem:$0x3310] =	vst v28;
	v28 =	vmul.f32 v60, v37  }
0xaa: {  	v63 =	vadd.s32 v5, v35;
	v32 =	vmul.f32 v55, v30;
	[tilespmem:$0x3410] =	vst v62  }
0xab: {  	[tilespmem:$0x3490] =	vst v28;
	v28 =	vmul.f32 v60, v30  }
0xac: {  	vm1 =	vgt.f32 v29, $0.0e+00;
	v29 =	vperm.xlane v61, v6;
	[tilespmem:$0x3510] =	vst v32  }
0xad: {  	[tilespmem:$0x3590] =	vst v28;
	v28 =	vsel vm1, $0x1, v0  }
0xae: {  	[tilespmem:$0x2690] =	vst v28;
	v28 =	vadd.s32 v5, v29  }
0xaf: {  	[tilespmem:s19], [sflag:$0x1] =	stream.indirect_vreg.gather [hbm4b:s4+s3], $0x80, v63, vm0, $0xb8;
	[tilespmem:$0xD800] =	vst v63  }
0xb0: {  	_ = 	snop  }
0xb1: {  	[tilespmem:s20], [sflag:$0x1] =	stream.indirect_vreg.gather [hbm4b:s9+s3], $0x80, v63, vm0, $0xb8;
	[tilespmem:$0xD800] =	vst v63  }
0xb2: {  	_ = 	snop  }
0xb3: {  	[tilespmem:s21], [sflag:$0x1] =	stream.indirect_vreg.gather [hbm4b:s4+s3], $0x80, v28, vm0, $0xb8;
	[tilespmem:$0xD800] =	vst v63  }
0xb4: {  	_ = 	snop  }
0xb5: {  	[tilespmem:s22], [sflag:$0x1] =	stream.indirect_vreg.gather [hbm4b:s9+s3], $0x80, v28, vm0, $0xb8;
	[tilespmem:$0xD800] =	vst v63  }
0xb6: {  	v28 =	vld [tilespmem:$0x3310];
	_ =	sdelay $0x4  }
0xb7: {  	v29 =	vshll.u32 v28, $0x2  }
0xb8: {  	v28 =	vand.u32 $0x7, v28;
	v29 =	vand.u32 $0xFFFFFFE0, v29  }
0xb9: {  	v28 =	vor.u32 v28, v29  }
0xba: {  	v29 =	vperm.xlane v28, v3;
	_ =	sdelay $0x1  }
0xbb: {  	v29 =	vadd.s32 v5, v29;
	_ =	sdelay $0x2  }
0xbc: {  	v28 =	vperm.xlane v28, v6;
	_ =	sdelay $0x1  }
0xbd: {  	v28 =	vadd.s32 v5, v28;
	[tilespmem:s23], [sflag:$0x1] =	stream.indirect_vreg.gather [hbm4b:s4+s3], $0x80, v29, vm0, $0xb8;
	[tilespmem:$0xD800] =	vst v63  }
0xbe: {  	_ = 	snop  }
0xbf: {  	[tilespmem:s24], [sflag:$0x1] =	stream.indirect_vreg.gather [hbm4b:s9+s3], $0x80, v29, vm0, $0xb8;
	[tilespmem:$0xD800] =	vst v63  }
.Ltmp2:
0xc0: {  	_ = 	snop;
	(pc) =	sbr.rel .LBB2_2-.Ltmp2, $4  }
0xc1: {  	_ = 	snop  }
0xc2: {  	[tilespmem:s25], [sflag:$0x1] =	stream.indirect_vreg.gather [hbm4b:s4+s3], $0x80, v28, vm0, $0xb8;
	[tilespmem:$0xD800] =	vst v63  }
0xc3: {  	s8 =	simm.s32 $0x0;
	s13 =	smov.u32 s7;
	s12 =	smov.u32 s10  }
0xc4: {  	[tilespmem:s26], [sflag:$0x1] =	stream.indirect_vreg.gather [hbm4b:s9+s3], $0x80, v28, vm0, $0xb8;
	[tilespmem:$0xD800] =	vst v63  }
.LBB2_4:
0xc5: {  	_ =	swait.ge [sflag:s18], $0x4000;
	s8 =	sadd.s32 $0x100, s8  }
0xc6: {  	[sflag:s18] =	ssyncset.done $0x0;
	p0 =	sne.s32 s8, $0x3100  }
.Ltmp3:
0xc7: {  	[sflag:s18] =	ssyncadd.s32 $0xFFFFC000;
	(pc) =	sbr.rel @!p0 .LBB2_5-.Ltmp3, $4  }
0xc8: {  	[hbm4b:s13+s3] =	stream.linear.scatter [tilespmem:s5], [sflag:$0x3], $0x1000, $0x38;
	[tilespmem:$0xD800] =	vst v63  }
0xc9: {  	_ =	swait.ge [sflag:s15], $0x1000  }
0xca: {  	[sflag:s15] =	ssyncset.done $0x0  }
0xcb: {  	s12 =	sadd.s32 $0x400, s12;
	s13 =	sadd.s32 $0x400, s13;
	[sflag:s15] =	ssyncadd.s32 $0xFFFFF000  }
.LBB2_2:
0xcc: {  	s11 =	sshra.s32 s8, $0x2  }
0xcd: {  	v28 =	vld [tilespmem:s11+$0x20]  }
0xce: {  	v29 =	vld [tilespmem:s11+$0xCA0]  }
0xcf: {  	v30 =	vld [tilespmem:s11+$0x1920];
	_ =	sdelay $0x2  }
0xd0: {  	v31 =	vmul.f32 $6.553700000e+04, v28  }
0xd1: {  	v32 =	vmul.f32 $6.553700000e+04, v29  }
0xd2: {  	v33 =	vmul.f32 $6.553700000e+04, v30;
	v28 =	vsub.f32 v31, v28  }
0xd3: {  	v29 =	vsub.f32 v32, v29  }
0xd4: {  	v30 =	vsub.f32 v33, v30;
	v28 =	vsub.f32 v31, v28  }
0xd5: {  	v29 =	vsub.f32 v32, v29  }
0xd6: {  	v30 =	vsub.f32 v33, v30;
	v31 =	vmul.f32 v28, v7  }
0xd7: {  	v32 =	vmul.f32 v29, v8;
	v57 =	vmul.f32 v28, v9  }
0xd8: {  	v34 =	vmul.f32 v29, v10;
	v58 =	vmul.f32 v30, v11  }
0xd9: {  	v28 =	vmul.f32 v28, v13;
	v29 =	vmul.f32 v29, v14  }
0xda: {  	v35 =	vmul.f32 v30, v12;
	v31 =	vadd.f32 v32, v31;
	v33 =	vadd.f32 v34, v57  }
0xdb: {  	v28 =	vadd.f32 v29, v28;
	v29 =	vmul.f32 v30, v15  }
0xdc: {  	v31 =	vadd.f32 v58, v31;
	v59 =	vadd.f32 v35, v33  }
0xdd: {  	v28 =	vadd.f32 v29, v28  }
0xde: {  	v60 =	vadd.f32 v31, v16;
	v61 =	vadd.f32 v59, v17  }
0xdf: {  	v28 =	vadd.f32 v28, v18  }
0xe0: {  	v29 =	vmul.f32 $6.553700000e+04, v60;
	v32 =	vmul.f32 $6.553700000e+04, v61  }
0xe1: {  	v62 =	vmul.f32 $6.553700000e+04, v28  }
0xe2: {  	v30 =	vsub.f32 v29, v60;
	v31 =	vsub.f32 v32, v61  }
0xe3: {  	v38 =	vsub.f32 v62, v28  }
0xe4: {  	v29 =	vsub.f32 v29, v30;
	v63 =	vsub.f32 v32, v31;
	_ =	sdelay $0x1  }
0xe5: {  	v31 =	vsub.f32 v62, v38;
	v39 =	vmul.f32 v29, v19;
	v40 =	vmul.f32 v63, v20  }
0xe6: {  	v42 =	vld [tilespmem:s11+$0x30]  }
0xe7: {  	v43 =	vld [tilespmem:s11+$0xCB0];
	v41 =	vmul.f32 v31, v21;
	v32 =	vadd.f32 v40, v39  }
0xe8: {  	v36 =	vld [tilespmem:s11+$0x1930]  }
0xe9: {  	v32 =	vadd.f32 v32, v41;
	_ =	sdelay $0x1  }
0xea: {  	v33 =	vand.u32 $0x7FFFFFFF, v32  }
0xeb: {  	v37 =	vmul.f32 $6.553700000e+04, v42;
	vm1 =	vlt.f32 v33, $9.999999930e-09  }
0xec: {  	v47 =	vmul.f32 $6.553700000e+04, v43;
	v38 =	vmul.f32 $6.553700000e+04, v36;
	v32 =	vsel vm1, $0x322BCC77, v32  }
0xed: {  	v44 =	vmul.f32 v29, v22;
	(erf) = vrcp.f32 v32  }
0xee: {  	v49 =	vsub.f32 v37, v42;
	v45 =	vmul.f32 v63, v23;
	v46 =	vmul.f32 v31, v24  }
0xef: {  	v29 =	vmul.f32 v29, v25;
	v30 =	vmul.f32 v63, v26  }
0xf0: {  	v48 =	vmul.f32 v31, v27;
	v31 =	vsub.f32 v37, v49;
	v33 =	vsub.f32 v47, v43  }
0xf1: {  	v52 =	vsub.f32 v38, v36;
	v34 =	vadd.f32 v45, v44  }
0xf2: {  	v29 =	vadd.f32 v30, v29;
	v33 =	vsub.f32 v47, v33  }
0xf3: {  	v53 =	vsub.f32 v38, v52;
	v54 =	vmul.f32 v31, v7;
	v55 =	vmul.f32 v31, v9  }
0xf4: {  	v31 =	vmul.f32 v31, v13;
	v34 =	vadd.f32 v34, v46;
	v56 =	vmul.f32 v33, v10  }
0xf5: {  	v29 =	vadd.f32 v29, v48;
	v57 =	vmul.f32 v53, v11;
	v35 =	vmul.f32 v33, v8  }
0xf6: {  	v38 =	vmul.f32 v53, v12;
	v33 =	vmul.f32 v33, v14;
	v36 =	vadd.f32 v56, v55;
	v50 =	vpop (erf)  }
0xf7: {  	v51 =	vmul.f32 v50, v34;
	v29 =	vmul.f32 v50, v29;
	v34 =	vadd.f32 v35, v54  }
0xf8: {  	v32 =	vmul.f32 v53, v15;
	v31 =	vadd.f32 v33, v31;
	v58 =	vadd.f32 v38, v36  }
0xf9: {  	v29 =	vmul.f32 v29, v4;
	v34 =	vadd.f32 v57, v34  }
0xfa: {  	v31 =	vadd.f32 v32, v31;
	v60 =	vadd.f32 v58, v17;
	v30 =	vmul.f32 v51, v1  }
0xfb: {  	v29 =	vadd.f32 v29, v29;
	v59 =	vadd.f32 v34, v16  }
0xfc: {  	v63 =	vmul.f32 $6.553700000e+04, v60;
	v30 =	vadd.f32 v30, v30  }
0xfd: {  	v61 =	vmul.f32 $6.553700000e+04, v59;
	v62 =	vadd.f32 $-1.000000000e+00, v29;
	v29 =	vadd.f32 v31, v18  }
0xfe: {  	v34 =	vsub.f32 v63, v60;
	v30 =	vadd.f32 $-1.000000000e+00, v30  }
0xff: {  	v33 =	vsub.f32 v61, v59;
	v40 =	vmul.f32 $6.553700000e+04, v29  }
0x100: {  	v31 =	vsub.f32 v63, v34;
	v30 =	vadd.f32 $1.000000000e+00, v30  }
0x101: {  	v32 =	vsub.f32 v61, v33;
	v41 =	vsub.f32 v40, v29  }
0x102: {  	v35 =	vadd.f32 $1.000000000e+00, v62;
	v44 =	vmul.f32 v31, v20  }
0x103: {  	v30 =	vmul.f32 $8.750000000e+01, v30;
	v33 =	vsub.f32 v40, v41;
	v43 =	vmul.f32 v32, v19  }
0x104: {  	v42 =	vmul.f32 $3.150000000e+01, v35  }
0x105: {  	v30 =	vmax.f32 v30, $-1.000000000e+06;
	v35 =	vadd.f32 v44, v43;
	v46 =	vmul.f32 v33, v21  }
0x106: {  	v34 =	vmax.f32 v42, $-1.000000000e+06;
	v30 =	vmin.f32 v30, $1.000000000e+06  }
0x107: {  	v34 =	vmin.f32 v34, $1.000000000e+06;
	v45 =	vtrunc.f32 v30;
	v35 =	vadd.f32 v35, v46  }
0x108: {  	v41 =	vmul.f32 v32, v22;
	v48 =	vtrunc.f32 v34;
	vm1 =	vlt.f32 v30, v45  }
0x109: {  	v39 =	vsel vm1, $0xFFFFFFFF, v0;
	vm1 =	vlt.f32 v34, v48;
	v51 =	vand.u32 $0x7FFFFFFF, v35  }
0x10a: {  	v42 =	vmul.f32 v31, v23;
	v40 =	vsel vm1, $0xFFFFFFFF, v0;
	vm1 =	vlt.f32 v51, $9.999999930e-09  }
0x10b: {  	v32 =	vmul.f32 v32, v25;
	v31 =	vmul.f32 v31, v26;
	v35 =	vsel vm1, $0x322BCC77, v35  }
0x10c: {  	v47 =	vcvt.f32.s32 v45;
	(erf) = vrcp.f32 v35  }
0x10d: {  	v41 =	vadd.f32 v42, v41;
	v57 =	vmul.f32 v33, v24;
	v49 =	vcvt.f32.s32 v48  }
0x10e: {  	v31 =	vadd.f32 v31, v32;
	v58 =	vmul.f32 v33, v27;
	v38 =	vadd.s32 v47, v39  }
0x10f: {  	v41 =	vadd.f32 v41, v57;
	v50 =	vcvt.s32.f32 v38;
	v36 =	vadd.s32 v49, v40  }
0x110: {  	v31 =	vadd.f32 v31, v58;
	v55 =	vadd.s32 $0x1, v38;
	v52 =	vcvt.s32.f32 v36  }
0x111: {  	v40 =	vadd.s32 $0x1, v36;
	v30 =	vsub.f32 v30, v50;
	vm1 =	vlt.u32 v38, $0xB0  }
0x112: {  	v34 =	vsub.f32 v34, v52;
	v54 =	vsel vm1, $0x3F800000, v2;
	vm1 =	vlt.u32 v55, $0xB0  }
0x113: {  	v53 =	vsub.f32 $1.000000000e+00, v30;
	v43 =	vsel vm1, $0x3F800000, v2;
	vm1 =	vlt.u32 v36, $0x40  }
0x114: {  	v56 =	vsub.f32 $1.000000000e+00, v34;
	v59 =	vsel vm1, $0x3F800000, v2;
	vm1 =	vlt.u32 v40, $0x40  }
0x115: {  	v30 =	vmul.f32 v43, v30;
	v35 =	vmul.f32 v53, v54;
	v61 =	vsel vm1, $0x3F800000, v2;
	v60 =	vpop (erf)  }
0x116: {  	vm1 =	vgt.s32 v38, $0x0;
	v33 =	vmul.f32 v56, v59;
	v41 =	vmul.f32 v60, v41  }
0x117: {  	v34 =	vmul.f32 v61, v34;
	v62 =	vnsel vm1, $0x0, v38;
	v31 =	vmul.f32 v60, v31  }
0x118: {  	vm1 =	vgt.s32 v36, $0x0;
	v63 =	vmin.u32 v62, $0xAE;
	v45 =	vmul.f32 v41, v1  }
0x119: {  	v46 =	vnsel vm1, $0x0, v36;
	vm1 =	veq.s32 v38, v63;
	v31 =	vmul.f32 v31, v4  }
0x11a: {  	vm2 =	veq.s32 v55, v63;
	v48 =	vadd.s32 $0x1, v63;
	v37 =	vadd.f32 v45, v45  }
0x11b: {  	v47 =	vnsel vm1, $0x0, v35;
	v43 =	vnsel vm2, $0x0, v30;
	v31 =	vadd.f32 v31, v31  }
0x11c: {  	vm2 =	veq.s32 v38, v48;
	v30 =	vnsel vm1, $0x0, v30;
	v37 =	vadd.f32 $-1.000000000e+00, v37  }
0x11d: {  	v38 =	vadd.f32 v43, v47;
	v35 =	vnsel vm2, $0x0, v35;
	v31 =	vadd.f32 $-1.000000000e+00, v31  }
0x11e: {  	v30 =	vadd.f32 v30, v35;
	v41 =	vmin.u32 v46, $0x3E;
	v37 =	vadd.f32 $1.000000000e+00, v37  }
0x11f: {  	vm1 =	veq.s32 v36, v41;
	vm2 =	veq.s32 v40, v41;
	v31 =	vadd.f32 $1.000000000e+00, v31  }
0x120: {  	v50 =	vadd.s32 $0x1, v41;
	v52 =	vmul.u32 $0xB0, v41;
	v37 =	vmul.f32 $8.750000000e+01, v37  }
0x121: {  	v49 =	vnsel vm1, $0x0, v33;
	v40 =	vnsel vm2, $0x0, v34;
	v31 =	vmul.f32 $3.150000000e+01, v31  }
0x122: {  	vm2 =	veq.s32 v36, v50;
	v34 =	vnsel vm1, $0x0, v34;
	v51 =	vmax.f32 v37, $-1.000000000e+06  }
0x123: {  	v35 =	vadd.f32 v40, v49;
	v31 =	vmax.f32 v31, $-1.000000000e+06;
	v36 =	vmin.f32 v51, $1.000000000e+06  }
0x124: {  	v33 =	vnsel vm2, $0x0, v33;
	v31 =	vmin.f32 v31, $1.000000000e+06;
	v53 =	vtrunc.f32 v36  }
0x125: {  	v55 =	vtrunc.f32 v31;
	v54 =	vcvt.f32.s32 v53;
	vm1 =	vlt.f32 v36, v53  }
0x126: {  	v56 =	vcvt.f32.s32 v55;
	v57 =	vsel vm1, $0xFFFFFFFF, v0;
	vm1 =	vlt.f32 v31, v55  }
0x127: {  	v32 =	vadd.s32 v63, v52;
	v33 =	vadd.f32 v34, v33;
	v59 =	vsel vm1, $0xFFFFFFFF, v0  }
0x128: {  	v58 =	vadd.s32 v54, v57;
	vm1 =	vgt.f32 v28, $0.0e+00;
	v60 =	vadd.s32 v56, v59  }
0x129: {  	v61 =	vcvt.s32.f32 v58;
	v28 =	vadd.s32 $0x1, v58;
	vm2 =	vlt.u32 v58, $0xB0  }
0x12a: {  	v54 =	vsel vm1, $0x1, v0;
	v40 =	vcvt.s32.f32 v60;
	v62 =	vadd.s32 $0x1, v60  }
0x12b: {  	v63 =	vsel vm2, $0x3F800000, v2;
	vm2 =	vlt.u32 v28, $0xB0;
	vm1 =	vgt.s32 v60, $0x0  }
0x12c: {  	v36 =	vsub.f32 v36, v61;
	v49 =	vsel vm2, $0x3F800000, v2;
	vm2 =	vlt.u32 v60, $0x40  }
0x12d: {  	v55 =	vnsel vm1, $0x0, v60;
	v31 =	vsub.f32 v31, v40;
	v44 =	vsel vm2, $0x3F800000, v2  }
0x12e: {  	vm2 =	vgt.s32 v58, $0x0;
	v42 =	vmin.u32 v55, $0x3E;
	v48 =	vsub.f32 $1.000000000e+00, v36  }
0x12f: {  	v51 =	vnsel vm2, $0x0, v58;
	vm2 =	vlt.u32 v62, $0x40;
	v36 =	vmul.f32 v49, v36  }
0x130: {  	v50 =	vsub.f32 $1.000000000e+00, v31;
	v52 =	vsel vm2, $0x3F800000, v2;
	v40 =	vmin.u32 v51, $0xAE  }
0x131: {  	v39 =	vmul.f32 v48, v63;
	v31 =	vmul.f32 v52, v31;
	v53 =	vadd.s32 $0x1, v40  }
0x132: {  	vm1 =	veq.s32 v58, v40;
	v43 =	vmul.f32 v50, v44;
	vm2 =	veq.s32 v58, v53  }
0x133: {  	v56 =	vnsel vm2, $0x0, v39;
	vm2 =	veq.s32 v28, v40;
	v28 =	vmul.f32 v38, v35  }
0x134: {  	v58 =	vadd.s32 $0x1, v42;
	v35 =	vmul.f32 v30, v35;
	v38 =	vmul.f32 v38, v33  }
0x135: {  	[tilespmem:$0x3380] =	vst v32;
	v39 =	vnsel vm1, $0x0, v39;
	v30 =	vmul.f32 v30, v33;
	v57 =	vnsel vm2, $0x0, v36  }
0x136: {  	v36 =	vnsel vm1, $0x0, v36;
	vm1 =	veq.s32 v62, v42;
	vm2 =	veq.s32 v60, v42;
	[tilespmem:$0x3600] =	vst v28  }
0x137: {  	v28 =	vnsel vm1, $0x0, v31;
	vm1 =	veq.s32 v60, v58;
	[tilespmem:$0x3680] =	vst v35;
	v59 =	vnsel vm2, $0x0, v43  }
0x138: {  	[tilespmem:$0x3700] =	vst v38;
	v32 =	vadd.f32 v57, v39;
	v60 =	vmul.u32 $0xB0, v42;
	v28 =	vadd.f32 v28, v59  }
0x139: {  	[tilespmem:$0x3780] =	vst v30;
	v61 =	vadd.f32 v36, v56;
	v31 =	vnsel vm2, $0x0, v31;
	v62 =	vnsel vm1, $0x0, v43  }
0x13a: {  	[tilespmem:s11+$0x26A0] =	vst v54;
	v31 =	vadd.f32 v31, v62;
	v33 =	vadd.s32 v40, v60;
	v63 =	vmul.f32 v32, v28  }
0x13b: {  	[tilespmem:$0x3390] =	vst v33;
	v28 =	vmul.f32 v61, v28  }
0x13c: {  	v32 =	vmul.f32 v32, v31;
	[tilespmem:$0x3610] =	vst v63  }
0x13d: {  	[tilespmem:$0x3690] =	vst v28;
	v28 =	vmul.f32 v61, v31  }
0x13e: {  	vm1 =	vgt.f32 v29, $0.0e+00;
	[tilespmem:$0x3710] =	vst v32  }
0x13f: {  	[tilespmem:$0x3790] =	vst v28;
	v28 =	vsel vm1, $0x1, v0  }
0x140: {  	[tilespmem:s11+$0x26B0] =	vst v28  }
0x141: {  	v28 =	vld [tilespmem:$0x3380];
	_ =	sdelay $0x4  }
0x142: {  	v29 =	vshll.u32 v28, $0x2  }
0x143: {  	v28 =	vand.u32 $0x7, v28;
	v29 =	vand.u32 $0xFFFFFFE0, v29  }
0x144: {  	v28 =	vor.u32 v28, v29  }
0x145: {  	v29 =	vperm.xlane v28, v3;
	_ =	sdelay $0x1  }
0x146: {  	v29 =	vadd.s32 v5, v29;
	_ =	sdelay $0x1  }
0x147: {  	v28 =	vperm.xlane v28, v6;
	_ =	sdelay $0x1  }
0x148: {  	v28 =	vadd.s32 v5, v28  }
0x149: {  	[tilespmem:s28], [sflag:$0x2] =	stream.indirect_vreg.gather [hbm4b:s4+s3], $0x80, v29, vm0, $0xb8;
	[tilespmem:$0xD800] =	vst v63  }
0x14a: {  	_ = 	snop  }
0x14b: {  	[tilespmem:s29], [sflag:$0x2] =	stream.indirect_vreg.gather [hbm4b:s9+s3], $0x80, v29, vm0, $0xb8;
	[tilespmem:$0xD800] =	vst v63  }
0x14c: {  	_ = 	snop  }
0x14d: {  	[tilespmem:s30], [sflag:$0x2] =	stream.indirect_vreg.gather [hbm4b:s4+s3], $0x80, v28, vm0, $0xb8;
	[tilespmem:$0xD800] =	vst v63  }
0x14e: {  	_ = 	snop  }
0x14f: {  	[tilespmem:s31], [sflag:$0x2] =	stream.indirect_vreg.gather [hbm4b:s9+s3], $0x80, v28, vm0, $0xb8;
	[tilespmem:$0xD800] =	vst v63  }
0x150: {  	v28 =	vld [tilespmem:$0x3390];
	_ =	sdelay $0x4  }
0x151: {  	v29 =	vshll.u32 v28, $0x2  }
0x152: {  	v28 =	vand.u32 $0x7, v28;
	v29 =	vand.u32 $0xFFFFFFE0, v29  }
0x153: {  	v28 =	vor.u32 v28, v29  }
0x154: {  	v29 =	vperm.xlane v28, v3;
	_ =	sdelay $0x1  }
0x155: {  	v29 =	vadd.s32 v5, v29;
	_ =	sdelay $0x1  }
0x156: {  	v28 =	vperm.xlane v28, v6;
	_ =	sdelay $0x1  }
0x157: {  	v28 =	vadd.s32 v5, v28  }
0x158: {  	[tilespmem:s0], [sflag:$0x2] =	stream.indirect_vreg.gather [hbm4b:s4+s3], $0x80, v29, vm0, $0xb8;
	[tilespmem:$0xD800] =	vst v63  }
0x159: {  	_ = 	snop  }
0x15a: {  	[tilespmem:s1], [sflag:$0x2] =	stream.indirect_vreg.gather [hbm4b:s9+s3], $0x80, v29, vm0, $0xb8;
	[tilespmem:$0xD800] =	vst v63  }
0x15b: {  	_ = 	snop  }
0x15c: {  	[tilespmem:s2], [sflag:$0x2] =	stream.indirect_vreg.gather [hbm4b:s4+s3], $0x80, v28, vm0, $0xb8;
	[tilespmem:$0xD800] =	vst v63  }
0x15d: {  	_ = 	snop  }
0x15e: {  	[tilespmem:s14], [sflag:$0x2] =	stream.indirect_vreg.gather [hbm4b:s9+s3], $0x80, v28, vm0, $0xb8;
	[tilespmem:$0xD800] =	vst v63  }
0x15f: {  	_ =	swait.ge [sflag:s16], $0x4000  }
0x160: {  	p0 =	seq.s32 s8, $0x3000;
	[sflag:s16] =	ssyncset.done $0x0  }
.Ltmp4:
0x161: {  	[sflag:s16] =	ssyncadd.s32 $0xFFFFC000;
	(pc) =	sbr.rel @p0 .LBB2_4-.Ltmp4, $4  }
0x162: {  	[hbm4b:s12+s3] =	stream.linear.scatter [tilespmem:s17], [sflag:$0x3], $0x1000, $0x38;
	[tilespmem:$0xD800] =	vst v63  }
0x163: {  	_ =	swait.ge [sflag:s15], $0x1000  }
0x164: {  	[sflag:s15] =	ssyncset.done $0x0  }
0x165: {  	[sflag:s15] =	ssyncadd.s32 $0xFFFFF000  }
0x166: {  	v28 =	vld [tilespmem:s11+$0x40]  }
0x167: {  	v29 =	vld [tilespmem:s11+$0xCC0]  }
0x168: {  	v30 =	vld [tilespmem:s11+$0x1940];
	_ =	sdelay $0x2  }
0x169: {  	v31 =	vmul.f32 $6.553700000e+04, v28  }
0x16a: {  	v32 =	vmul.f32 $6.553700000e+04, v29  }
0x16b: {  	v33 =	vmul.f32 $6.553700000e+04, v30;
	v28 =	vsub.f32 v31, v28  }
0x16c: {  	v29 =	vsub.f32 v32, v29  }
0x16d: {  	v30 =	vsub.f32 v33, v30;
	v28 =	vsub.f32 v31, v28  }
0x16e: {  	v29 =	vsub.f32 v32, v29  }
0x16f: {  	v30 =	vsub.f32 v33, v30;
	v31 =	vmul.f32 v28, v7  }
0x170: {  	v32 =	vmul.f32 v29, v8;
	v57 =	vmul.f32 v28, v9  }
0x171: {  	v34 =	vmul.f32 v29, v10;
	v58 =	vmul.f32 v30, v11  }
0x172: {  	v28 =	vmul.f32 v28, v13;
	v29 =	vmul.f32 v29, v14  }
0x173: {  	v35 =	vmul.f32 v30, v12;
	v31 =	vadd.f32 v32, v31;
	v33 =	vadd.f32 v34, v57  }
0x174: {  	v28 =	vadd.f32 v29, v28;
	v29 =	vmul.f32 v30, v15  }
0x175: {  	v31 =	vadd.f32 v58, v31;
	v59 =	vadd.f32 v35, v33  }
0x176: {  	v28 =	vadd.f32 v29, v28  }
0x177: {  	v60 =	vadd.f32 v31, v16;
	v61 =	vadd.f32 v59, v17  }
0x178: {  	v28 =	vadd.f32 v28, v18  }
0x179: {  	v29 =	vmul.f32 $6.553700000e+04, v60;
	v32 =	vmul.f32 $6.553700000e+04, v61  }
0x17a: {  	v62 =	vmul.f32 $6.553700000e+04, v28  }
0x17b: {  	v30 =	vsub.f32 v29, v60;
	v31 =	vsub.f32 v32, v61  }
0x17c: {  	v38 =	vsub.f32 v62, v28  }
0x17d: {  	v29 =	vsub.f32 v29, v30;
	v63 =	vsub.f32 v32, v31;
	_ =	sdelay $0x1  }
0x17e: {  	v31 =	vsub.f32 v62, v38;
	v39 =	vmul.f32 v29, v19;
	v40 =	vmul.f32 v63, v20  }
0x17f: {  	v42 =	vld [tilespmem:s11+$0x50]  }
0x180: {  	v43 =	vld [tilespmem:s11+$0xCD0];
	v41 =	vmul.f32 v31, v21;
	v32 =	vadd.f32 v40, v39  }
0x181: {  	v36 =	vld [tilespmem:s11+$0x1950]  }
0x182: {  	v32 =	vadd.f32 v32, v41;
	_ =	sdelay $0x1  }
0x183: {  	v33 =	vand.u32 $0x7FFFFFFF, v32  }
0x184: {  	v37 =	vmul.f32 $6.553700000e+04, v42;
	vm1 =	vlt.f32 v33, $9.999999930e-09  }
0x185: {  	v47 =	vmul.f32 $6.553700000e+04, v43;
	v38 =	vmul.f32 $6.553700000e+04, v36;
	v32 =	vsel vm1, $0x322BCC77, v32  }
0x186: {  	v44 =	vmul.f32 v29, v22;
	(erf) = vrcp.f32 v32  }
0x187: {  	v49 =	vsub.f32 v37, v42;
	v45 =	vmul.f32 v63, v23;
	v46 =	vmul.f32 v31, v24  }
0x188: {  	v29 =	vmul.f32 v29, v25;
	v30 =	vmul.f32 v63, v26  }
0x189: {  	v48 =	vmul.f32 v31, v27;
	v31 =	vsub.f32 v37, v49;
	v33 =	vsub.f32 v47, v43  }
0x18a: {  	v52 =	vsub.f32 v38, v36;
	v34 =	vadd.f32 v45, v44  }
0x18b: {  	v29 =	vadd.f32 v30, v29;
	v33 =	vsub.f32 v47, v33  }
0x18c: {  	v53 =	vsub.f32 v38, v52;
	v54 =	vmul.f32 v31, v7;
	v55 =	vmul.f32 v31, v9  }
0x18d: {  	v31 =	vmul.f32 v31, v13;
	v34 =	vadd.f32 v34, v46;
	v56 =	vmul.f32 v33, v10  }
0x18e: {  	v29 =	vadd.f32 v29, v48;
	v57 =	vmul.f32 v53, v11;
	v35 =	vmul.f32 v33, v8  }
0x18f: {  	v38 =	vmul.f32 v53, v12;
	v33 =	vmul.f32 v33, v14;
	v36 =	vadd.f32 v56, v55;
	v50 =	vpop (erf)  }
0x190: {  	v51 =	vmul.f32 v50, v34;
	v29 =	vmul.f32 v50, v29;
	v34 =	vadd.f32 v35, v54  }
0x191: {  	v32 =	vmul.f32 v53, v15;
	v31 =	vadd.f32 v33, v31;
	v58 =	vadd.f32 v38, v36  }
0x192: {  	v29 =	vmul.f32 v29, v4;
	v34 =	vadd.f32 v57, v34  }
0x193: {  	v31 =	vadd.f32 v32, v31;
	v60 =	vadd.f32 v58, v17;
	v30 =	vmul.f32 v51, v1  }
0x194: {  	v29 =	vadd.f32 v29, v29;
	v59 =	vadd.f32 v34, v16  }
0x195: {  	v63 =	vmul.f32 $6.553700000e+04, v60;
	v30 =	vadd.f32 v30, v30  }
0x196: {  	v61 =	vmul.f32 $6.553700000e+04, v59;
	v62 =	vadd.f32 $-1.000000000e+00, v29;
	v29 =	vadd.f32 v31, v18  }
0x197: {  	v34 =	vsub.f32 v63, v60;
	v30 =	vadd.f32 $-1.000000000e+00, v30  }
0x198: {  	v33 =	vsub.f32 v61, v59;
	v40 =	vmul.f32 $6.553700000e+04, v29  }
0x199: {  	v31 =	vsub.f32 v63, v34;
	v30 =	vadd.f32 $1.000000000e+00, v30  }
0x19a: {  	v32 =	vsub.f32 v61, v33;
	v41 =	vsub.f32 v40, v29  }
0x19b: {  	v35 =	vadd.f32 $1.000000000e+00, v62;
	v44 =	vmul.f32 v31, v20  }
0x19c: {  	v30 =	vmul.f32 $8.750000000e+01, v30;
	v33 =	vsub.f32 v40, v41;
	v43 =	vmul.f32 v32, v19  }
0x19d: {  	v42 =	vmul.f32 $3.150000000e+01, v35  }
0x19e: {  	v30 =	vmax.f32 v30, $-1.000000000e+06;
	v35 =	vadd.f32 v44, v43;
	v46 =	vmul.f32 v33, v21  }
0x19f: {  	v34 =	vmax.f32 v42, $-1.000000000e+06;
	v30 =	vmin.f32 v30, $1.000000000e+06  }
0x1a0: {  	v34 =	vmin.f32 v34, $1.000000000e+06;
	v45 =	vtrunc.f32 v30;
	v35 =	vadd.f32 v35, v46  }
0x1a1: {  	v41 =	vmul.f32 v32, v22;
	v48 =	vtrunc.f32 v34;
	vm1 =	vlt.f32 v30, v45  }
0x1a2: {  	v39 =	vsel vm1, $0xFFFFFFFF, v0;
	vm1 =	vlt.f32 v34, v48;
	v51 =	vand.u32 $0x7FFFFFFF, v35  }
0x1a3: {  	v42 =	vmul.f32 v31, v23;
	v40 =	vsel vm1, $0xFFFFFFFF, v0;
	vm1 =	vlt.f32 v51, $9.999999930e-09  }
0x1a4: {  	v32 =	vmul.f32 v32, v25;
	v31 =	vmul.f32 v31, v26;
	v35 =	vsel vm1, $0x322BCC77, v35  }
0x1a5: {  	v47 =	vcvt.f32.s32 v45;
	(erf) = vrcp.f32 v35  }
0x1a6: {  	v41 =	vadd.f32 v42, v41;
	v57 =	vmul.f32 v33, v24;
	v49 =	vcvt.f32.s32 v48  }
0x1a7: {  	v31 =	vadd.f32 v31, v32;
	v58 =	vmul.f32 v33, v27;
	v38 =	vadd.s32 v47, v39  }
0x1a8: {  	v41 =	vadd.f32 v41, v57;
	v50 =	vcvt.s32.f32 v38;
	v36 =	vadd.s32 v49, v40  }
0x1a9: {  	v31 =	vadd.f32 v31, v58;
	v55 =	vadd.s32 $0x1, v38;
	v52 =	vcvt.s32.f32 v36  }
0x1aa: {  	v40 =	vadd.s32 $0x1, v36;
	v30 =	vsub.f32 v30, v50;
	vm1 =	vlt.u32 v38, $0xB0  }
0x1ab: {  	v34 =	vsub.f32 v34, v52;
	v54 =	vsel vm1, $0x3F800000, v2;
	vm1 =	vlt.u32 v55, $0xB0  }
0x1ac: {  	v53 =	vsub.f32 $1.000000000e+00, v30;
	v43 =	vsel vm1, $0x3F800000, v2;
	vm1 =	vlt.u32 v36, $0x40  }
0x1ad: {  	v56 =	vsub.f32 $1.000000000e+00, v34;
	v59 =	vsel vm1, $0x3F800000, v2;
	vm1 =	vlt.u32 v40, $0x40  }
0x1ae: {  	v30 =	vmul.f32 v43, v30;
	v35 =	vmul.f32 v53, v54;
	v61 =	vsel vm1, $0x3F800000, v2;
	v60 =	vpop (erf)  }
0x1af: {  	vm1 =	vgt.s32 v38, $0x0;
	v33 =	vmul.f32 v56, v59;
	v41 =	vmul.f32 v60, v41  }
0x1b0: {  	v34 =	vmul.f32 v61, v34;
	v62 =	vnsel vm1, $0x0, v38;
	v31 =	vmul.f32 v60, v31  }
0x1b1: {  	vm1 =	vgt.s32 v36, $0x0;
	v63 =	vmin.u32 v62, $0xAE;
	v45 =	vmul.f32 v41, v1  }
0x1b2: {  	v46 =	vnsel vm1, $0x0, v36;
	vm1 =	veq.s32 v38, v63;
	v31 =	vmul.f32 v31, v4  }
0x1b3: {  	vm2 =	veq.s32 v55, v63;
	v48 =	vadd.s32 $0x1, v63;
	v37 =	vadd.f32 v45, v45  }
0x1b4: {  	v47 =	vnsel vm1, $0x0, v35;
	v43 =	vnsel vm2, $0x0, v30;
	v31 =	vadd.f32 v31, v31  }
0x1b5: {  	vm2 =	veq.s32 v38, v48;
	v30 =	vnsel vm1, $0x0, v30;
	v37 =	vadd.f32 $-1.000000000e+00, v37  }
0x1b6: {  	v38 =	vadd.f32 v43, v47;
	v35 =	vnsel vm2, $0x0, v35;
	v31 =	vadd.f32 $-1.000000000e+00, v31  }
0x1b7: {  	v30 =	vadd.f32 v30, v35;
	v41 =	vmin.u32 v46, $0x3E;
	v37 =	vadd.f32 $1.000000000e+00, v37  }
0x1b8: {  	vm1 =	veq.s32 v36, v41;
	vm2 =	veq.s32 v40, v41;
	v31 =	vadd.f32 $1.000000000e+00, v31  }
0x1b9: {  	v50 =	vadd.s32 $0x1, v41;
	v52 =	vmul.u32 $0xB0, v41;
	v37 =	vmul.f32 $8.750000000e+01, v37  }
0x1ba: {  	v49 =	vnsel vm1, $0x0, v33;
	v40 =	vnsel vm2, $0x0, v34;
	v31 =	vmul.f32 $3.150000000e+01, v31  }
0x1bb: {  	vm2 =	veq.s32 v36, v50;
	v34 =	vnsel vm1, $0x0, v34;
	v51 =	vmax.f32 v37, $-1.000000000e+06  }
0x1bc: {  	v35 =	vadd.f32 v40, v49;
	v31 =	vmax.f32 v31, $-1.000000000e+06;
	v36 =	vmin.f32 v51, $1.000000000e+06  }
0x1bd: {  	v33 =	vnsel vm2, $0x0, v33;
	v31 =	vmin.f32 v31, $1.000000000e+06;
	v53 =	vtrunc.f32 v36  }
0x1be: {  	v55 =	vtrunc.f32 v31;
	v54 =	vcvt.f32.s32 v53;
	vm1 =	vlt.f32 v36, v53  }
0x1bf: {  	v56 =	vcvt.f32.s32 v55;
	v57 =	vsel vm1, $0xFFFFFFFF, v0;
	vm1 =	vlt.f32 v31, v55  }
0x1c0: {  	v32 =	vadd.s32 v63, v52;
	v33 =	vadd.f32 v34, v33;
	v59 =	vsel vm1, $0xFFFFFFFF, v0  }
0x1c1: {  	v58 =	vadd.s32 v54, v57;
	vm1 =	vgt.f32 v28, $0.0e+00;
	v60 =	vadd.s32 v56, v59  }
0x1c2: {  	v61 =	vcvt.s32.f32 v58;
	v28 =	vadd.s32 $0x1, v58;
	vm2 =	vlt.u32 v58, $0xB0  }
0x1c3: {  	v54 =	vsel vm1, $0x1, v0;
	v40 =	vcvt.s32.f32 v60;
	v62 =	vadd.s32 $0x1, v60  }
0x1c4: {  	v63 =	vsel vm2, $0x3F800000, v2;
	vm2 =	vlt.u32 v28, $0xB0;
	vm1 =	vgt.s32 v60, $0x0  }
0x1c5: {  	v36 =	vsub.f32 v36, v61;
	v49 =	vsel vm2, $0x3F800000, v2;
	vm2 =	vlt.u32 v60, $0x40  }
0x1c6: {  	v55 =	vnsel vm1, $0x0, v60;
	v31 =	vsub.f32 v31, v40;
	v44 =	vsel vm2, $0x3F800000, v2  }
0x1c7: {  	vm2 =	vgt.s32 v58, $0x0;
	v42 =	vmin.u32 v55, $0x3E;
	v48 =	vsub.f32 $1.000000000e+00, v36  }
0x1c8: {  	v51 =	vnsel vm2, $0x0, v58;
	vm2 =	vlt.u32 v62, $0x40;
	v36 =	vmul.f32 v49, v36  }
0x1c9: {  	v50 =	vsub.f32 $1.000000000e+00, v31;
	v52 =	vsel vm2, $0x3F800000, v2;
	v40 =	vmin.u32 v51, $0xAE  }
0x1ca: {  	v39 =	vmul.f32 v48, v63;
	v31 =	vmul.f32 v52, v31;
	v53 =	vadd.s32 $0x1, v40  }
0x1cb: {  	vm1 =	veq.s32 v58, v40;
	v43 =	vmul.f32 v50, v44;
	vm2 =	veq.s32 v58, v53  }
0x1cc: {  	v56 =	vnsel vm2, $0x0, v39;
	vm2 =	veq.s32 v28, v40;
	v28 =	vmul.f32 v38, v35  }
0x1cd: {  	v58 =	vadd.s32 $0x1, v42;
	v35 =	vmul.f32 v30, v35;
	v38 =	vmul.f32 v38, v33  }
0x1ce: {  	[tilespmem:$0x3300] =	vst v32;
	v39 =	vnsel vm1, $0x0, v39;
	v30 =	vmul.f32 v30, v33;
	v57 =	vnsel vm2, $0x0, v36  }
0x1cf: {  	v36 =	vnsel vm1, $0x0, v36;
	vm1 =	veq.s32 v62, v42;
	vm2 =	veq.s32 v60, v42;
	[tilespmem:$0x3400] =	vst v28  }
0x1d0: {  	v28 =	vnsel vm1, $0x0, v31;
	vm1 =	veq.s32 v60, v58;
	[tilespmem:$0x3480] =	vst v35;
	v59 =	vnsel vm2, $0x0, v43  }
0x1d1: {  	[tilespmem:$0x3500] =	vst v38;
	v32 =	vadd.f32 v57, v39;
	v60 =	vmul.u32 $0xB0, v42;
	v28 =	vadd.f32 v28, v59  }
0x1d2: {  	[tilespmem:$0x3580] =	vst v30;
	v61 =	vadd.f32 v36, v56;
	v31 =	vnsel vm2, $0x0, v31;
	v62 =	vnsel vm1, $0x0, v43  }
0x1d3: {  	[tilespmem:s11+$0x26C0] =	vst v54;
	v31 =	vadd.f32 v31, v62;
	v33 =	vadd.s32 v40, v60;
	v63 =	vmul.f32 v32, v28  }
0x1d4: {  	[tilespmem:$0x3310] =	vst v33;
	v28 =	vmul.f32 v61, v28  }
0x1d5: {  	v32 =	vmul.f32 v32, v31;
	[tilespmem:$0x3410] =	vst v63  }
0x1d6: {  	[tilespmem:$0x3490] =	vst v28;
	v28 =	vmul.f32 v61, v31  }
0x1d7: {  	vm1 =	vgt.f32 v29, $0.0e+00;
	[tilespmem:$0x3510] =	vst v32  }
0x1d8: {  	[tilespmem:$0x3590] =	vst v28;
	v28 =	vsel vm1, $0x1, v0  }
0x1d9: {  	[tilespmem:s11+$0x26D0] =	vst v28  }
0x1da: {  	v28 =	vld [tilespmem:$0x3300];
	_ =	sdelay $0x4  }
0x1db: {  	v29 =	vshll.u32 v28, $0x2  }
0x1dc: {  	v28 =	vand.u32 $0x7, v28;
	v29 =	vand.u32 $0xFFFFFFE0, v29  }
0x1dd: {  	v28 =	vor.u32 v28, v29  }
0x1de: {  	v29 =	vperm.xlane v28, v3;
	_ =	sdelay $0x1  }
0x1df: {  	v29 =	vadd.s32 v5, v29;
	_ =	sdelay $0x1  }
0x1e0: {  	v28 =	vperm.xlane v28, v6;
	_ =	sdelay $0x1  }
0x1e1: {  	v28 =	vadd.s32 v5, v28  }
0x1e2: {  	[tilespmem:s19], [sflag:$0x1] =	stream.indirect_vreg.gather [hbm4b:s4+s3], $0x80, v29, vm0, $0xb8;
	[tilespmem:$0xD800] =	vst v63  }
0x1e3: {  	_ = 	snop  }
0x1e4: {  	[tilespmem:s20], [sflag:$0x1] =	stream.indirect_vreg.gather [hbm4b:s9+s3], $0x80, v29, vm0, $0xb8;
	[tilespmem:$0xD800] =	vst v63  }
0x1e5: {  	_ = 	snop  }
0x1e6: {  	[tilespmem:s21], [sflag:$0x1] =	stream.indirect_vreg.gather [hbm4b:s4+s3], $0x80, v28, vm0, $0xb8;
	[tilespmem:$0xD800] =	vst v63  }
0x1e7: {  	_ = 	snop  }
0x1e8: {  	[tilespmem:s22], [sflag:$0x1] =	stream.indirect_vreg.gather [hbm4b:s9+s3], $0x80, v28, vm0, $0xb8;
	[tilespmem:$0xD800] =	vst v63  }
0x1e9: {  	v28 =	vld [tilespmem:$0x3310];
	_ =	sdelay $0x4  }
0x1ea: {  	v29 =	vshll.u32 v28, $0x2  }
0x1eb: {  	v28 =	vand.u32 $0x7, v28;
	v29 =	vand.u32 $0xFFFFFFE0, v29  }
0x1ec: {  	v28 =	vor.u32 v28, v29  }
0x1ed: {  	v29 =	vperm.xlane v28, v3;
	_ =	sdelay $0x1  }
0x1ee: {  	v29 =	vadd.s32 v5, v29;
	_ =	sdelay $0x2  }
0x1ef: {  	v28 =	vperm.xlane v28, v6;
	_ =	sdelay $0x1  }
0x1f0: {  	v28 =	vadd.s32 v5, v28;
	[tilespmem:s23], [sflag:$0x1] =	stream.indirect_vreg.gather [hbm4b:s4+s3], $0x80, v29, vm0, $0xb8;
	[tilespmem:$0xD800] =	vst v63  }
0x1f1: {  	_ = 	snop  }
0x1f2: {  	[tilespmem:s24], [sflag:$0x1] =	stream.indirect_vreg.gather [hbm4b:s9+s3], $0x80, v29, vm0, $0xb8;
	[tilespmem:$0xD800] =	vst v63  }
.Ltmp5:
0x1f3: {  	_ = 	snop;
	(pc) =	sbr.rel .LBB2_4-.Ltmp5, $4  }
0x1f4: {  	_ = 	snop  }
0x1f5: {  	[tilespmem:s25], [sflag:$0x1] =	stream.indirect_vreg.gather [hbm4b:s4+s3], $0x80, v28, vm0, $0xb8;
	[tilespmem:$0xD800] =	vst v63  }
0x1f6: {  	_ = 	snop  }
0x1f7: {  	[tilespmem:s26], [sflag:$0x1] =	stream.indirect_vreg.gather [hbm4b:s9+s3], $0x80, v28, vm0, $0xb8;
	[tilespmem:$0xD800] =	vst v63  }
.LBB2_6:
0x1f8: {  	_ =	sfence.sel $0x180000  }
0x1f9: {  	[bflag:$0x0] =	sbarrier.arrive $0xFFFF  }
0x1fa: {  	_ =	strace $0x9000004A  }
0x1fb: {  	s0 =	stileid.u32;
	[bflag:$0x2] =	sbarrier.arrive $0xFFFF  }
0x1fc: {  	p0 =	sne.s32 s0, $0x0;
	s0 =	rddreg [dreg:$0x3]  }
0x1fd: {  	s0 =	sadd.s32 @!p0 $0x100000, s0  }
0x1fe: {  	[sflag:s0] =	ssyncadd.tile.s32 @!p0 $0x1;
	_ =	shalt  }
.Lfunc_end2:
_tile_overlayer_lowered:
.L_overlay_start_2:
0x1ff: {  	(tag) =	ssettag $0x2  }
0x200: {  	s0 =	rddreg [dreg:$0x0];
	s2 =	stileid.u32  }
0x201: {  	s1 =	rddreg [dreg:$0x1];
	p0 =	sne.s32 s2, $0x0  }
0x202: {  	s3 =	rddreg [dreg:$0x2];
	[bflag:$0x3] =	sbarrier.arrive $0xFFFF;
	s2 =	simm.s32 @!p0 $0x1C03  }
0x203: {  	[timem:s3], [sflag:s2] =	dma.local @!p0 [hbm:s0], s1  }
0x204: {  	s0 =	simm.s32 @!p0 $0x3  }
0x205: {  	_ =	swait.ge @!p0 [sflag:s0], s1  }
0x206: {  	s1 =	ssub.s32 @!p0 $0x0, s1;
	[sflag:s0] =	ssyncset.done @!p0 $0x0  }
0x207: {  	[sflag:s0] =	ssyncadd.s32 @!p0 s1  }
0x208: {  	[bflag:$0x3] =	sbarrier.arrive $0xFFFF  }
0x209: {  	_ =	shalt  }

// kernel: sparse-core-data-format-call.1.cloned.1.call-start
scs
called_computation.1_lowered:
.L_overlay_start_0:
0x0: {  	s2 =	sld [smem:$0x3FD9]  }
0x1: {  	s3 =	sld [smem:$0x3FFE];
	_ =	sdelay $0x1  }
0x2: {  	s1 =	srdreg.scid  }
0x3: {  	s0 =	sand.u32 $0x1, s1  }
0x4: {  	s15 =	sshll.u32 s0, $0xA;
	s2 =	sadd.s32 s3, s2  }
0x5: {  	s2 =	sadd.s32 s2, s15  }
0x6: {  	[smem:$0x3FC4] =	sst s2  }
0x7: {  	_ = 	snop  }
0x8: {  	s2 =	sld [smem:$0x3FD0];
	_ =	sdelay $0x2  }
0x9: {  	s16 =	simm.s32 $0xA;
	s4 =	simm.s32 $0x10  }
0xa: {  	[smem:s4], [sflag:s16] =	dma.local [hbm:s2], $0x1  }
0xb: {  	_ =	swait.eq [sflag:s16], $0x1  }
0xc: {  	[sflag:s16] =	ssyncset.done $0x0  }
0xd: {  	[sflag:s16] =	ssyncadd.s32 $0xFFFFFFFF  }
0xe: {  	s17 =	sld [smem:$0x10];
	(tm) =	ssettm $0x1  }
0xf: {  	s18 =	sld [smem:$0x3FFB];
	_ =	sdelay $0x3  }
0x10: {  	_ =	strace s18  }
0x11: {  	s3 =	sld [smem:$0x3FFC];
	_ =	sdelay $0x3  }
0x12: {  	_ =	strace s3  }
0x13: {  	s3 =	sld [smem:$0x3FFD];
	_ =	sdelay $0x3  }
0x14: {  	_ =	strace s3  }
0x15: {  	_ =	strace $0x8FFFFFFF  }
0x16: {  	s19 =	sld [smem:$0x3FDB];
	_ =	sdelay $0x1  }
0x17: {  	s20 =	simm.s32 $_scs_section_size  }
0x18: {  	s5 =	simm.s32 $_size__tile_overlayer_lowered;
	s6 =	simm.s32 $_tile_overlayer_lowered  }
0x19: {  	s23 =	simm.s32 $0x1BFF;
	s22 =	sshll.u32 s6, $0x1;
	s3 =	sadd.s32 s20, s19  }
0x1a: {  	s7 =	simm.s32 $0x0;
	s21 =	sshll.u32 s5, $0x1;
	s5 =	sadd.s32 s22, s3  }
0x1b: {  	[timem:s7], [sflag:s23] =	dma.local [hbm:s5], s21  }
0x1c: {  	_ =	swait.ge [sflag:s23], s21  }
0x1d: {  	s4 =	ssub.s32 $0x0, s21;
	[sflag:s23] =	ssyncset.done $0x0  }
0x1e: {  	[sflag:s23] =	ssyncadd.s32 s4;
	_ =	sdelay $0x1  }
0x1f: {  	s24 =	simm.s32 $0x1B8B  }
0x20: {  	_ =	swait.ge [sflag:s24], $0x1  }
0x21: {  	[sflag:s24] =	ssyncset.done $0x0  }
0x22: {  	s26 =	simm.s32 $0x1B8E;
	s25 =	sld [smem:$0x3FFE];
	[sflag:s24] =	ssyncadd.s32 $0xFFFFFFFF  }
0x23: {  	s27 =	simm.s32 $execute0_lowered;
	[smem:$0x3FD2] =	sst s26  }
0x24: {  	s5 =	sshll.u32 s27, $0x1;
	_ =	strace $0x80000046;
	[dreg:$0x1] =	wrdreg $0xFFFFFFFF  }
0x25: {  	s28 =	simm.s32 $_size_execute0_lowered;
	s3 =	sadd.s32 s3, s5;
	[dreg:$0x0] =	wrdreg $0x0  }
0x26: {  	s5 =	sshll.u32 s28, $0x1;
	[dreg:$0x2] =	wrdreg s3  }
0x27: {  	[dreg:$0x3] =	wrdreg s5  }
0x28: {  	[dreg:$0x4] =	wrdreg $0xC0  }
0x29: {  	_ =	task [dreg:s7], $0x5FFFF  }
0x2a: {  	[dreg:$0x1] =	wrdreg $0xFFFFFFFF  }
0x2b: {  	[dreg:$0x0] =	wrdreg $0x60  }
0x2c: {  	[dreg:$0x2] =	wrdreg s25  }
0x2d: {  	[dreg:$0x3] =	wrdreg s17  }
0x2e: {  	[dreg:$0x4] =	wrdreg $0x9  }
0x2f: {  	_ =	task.clear_ibuf [dreg:s7], $0x5FFFF;
	_ =	strace $0x90000046  }
0x30: {  	s29 =	simm.s32 $0x9;
	_ =	strace $0x80000048  }
0x31: {  	_ =	swait.ge [sflag:s29], $0x1  }
0x32: {  	[sflag:s29] =	ssyncadd.s32 $0xFFFFFFFF  }
0x33: {  	_ =	strace $0x90000048  }
0x34: {  	_ =	sfence  }
0x35: {  	s30 =	sld [smem:$0x0];
	_ =	sdelay $0x2  }
0x36: {  	s31 =	sshll.u32 s1, $0xD;
	s1 =	sshrl.u32 s1, $0x2  }
0x37: {  	s3 =	sand.u32 $0x4000, s31;
	s1 =	sadd.s32 s1, s30  }
0x38: {  	s0 =	sor.u32 s3, s0;
	s1 =	sshll.u32 s1, $0x11  }
0x39: {  	s0 =	sor.u32 s1, s0  }
0x3a: {  	s0 =	sadd.s32 $0x8F2B, s0  }
0x3b: {  	[sflag:s0] =	ssyncadd.remote.s32 $0x1  }
0x3c: {  	_ =	sfence.sel $0xFFFF  }
0x3d: {  	[dreg:$0x0] =	wrdreg $0xFFFFFFFF;
	(pc) =	sbr.abs _section_cstart, $3  }
0x3e: {  	[dreg:$0x1] =	wrdreg $0xFFFFFFFF  }
0x3f: {  	_ =	task.clear_ibuf [dreg:s7], $0x2FFFF;
	_ =	strace $0x9FFFFFFF  }
0x40: {  	(tm) =	ssettm $0x7FFFFFFF  }
0x41: {  	_ =	shalt  }
tec
execute0_lowered:
.L_overlay_start_1:
0x0: {  	(tag) =	ssettag $0x1  }
0x1: {  	s3 =	rddreg [dreg:$0x0]  }
0x2: {  	s2 =	rddreg [dreg:$0x1]  }
0x3: {  	s0 =	rddreg [dreg:$0x2]  }
0x4: {  	s1 =	stileid.u32;
	s4 =	srdreg.scid;
	_ =	strace $0x80000047  }
0x5: {  	s10 =	simm.s32 $0x2;
	s16 =	simm.s32 $0x0;
	p0 =	por $0x0, $0x0  }
0x6: {  	s19 =	simm.s32 $0x0;
	s17 =	simm.s32 $0x0;
	s18 =	simm.s32 $0x0  }
0x7: {  	s11 =	simm.s32 $0x0;
	s15 =	simm.s32 $0x0;
	s4 =	sshll.u32 s4, $0x4  }
0x8: {  	s5 =	sshrl.u32 s1, $0x2;
	s3 =	sadd.s32 $0x1C00, s3;
	s6 =	sand.u32 $0x10, s4  }
0x9: {  	s4 =	sand.u32 $0x1, s5;
	s5 =	sand.u32 $0x3, s1;
	s7 =	sor.u32 s1, s6  }
.Ltmp0:
0xa: {  	s8 =	ssub.s32 $0x2, s4;
	s6 =	simm.s32 $0x1;
	(pc) =	sbr.rel .LBB1_1-.Ltmp0, $4  }
0xb: {  	s13 =	smov.u32 s4;
	s9 =	sshrl.u32 s8, $0x1;
	s8 =	sand.u32 $0x1, s8  }
0xc: {  	s14 =	smov.u32 s5;
	[sflag:s6] =	ssyncpa.u1 $0x0;
	s8 =	sadd.s32 s8, s9  }
0xd: {  	s7 =	sshrl.u32 s7, $0x3;
	[sflag:s10] =	ssyncpa.u1 $0x0;
	s8 =	sshll.u32 s8, $0x5  }
0xe: {  	s10 =	simm.s32 $0x4000;
	s12 =	smov.u32 s7;
	s9 =	sor.u32 $0x1, s8  }
.LBB1_4:
0xf: {  	v5 =	vld [tilespmem:s22+$0xFFFFFFD0];
	[tilespmem:s23+$0x2040 ss:$0x81] =	vst.msk $0xffff, v1  }
0x10: {  	v58 =	vld [tilespmem:s22+$0xFFFFFFE0];
	[tilespmem:s23+$0x2850 ss:$0x81] =	vst.msk $0xffff, v2  }
0x11: {  	s24 =	sshra.s32 s24, $0x2;
	v59 =	vld [tilespmem:s22+$0xFFFFFFF0];
	[tilespmem:s23+$0x3060 ss:$0x81] =	vst.msk $0xffff, v3  }
0x12: {  	v60 =	vld [tilespmem:s22+$0x0];
	[tilespmem:s23+$0x0 ss:$0x81] =	vst.msk $0xffff, v0;
	s21 =	sadd.s32 s24, s21  }
0x13: {  	v61 =	vld [tilespmem:s22+$0x10];
	s31 =	sand.u32 $0x78, s16;
	s26 =	sshll.u32 s19, $0x8;
	s25 =	sshll.u32 s16, $0x3;
	[tilespmem:s21+$0x3870 ss:$0x81] =	vst.msk $0xffff, v4  }
0x14: {  	v62 =	vld [tilespmem:s22+$0x20];
	s27 =	sshll.u32 s19, $0x7;
	s18 =	sshll.u32 s18, $0x13;
	s17 =	sshll.u32 s17, $0x12;
	[tilespmem:s21+$0x810 ss:$0x81] =	vst.msk $0xffff, v5  }
0x15: {  	v63 =	vld [tilespmem:s22+$0xFFFFFFC0];
	s30 =	sand.u32 $0x7, s16;
	s24 =	sand.u32 $0x3800, s26;
	s25 =	sand.u32 $0x3C00, s25;
	[tilespmem:s21+$0x1020 ss:$0x81] =	vst.msk $0xffff, v58  }
0x16: {  	s29 =	sand.u32 $0x300, s27;
	s19 =	sand.u32 $0x80, s27;
	s28 =	sadd.s32 s24, s25;
	[tilespmem:s21+$0x1830 ss:$0x81] =	vst.msk $0xffff, v59  }
0x17: {  	s18 =	sadd.s32 s2, s18;
	s19 =	sor.u32 s31, s19;
	s22 =	sor.u32 s29, s28;
	[tilespmem:s21+$0x2040 ss:$0x81] =	vst.msk $0xffff, v60  }
0x18: {  	s17 =	sadd.s32 s17, s18;
	s19 =	sshrl.u32 s19, $0x3;
	s22 =	sshrl.u32 s22, $0x3;
	[tilespmem:s21+$0x2850 ss:$0x81] =	vst.msk $0xffff, v61  }
0x19: {  	s16 =	sshll.u32 s30, $0x12;
	s17 =	sadd.s32 s19, s17;
	[tilespmem:s21+$0x3060 ss:$0x81] =	vst.msk $0xffff, v62;
	s31 =	sand.u32 $0x7E0, s22  }
0x1a: {  	s16 =	sor.u32 $0x80, s16;
	[tilespmem:s21+$0x0 ss:$0x81] =	vst.msk $0xffff, v63;
	s17 =	sadd.s32 s31, s17  }
0x1b: {  	[hbm4b:s17+s16] =	stream.strided.scatter [tilespmem:s20], [sflag:$0x2], $0x4000, s10, s16, $0x20;
	[tilespmem:$0x10100] =	vst v63  }
.LBB1_5:
0x1c: {  	s20 =	sadd.s32 $0x80, s11  }
0x1d: {  	s16 =	sadd.s32 $0x4, s12;
	s21 =	smov.u32 s12;
	p2 =	sgt.s32 s20, $0xAF  }
0x1e: {  	s21 =	smov.u32 @p2 s16  }
0x1f: {  	s22 =	smov.u32 s13;
	s16 =	sadd.s32 $0x2, s13;
	p3 =	sgt.s32 s21, $0x3F  }
0x20: {  	s22 =	smov.u32 @p3 s16  }
0x21: {  	s23 =	smov.u32 s14;
	s16 =	sadd.s32 $0x4, s14;
	p4 =	sgt.s32 s22, $0x1  }
0x22: {  	p1 =	slt.u32 s15, $0x2;
	s23 =	smov.u32 @p4 s16  }
0x23: {  	s19 =	smov.u32 s12;
	s20 =	simm.s32 @p2 $0x0;
	p2 =	sgt.s32 s23, $0x3  }
0x24: {  	s24 =	simm.s32 @!p1 $0x2;
	s23 =	smov.u32 @p2 s5;
	p2 =	sne.s32 s15, s9  }
.Ltmp1:
0x25: {  	s17 =	smov.u32 s13;
	_ =	swait.ge @!p1 [sflag:s24], $0x4000;
	(pc) =	sbr.rel @!p2 .LBB1_6-.Ltmp1, $4  }
0x26: {  	s18 =	smov.u32 s14;
	[sflag:s24] =	ssyncset.done @!p1 $0x0;
	s21 =	smov.u32 @p3 s7  }
0x27: {  	p0 =	por !p0, !p0;
	[sflag:s24] =	ssyncadd.s32 @!p1 $0xFFFFC000;
	s12 =	smov.u32 s21  }
0x28: {  	s22 =	smov.u32 @p4 s4;
	s16 =	smov.u32 s11;
	s11 =	smov.u32 s20  }
0x29: {  	s13 =	smov.u32 s22;
	s15 =	sadd.s32 $0x1, s15;
	s14 =	smov.u32 s23  }
.LBB1_1:
0x2a: {  	p1 =	sge.u32 s15, s8;
	s20 =	smov.u32 s14  }
0x2b: {  	s25 =	smov.u32 s12;
	p2 =	sgt.s32 @!p1 s14, $0x3;
	s21 =	sshra.s32 @!p1 s14, $0x1F  }
0x2c: {  	p3 =	sgt.s32 @!p1 s13, $0x1;
	s24 =	sshra.s32 @!p1 s13, $0x1F;
	p2 =	por !p2, p1  }
0x2d: {  	s26 =	sshra.s32 @!p1 s12, $0x1F;
	s21 =	sand.u32 @!p1 s21, s14;
	s20 =	simm.s32 @p2 $0x3  }
0x2e: {  	p3 =	por !p3, p1;
	s24 =	sand.u32 @!p1 s24, s13;
	s20 =	ssub.s32 @!p1 s20, s21  }
0x2f: {  	s26 =	sand.u32 @!p1 s26, s12;
	s24 =	sxor.u32 @!p1 $0xFFFFFFFF, s24;
	s22 =	sadd.s32 @!p1 $0xFFFFFFFD, s20  }
0x30: {  	s21 =	sand.u32 @!p1 $0x1FFFFFF, s11;
	p2 =	sgt.s32 @!p1 s22, $0x0;
	s22 =	smov.u32 s13  }
0x31: {  	s23 =	smulhi.u32 @!p1 $0x1745D18, s21;
	s22 =	simm.s32 @p3 $0x1;
	p3 =	sgt.s32 @!p1 s12, $0x3F  }
0x32: {  	s20 =	ssub.s32 @!p1 $0x4, s20;
	p2 =	por !p2, p1;
	p3 =	por !p3, p1  }
0x33: {  	s20 =	simm.s32 @!p2 $0x0;
	s22 =	sadd.s32 @!p1 s24, s22;
	s25 =	simm.s32 @p3 $0x3F  }
0x34: {  	p2 =	sgt.s32 @!p1 s22, $0x0;
	s22 =	sshll.u32 @!p1 s22, $0x7;
	s24 =	ssub.s32 @!p1 s25, s26  }
0x35: {  	s22 =	ssub.s32 @!p1 $0x80, s22;
	p2 =	por !p2, p1;
	s26 =	sshra.s32 @!p1 s11, $0x1F  }
0x36: {  	s25 =	sadd.s32 @!p1 $0xFFFFFFC1, s24;
	s24 =	ssub.s32 @!p1 $0x40, s24;
	s22 =	simm.s32 @!p2 $0x0  }
0x37: {  	p2 =	sgt.s32 @!p1 s11, $0x30;
	s26 =	sand.u32 @!p1 s26, s11;
	p3 =	sgt.s32 @!p1 s25, $0x0  }
0x38: {  	p2 =	por !p2, p1;
	s25 =	smov.u32 s11;
	s20 =	smul.u32 @!p1 s20, s22  }
0x39: {  	s22 =	smul.u32 @!p1 $0xB0, s23;
	p3 =	por !p3, p1;
	s25 =	simm.s32 @p2 $0x30  }
0x3a: {  	s31 =	sadd.s32 $0xFFFFFFFF, s15;
	s24 =	simm.s32 @!p3 $0x0;
	s23 =	ssub.s32 @!p1 s25, s26  }
0x3b: {  	s21 =	ssub.s32 @!p1 s21, s22;
	s22 =	smul.u32 @!p1 $0x58000, s14;
	s26 =	sadd.s32 @!p1 $0xFFFFFFD0, s23  }
0x3c: {  	s25 =	sxor.u32 @!p1 $0xFFFFFFFF, s15;
	s20 =	smul.u32 @!p1 s24, s20;
	p2 =	sgt.s32 @!p1 s26, $0x7F  }
0x3d: {  	s23 =	ssub.s32 @!p1 $0xB0, s23;
	s24 =	smul.u32 @!p1 $0x2C000, s13;
	p2 =	por !p2, p1  }
0x3e: {  	s26 =	smul.u32 @!p1 $0xB00, s12;
	s22 =	sadd.s32 @!p1 s3, s22;
	s23 =	simm.s32 @!p2 $0x0  }
0x3f: {  	s25 =	sshll.u32 @!p1 s25, $0xE;
	s22 =	sadd.s32 @!p1 s24, s22;
	s20 =	smul.u32 @!p1 s23, s20  }
0x40: {  	s21 =	sshll.u32 @!p1 s21, $0x4;
	s22 =	sadd.s32 @!p1 s26, s22;
	s23 =	sand.u32 @!p1 $0x4000, s25  }
0x41: {  	s21 =	sadd.s32 @!p1 s21, s22;
	s22 =	simm.s32 @!p1 $0x0;
	s20 =	sand.u32 @!p1 $0x3FFFFF80, s20  }
0x42: {  	[tilespmem:s23], [sflag:$0x1] =	stream.linear.gather @!p1 [hbm4b:s21+s22], s20, $0x38;
	[tilespmem:$0x10100] =	vst v63  }
0x43: {  	p1 =	sge.u32 s31, s8  }
.Ltmp2:
0x44: {  	_ = 	snop;
	(pc) =	sbr.rel @p1 .LBB1_5-.Ltmp2, $1  }
0x45: {  	_ =	sdelay $0x3  }
0x46: {  	p1 =	sgt.s32 s18, $0x3  }
0x47: {  	s20 =	smov.u32 s18;
	s21 =	sshra.s32 s18, $0x1F;
	p2 =	sgt.s32 s17, $0x1  }
0x48: {  	s22 =	sshra.s32 s17, $0x1F;
	s23 =	smov.u32 s19;
	s24 =	sshra.s32 s19, $0x1F  }
0x49: {  	s25 =	sshra.s32 s16, $0x1F;
	s20 =	simm.s32 @!p1 $0x3;
	s21 =	sand.u32 s21, s18  }
0x4a: {  	s22 =	sand.u32 s22, s17;
	s26 =	sand.u32 s24, s19;
	s20 =	ssub.s32 s20, s21  }
0x4b: {  	s24 =	smov.u32 s16;
	s27 =	sand.u32 s25, s16;
	s21 =	sadd.s32 $0xFFFFFFFD, s20  }
0x4c: {  	s22 =	sxor.u32 $0xFFFFFFFF, s22;
	p1 =	sgt.s32 s21, $0x0;
	s21 =	smov.u32 s17  }
0x4d: {  	s20 =	ssub.s32 $0x4, s20;
	s21 =	simm.s32 @!p2 $0x1;
	p2 =	sgt.s32 s19, $0x3F  }
0x4e: {  	s20 =	simm.s32 @p1 $0x0;
	s21 =	sadd.s32 s22, s21;
	s23 =	simm.s32 @!p2 $0x3F  }
0x4f: {  	p2 =	sgt.s32 s16, $0x30;
	p1 =	sgt.s32 s21, $0x0;
	s21 =	sshll.u32 s21, $0x7  }
0x50: {  	s22 =	ssub.s32 s23, s26;
	s24 =	simm.s32 @!p2 $0x30;
	s21 =	ssub.s32 $0x80, s21  }
0x51: {  	s23 =	sadd.s32 $0xFFFFFFC1, s22;
	s22 =	ssub.s32 $0x40, s22;
	s21 =	simm.s32 @p1 $0x0  }
0x52: {  	p2 =	sgt.s32 s23, $0x0;
	s23 =	ssub.s32 s24, s27;
	s20 =	smul.u32 s20, s21  }
0x53: {  	s22 =	simm.s32 @p2 $0x0;
	s28 =	sadd.s32 $0xFFFFFFD0, s23  }
0x54: {  	s21 =	ssub.s32 $0xB0, s23;
	p1 =	sgt.s32 s28, $0x7F;
	s20 =	smul.u32 s22, s20  }
0x55: {  	s21 =	simm.s32 @p1 $0x0  }
0x56: {  	s20 =	smul.u32 s21, s20;
	_ =	sdelay $0x1  }
0x57: {  	s21 =	simm.s32 $0x1;
	s20 =	sand.u32 $0x3FFFFF80, s20  }
0x58: {  	s21 =	simm.s32 @!p0 $0x0;
	_ =	swait.ge [sflag:s6], s20  }
0x59: {  	s29 =	sshll.u32 s21, $0xE;
	s20 =	ssub.s32 $0x0, s20;
	[sflag:s6] =	ssyncset.done $0x0  }
0x5a: {  	s22 =	sor.u32 $0x40, s29;
	[sflag:s6] =	ssyncadd.s32 s20  }
0x5b: {  	s30 =	smul.u32 $0x10200, s21;
	v0 =	vld [tilespmem:s22+$0x30]  }
0x5c: {  	v3 =	vld [tilespmem:s22+$0xFFFFFFD0]  }
0x5d: {  	s20 =	sshrl.u32 s30, $0x2;
	v4 =	vld [tilespmem:s22+$0xFFFFFFE0]  }
0x5e: {  	s21 =	sor.u32 $0x8000, s20;
	v5 =	vld [tilespmem:s22+$0xFFFFFFF0]  }
0x5f: {  	s31 =	sand.u32 $0x1, s15;
	v1 =	vld [tilespmem:s22+$0x0];
	s23 =	sadd.s32 $0x0, s21  }
0x60: {  	s20 =	smul.u32 $0x10200, s31;
	v2 =	vld [tilespmem:s22+$0x10];
	[tilespmem:s23+$0x3870 ss:$0x81] =	vst.msk $0xffff, v0  }
0x61: {  	[tilespmem:s23+$0x810 ss:$0x81] =	vst.msk $0xffff, v3;
	v3 =	vld [tilespmem:s22+$0x20]  }
0x62: {  	s20 =	sshrl.u32 s20, $0x2;
	v0 =	vld [tilespmem:s22+$0xFFFFFFC0];
	[tilespmem:s23+$0x1020 ss:$0x81] =	vst.msk $0xffff, v4;
	s22 =	sadd.s32 $0x80, s22  }
0x63: {  	s25 =	simm.s32 $0x8;
	s24 =	simm.s32 $0x4;
	s20 =	sor.u32 $0x8000, s20;
	[tilespmem:s23+$0x1830 ss:$0x81] =	vst.msk $0xffff, v5;
	v4 =	vld [tilespmem:s22+$0x30]  }
.LBB1_3:
0x64: {  	p1 =	sne.s32 s25, $0x1FC;
	v5 =	vld [tilespmem:s22+$0xFFFFFFD0];
	[tilespmem:s23+$0x2040 ss:$0x81] =	vst.msk $0xffff, v1  }
0x65: {  	v6 =	vld [tilespmem:s22+$0xFFFFFFE0];
	[tilespmem:s23+$0x2850 ss:$0x81] =	vst.msk $0xffff, v2  }
0x66: {  	s26 =	sshra.s32 s24, $0x2;
	s24 =	smov.u32 s25;
	v7 =	vld [tilespmem:s22+$0xFFFFFFF0];
	[tilespmem:s23+$0x3060 ss:$0x81] =	vst.msk $0xffff, v3  }
.Ltmp3:
0x67: {  	v1 =	vld [tilespmem:s22+$0x0];
	[tilespmem:s23+$0x0 ss:$0x81] =	vst.msk $0xffff, v0;
	s23 =	sadd.s32 s26, s21;
	(pc) =	sbr.rel @p1 .LBB1_3-.Ltmp3, $4  }
0x68: {  	v2 =	vld [tilespmem:s22+$0x10];
	[tilespmem:s23+$0x3870 ss:$0x81] =	vst.msk $0xffff, v4  }
0x69: {  	[tilespmem:s23+$0x810 ss:$0x81] =	vst.msk $0xffff, v5;
	v3 =	vld [tilespmem:s22+$0x20]  }
0x6a: {  	v0 =	vld [tilespmem:s22+$0xFFFFFFC0];
	[tilespmem:s23+$0x1020 ss:$0x81] =	vst.msk $0xffff, v6;
	s22 =	sadd.s32 $0x80, s22  }
0x6b: {  	s25 =	sadd.s32 $0x4, s25;
	v4 =	vld [tilespmem:s22+$0x30];
	[tilespmem:s23+$0x1830 ss:$0x81] =	vst.msk $0xffff, v7  }
.Ltmp4:
0x6c: {  	_ = 	snop;
	(pc) =	sbr.rel .LBB1_4-.Ltmp4, $1  }
0x6d: {  	_ =	sdelay $0x3  }
.LBB1_6:
0x6e: {  	_ =	sfence.sel $0x180000  }
0x6f: {  	s2 =	simm.s32 $0x1;
	[bflag:$0x0] =	sbarrier.arrive $0xFFFF  }
0x70: {  	s31 =	simm.s32 $0x2;
	[sflag:s2] =	ssyncpa.u1 $0x1  }
0x71: {  	[sflag:s31] =	ssyncpa.u1 $0x1  }
0x72: {  	p0 =	sne.s32 s1, $0x0;
	_ =	strace $0x90000047  }
0x73: {  	s0 =	sadd.s32 @!p0 $0x100000, s0;
	[bflag:$0x2] =	sbarrier.arrive $0xFFFF  }
0x74: {  	[sflag:s0] =	ssyncadd.tile.s32 @!p0 $0x1;
	_ =	shalt  }
.Lfunc_end1:
_tile_overlayer_lowered:
.L_overlay_start_2:
0x75: {  	(tag) =	ssettag $0x2  }
0x76: {  	s0 =	rddreg [dreg:$0x0];
	s2 =	stileid.u32  }
0x77: {  	s1 =	rddreg [dreg:$0x1];
	p0 =	sne.s32 s2, $0x0  }
0x78: {  	s3 =	rddreg [dreg:$0x2];
	[bflag:$0x3] =	sbarrier.arrive $0xFFFF;
	s2 =	simm.s32 @!p0 $0x1C01  }
0x79: {  	[timem:s3], [sflag:s2] =	dma.local @!p0 [hbm:s0], s1  }
0x7a: {  	s0 =	simm.s32 @!p0 $0x1  }
0x7b: {  	_ =	swait.ge @!p0 [sflag:s0], s1  }
0x7c: {  	s1 =	ssub.s32 @!p0 $0x0, s1;
	[sflag:s0] =	ssyncset.done @!p0 $0x0  }
0x7d: {  	[sflag:s0] =	ssyncadd.s32 @!p0 s1  }
0x7e: {  	[bflag:$0x3] =	sbarrier.arrive $0xFFFF  }
0x7f: {  	_ =	shalt  }

// kernel: sparse-core-data-format-call.cloned.1.call-start
scs
called_computation_lowered:
.L_overlay_start_0:
0x0: {  	s1 =	sld [smem:$0x3FD9]  }
0x1: {  	s2 =	sld [smem:$0x3FFE];
	_ =	sdelay $0x1  }
0x2: {  	s3 =	srdreg.scid  }
0x3: {  	s0 =	sand.u32 $0x1, s3  }
0x4: {  	s17 =	sshll.u32 s0, $0xA;
	s1 =	sadd.s32 s2, s1  }
0x5: {  	s1 =	sadd.s32 s1, s17  }
0x6: {  	[smem:$0x3FC4] =	sst s1  }
0x7: {  	_ = 	snop  }
0x8: {  	(tm) =	ssettm $0x1  }
0x9: {  	s18 =	sld [smem:$0x3FFB];
	_ =	sdelay $0x3  }
0xa: {  	_ =	strace s18  }
0xb: {  	s1 =	sld [smem:$0x3FFC];
	_ =	sdelay $0x3  }
0xc: {  	_ =	strace s1  }
0xd: {  	s1 =	sld [smem:$0x3FFD];
	_ =	sdelay $0x3  }
0xe: {  	_ =	strace s1  }
0xf: {  	_ =	strace $0x8FFFFFFF  }
0x10: {  	s19 =	sld [smem:$0x3FDB];
	_ =	sdelay $0x1  }
0x11: {  	s20 =	simm.s32 $_scs_section_size  }
0x12: {  	s4 =	simm.s32 $_size__tile_overlayer_lowered;
	s5 =	simm.s32 $_tile_overlayer_lowered  }
0x13: {  	s23 =	simm.s32 $0x1BFF;
	s22 =	sshll.u32 s5, $0x1;
	s1 =	sadd.s32 s20, s19  }
0x14: {  	s6 =	simm.s32 $0x0;
	s21 =	sshll.u32 s4, $0x1;
	s4 =	sadd.s32 s22, s1  }
0x15: {  	[timem:s6], [sflag:s23] =	dma.local [hbm:s4], s21  }
0x16: {  	_ =	swait.ge [sflag:s23], s21  }
0x17: {  	s2 =	ssub.s32 $0x0, s21;
	[sflag:s23] =	ssyncset.done $0x0  }
0x18: {  	[sflag:s23] =	ssyncadd.s32 s2;
	_ =	sdelay $0x1  }
0x19: {  	s24 =	simm.s32 $0x1B8B  }
0x1a: {  	_ =	swait.ge [sflag:s24], $0x1  }
0x1b: {  	[sflag:s24] =	ssyncset.done $0x0  }
0x1c: {  	s26 =	simm.s32 $0x1B8E;
	s25 =	sld [smem:$0x3FFE];
	[sflag:s24] =	ssyncadd.s32 $0xFFFFFFFF  }
0x1d: {  	s27 =	simm.s32 $execute0_lowered;
	[smem:$0x3FD2] =	sst s26  }
0x1e: {  	s4 =	sshll.u32 s27, $0x1;
	_ =	strace $0x8000004C;
	[dreg:$0x1] =	wrdreg $0xFFFFFFFF  }
0x1f: {  	s28 =	simm.s32 $_size_execute0_lowered;
	s1 =	sadd.s32 s1, s4;
	[dreg:$0x0] =	wrdreg $0x0  }
0x20: {  	s4 =	sshll.u32 s28, $0x1;
	[dreg:$0x2] =	wrdreg s1  }
0x21: {  	[dreg:$0x3] =	wrdreg s4  }
0x22: {  	[dreg:$0x4] =	wrdreg $0xC0  }
0x23: {  	_ =	task [dreg:s6], $0x5FFFF  }
0x24: {  	[dreg:$0x1] =	wrdreg $0xFFFFFFFF  }
0x25: {  	[dreg:$0x0] =	wrdreg $0x60  }
0x26: {  	[dreg:$0x2] =	wrdreg s25  }
0x27: {  	[dreg:$0x3] =	wrdreg $0x9  }
0x28: {  	_ =	task.clear_ibuf [dreg:s6], $0x4FFFF;
	_ =	strace $0x9000004C  }
0x29: {  	s29 =	simm.s32 $0x9;
	_ =	strace $0x8000004E  }
0x2a: {  	_ =	swait.ge [sflag:s29], $0x1  }
0x2b: {  	[sflag:s29] =	ssyncadd.s32 $0xFFFFFFFF  }
0x2c: {  	_ =	strace $0x9000004E  }
0x2d: {  	_ =	sfence  }
0x2e: {  	s30 =	sld [smem:$0x0];
	_ =	sdelay $0x2  }
0x2f: {  	s31 =	sshll.u32 s3, $0xD;
	s3 =	sshrl.u32 s3, $0x2  }
0x30: {  	s2 =	sand.u32 $0x4000, s31;
	s1 =	sadd.s32 s3, s30  }
0x31: {  	s0 =	sor.u32 s2, s0;
	s1 =	sshll.u32 s1, $0x11  }
0x32: {  	s0 =	sor.u32 s1, s0  }
0x33: {  	s0 =	sadd.s32 $0x8F2B, s0  }
0x34: {  	[sflag:s0] =	ssyncadd.remote.s32 $0x1  }
0x35: {  	_ =	sfence.sel $0xFFFF  }
0x36: {  	[dreg:$0x0] =	wrdreg $0xFFFFFFFF;
	(pc) =	sbr.abs _section_cstart, $3  }
0x37: {  	[dreg:$0x1] =	wrdreg $0xFFFFFFFF  }
0x38: {  	_ =	task.clear_ibuf [dreg:s6], $0x2FFFF;
	_ =	strace $0x9FFFFFFF  }
0x39: {  	(tm) =	ssettm $0x7FFFFFFF  }
tec
execute0_lowered:
.L_overlay_start_1:
0x0: {  	(tag) =	ssettag $0x1  }
0x1: {  	s0 =	srdreg.scid  }
0x2: {  	s4 =	rddreg [dreg:$0x0];
	s1 =	stileid.u32  }
0x3: {  	s5 =	simm.s32 $0x1;
	s7 =	simm.s32 $0x2;
	s0 =	sshll.u32 s0, $0x4  }
0x4: {  	s11 =	simm.s32 $0x0;
	p0 =	por $0x0, $0x0;
	s2 =	sand.u32 $0x10, s0  }
.Ltmp0:
0x5: {  	s8 =	simm.s32 $0xC3800;
	s3 =	sor.u32 s1, s2;
	(pc) =	sbr.rel .LBB1_1-.Ltmp0, $4  }
0x6: {  	s10 =	simm.s32 $0x0;
	s0 =	rddreg [dreg:$0x1];
	s3 =	sshll.u32 s3, $0x7  }
0x7: {  	_ =	strace $0x8000004D;
	s2 =	sadd.s32 $0xB5000, s4;
	s6 =	ssub.s32 $0x18680, s3  }
0x8: {  	s4 =	sadd.s32 $0x23BA00, s4;
	[sflag:s5] =	ssyncpa.u1 $0x0;
	s6 =	sshrl.u32 s6, $0xC  }
0x9: {  	[sflag:s7] =	ssyncpa.u1 $0x0;
	s9 =	smov.u32 s3;
	s7 =	sadd.s32 $0x2, s6  }
.LBB1_5:
0xa: {  	s13 =	sadd.s32 $0x1000, s9  }
0xb: {  	p2 =	sgt.s32 s13, $0x1869F  }
0xc: {  	s13 =	smov.u32 @p2 s3;
	p2 =	sne.s32 s10, s7  }
.Ltmp1:
0xd: {  	p1 =	slt.u32 s10, $0x2;
	(pc) =	sbr.rel @!p2 .LBB1_6-.Ltmp1, $4  }
0xe: {  	s12 =	simm.s32 @!p1 $0x2  }
0xf: {  	s14 =	sadd.s32 $0x1, s10;
	_ =	swait.ge @!p1 [sflag:s12], $0x4000  }
0x10: {  	s11 =	smov.u32 s9;
	p0 =	por !p0, !p0;
	[sflag:s12] =	ssyncset.done @!p1 $0x0  }
0x11: {  	s10 =	smov.u32 s14;
	s9 =	smov.u32 s13;
	[sflag:s12] =	ssyncadd.s32 @!p1 $0xFFFFC000  }
.LBB1_1:
0x12: {  	p1 =	sgt.u32 s10, s6  }
0x13: {  	s12 =	sand.u32 @!p1 $0x1FFFFFF, s9  }
0x14: {  	p2 =	sgt.s32 @!p1 s9, $0x18620;
	s13 =	smulhi.u32 @!p1 $0x14F8B59, s12  }
0x15: {  	s14 =	smov.u32 s9;
	s15 =	sshra.s32 @!p1 s9, $0x1F;
	p2 =	por !p2, p1  }
0x16: {  	s15 =	sand.u32 @!p1 s15, s9;
	s14 =	simm.s32 @p2 $0x18620;
	s13 =	sshrl.u32 @!p1 s13, $0x9  }
0x17: {  	s14 =	ssub.s32 @!p1 s14, s15;
	s13 =	smul.u32 @!p1 $0x186A0, s13  }
0x18: {  	s15 =	sxor.u32 @!p1 $0xFFFFFFFF, s10;
	s14 =	sadd.s32 @!p1 $0xFFFE79E0, s14  }
0x19: {  	s15 =	sshll.u32 @!p1 s15, $0xE;
	s12 =	ssub.s32 @!p1 s12, s13;
	s13 =	sshll.u32 @!p1 s14, $0x9  }
0x1a: {  	s15 =	sand.u32 @!p1 $0x4000, s15;
	p2 =	sgt.s32 @!p1 s14, $0x7F;
	s13 =	ssub.s32 @!p1 $0x10000, s13  }
0x1b: {  	p2 =	por !p2, p1;
	s12 =	sshll.u32 @!p1 s12, $0x4;
	s13 =	sshrl.u32 @!p1 s13, $0x2  }
0x1c: {  	s14 =	simm.s32 @!p1 $0x0;
	s12 =	sadd.s32 @!p1 s2, s12;
	s13 =	simm.s32 @!p2 $0x0  }
0x1d: {  	[tilespmem:s15], [sflag:$0x1] =	stream.linear.gather @!p1 [hbm4b:s12+s14], s13, $0x38;
	[tilespmem:$0x10100] =	vst v63  }
0x1e: {  	p1 =	seq.s32 s10, $0x0  }
0x1f: {  	p2 =	sge.u32 @!p1 s10, s7  }
0x20: {  	p1 =	por p1, p2  }
.Ltmp2:
0x21: {  	_ = 	snop;
	(pc) =	sbr.rel @p1 .LBB1_5-.Ltmp2, $1  }
0x22: {  	_ =	sdelay $0x3  }
0x23: {  	p1 =	sgt.s32 s11, $0x18620;
	s12 =	smov.u32 s11;
	s13 =	sshra.s32 s11, $0x1F  }
0x24: {  	s12 =	simm.s32 @!p1 $0x18620;
	s13 =	sand.u32 s13, s11  }
0x25: {  	s12 =	ssub.s32 s12, s13  }
0x26: {  	s12 =	sadd.s32 $0xFFFE79E0, s12  }
0x27: {  	s29 =	sshll.u32 s12, $0x9  }
0x28: {  	s13 =	ssub.s32 $0x10000, s29  }
0x29: {  	p1 =	sgt.s32 s12, $0x7F;
	s12 =	sshrl.u32 s13, $0x2  }
0x2a: {  	s13 =	simm.s32 $0x1;
	s12 =	simm.s32 @p1 $0x0  }
0x2b: {  	s13 =	simm.s32 @!p0 $0x0;
	_ =	swait.ge [sflag:s5], s12  }
0x2c: {  	s14 =	sshll.u32 s13, $0xE;
	s12 =	ssub.s32 $0x0, s12;
	[sflag:s5] =	ssyncset.done $0x0  }
0x2d: {  	s15 =	sor.u32 $0x40, s14;
	[sflag:s5] =	ssyncadd.s32 s12  }
0x2e: {  	s30 =	smul.u32 $0x10200, s13;
	v0 =	vld [tilespmem:s15+$0x30]  }
0x2f: {  	v1 =	vld [tilespmem:s15+$0xFFFFFFD0]  }
0x30: {  	s12 =	sshrl.u32 s30, $0x2;
	v5 =	vld [tilespmem:s15+$0xFFFFFFE0]  }
0x31: {  	s13 =	sor.u32 $0x8000, s12;
	v6 =	vld [tilespmem:s15+$0xFFFFFFF0]  }
0x32: {  	s31 =	sand.u32 $0x1, s10;
	v3 =	vld [tilespmem:s15+$0x0];
	s14 =	sadd.s32 $0x0, s13  }
0x33: {  	s12 =	smul.u32 $0x10200, s31;
	v4 =	vld [tilespmem:s15+$0x10];
	[tilespmem:s14+$0x3870 ss:$0x81] =	vst.msk $0xffff, v0  }
0x34: {  	v2 =	vld [tilespmem:s15+$0x20];
	[tilespmem:s14+$0x810 ss:$0x81] =	vst.msk $0xffff, v1  }
0x35: {  	s12 =	sshrl.u32 s12, $0x2;
	v0 =	vld [tilespmem:s15+$0xFFFFFFC0];
	[tilespmem:s14+$0x1020 ss:$0x81] =	vst.msk $0xffff, v5;
	s15 =	sadd.s32 $0x80, s15  }
0x36: {  	s16 =	simm.s32 $0x4;
	s17 =	simm.s32 $0x8;
	s12 =	sor.u32 $0x8000, s12;
	[tilespmem:s14+$0x1830 ss:$0x81] =	vst.msk $0xffff, v6;
	v1 =	vld [tilespmem:s15+$0x30]  }
.LBB1_3:
0x37: {  	p1 =	sne.s32 s17, $0x1FC;
	v5 =	vld [tilespmem:s15+$0xFFFFFFD0];
	[tilespmem:s14+$0x2040 ss:$0x81] =	vst.msk $0xffff, v3  }
0x38: {  	v6 =	vld [tilespmem:s15+$0xFFFFFFE0];
	[tilespmem:s14+$0x2850 ss:$0x81] =	vst.msk $0xffff, v4  }
0x39: {  	s18 =	sshra.s32 s16, $0x2;
	s16 =	smov.u32 s17;
	v7 =	vld [tilespmem:s15+$0xFFFFFFF0];
	[tilespmem:s14+$0x3060 ss:$0x81] =	vst.msk $0xffff, v2  }
.Ltmp3:
0x3a: {  	v3 =	vld [tilespmem:s15+$0x0];
	[tilespmem:s14+$0x0 ss:$0x81] =	vst.msk $0xffff, v0;
	s14 =	sadd.s32 s18, s13;
	(pc) =	sbr.rel @p1 .LBB1_3-.Ltmp3, $4  }
0x3b: {  	v4 =	vld [tilespmem:s15+$0x10];
	[tilespmem:s14+$0x3870 ss:$0x81] =	vst.msk $0xffff, v1  }
0x3c: {  	[tilespmem:s14+$0x810 ss:$0x81] =	vst.msk $0xffff, v5;
	v2 =	vld [tilespmem:s15+$0x20]  }
0x3d: {  	v0 =	vld [tilespmem:s15+$0xFFFFFFC0];
	[tilespmem:s14+$0x1020 ss:$0x81] =	vst.msk $0xffff, v6;
	s15 =	sadd.s32 $0x80, s15  }
0x3e: {  	s17 =	sadd.s32 $0x4, s17;
	v1 =	vld [tilespmem:s15+$0x30];
	[tilespmem:s14+$0x1830 ss:$0x81] =	vst.msk $0xffff, v7  }
0x3f: {  	v5 =	vld [tilespmem:s15+$0xFFFFFFD0];
	[tilespmem:s14+$0x2040 ss:$0x81] =	vst.msk $0xffff, v3;
	s17 =	sshll.u32 s11, $0x3  }
0x40: {  	v58 =	vld [tilespmem:s15+$0xFFFFFFE0];
	s25 =	sand.u32 $0x7F, s11;
	[tilespmem:s14+$0x2850 ss:$0x81] =	vst.msk $0xffff, v4;
	s17 =	sand.u32 $0xFFFFFC00, s17  }
0x41: {  	s16 =	sshra.s32 s16, $0x2;
	v59 =	vld [tilespmem:s15+$0xFFFFFFF0];
	[tilespmem:s14+$0x3060 ss:$0x81] =	vst.msk $0xffff, v2;
	s11 =	sor.u32 s25, s17  }
0x42: {  	v60 =	vld [tilespmem:s15+$0x0];
	s13 =	sadd.s32 s16, s13;
	[tilespmem:s14+$0x0 ss:$0x81] =	vst.msk $0xffff, v0;
	s26 =	smulhi.u32 $0xA79C7B17, s11  }
0x43: {  	v61 =	vld [tilespmem:s15+$0x10];
	[tilespmem:s13+$0x3870 ss:$0x81] =	vst.msk $0xffff, v1  }
0x44: {  	v62 =	vld [tilespmem:s15+$0x20];
	s27 =	smulhi.u32 $0xA79C7B17, s17;
	[tilespmem:s13+$0x810 ss:$0x81] =	vst.msk $0xffff, v5;
	s14 =	sshrl.u32 s26, $0x10  }
0x45: {  	v63 =	vld [tilespmem:s15+$0xFFFFFFC0];
	[tilespmem:s13+$0x1020 ss:$0x81] =	vst.msk $0xffff, v58;
	s14 =	smul.u32 $0x18700, s14  }
0x46: {  	s28 =	sshrl.u32 s27, $0x10;
	[tilespmem:s13+$0x1830 ss:$0x81] =	vst.msk $0xffff, v59  }
.Ltmp4:
0x47: {  	[tilespmem:s13+$0x2040 ss:$0x81] =	vst.msk $0xffff, v60;
	s29 =	sand.u32 $0x7F, s28;
	s11 =	ssub.s32 s11, s14;
	(pc) =	sbr.rel .LBB1_5-.Ltmp4, $4  }
0x48: {  	[tilespmem:s13+$0x2850 ss:$0x81] =	vst.msk $0xffff, v61;
	s14 =	smul.u32 $0x30E0, s29;
	s30 =	sshrl.u32 s11, $0x3;
	s11 =	sand.u32 $0x7, s11  }
0x49: {  	[tilespmem:s13+$0x3060 ss:$0x81] =	vst.msk $0xffff, v62;
	s15 =	sadd.s32 s4, s30;
	s11 =	sshll.u32 s11, $0x12  }
0x4a: {  	[tilespmem:s13+$0x0 ss:$0x81] =	vst.msk $0xffff, v63;
	s31 =	sadd.s32 s14, s15;
	s11 =	sor.u32 $0x400, s11  }
0x4b: {  	[hbm4b:s31+s11] =	stream.strided.scatter [tilespmem:s12], [sflag:$0x2], $0x4000, s8, s11, $0x20;
	[tilespmem:$0x10100] =	vst v63  }
.LBB1_6:
0x4c: {  	_ =	sfence.sel $0x180000  }
0x4d: {  	s2 =	simm.s32 $0x1;
	[bflag:$0x0] =	sbarrier.arrive $0xFFFF  }
0x4e: {  	s31 =	simm.s32 $0x2;
	[sflag:s2] =	ssyncpa.u1 $0x1  }
0x4f: {  	[sflag:s31] =	ssyncpa.u1 $0x1  }
0x50: {  	p0 =	sne.s32 s1, $0x0;
	_ =	strace $0x9000004D  }
0x51: {  	s0 =	sadd.s32 @!p0 $0x100000, s0;
	[bflag:$0x2] =	sbarrier.arrive $0xFFFF  }
0x52: {  	[sflag:s0] =	ssyncadd.tile.s32 @!p0 $0x1;
	_ =	shalt  }
.Lfunc_end1:
_tile_overlayer_lowered:
.L_overlay_start_2:
0x53: {  	(tag) =	ssettag $0x2  }
0x54: {  	s0 =	rddreg [dreg:$0x0];
	s2 =	stileid.u32  }
0x55: {  	s1 =	rddreg [dreg:$0x1];
	p0 =	sne.s32 s2, $0x0  }
0x56: {  	s3 =	rddreg [dreg:$0x2];
	[bflag:$0x3] =	sbarrier.arrive $0xFFFF;
	s2 =	simm.s32 @!p0 $0x1C01  }
0x57: {  	[timem:s3], [sflag:s2] =	dma.local @!p0 [hbm:s0], s1  }
0x58: {  	s0 =	simm.s32 @!p0 $0x1  }
0x59: {  	_ =	swait.ge @!p0 [sflag:s0], s1  }
0x5a: {  	s1 =	ssub.s32 @!p0 $0x0, s1;
	[sflag:s0] =	ssyncset.done @!p0 $0x0  }
0x5b: {  	[sflag:s0] =	ssyncadd.s32 @!p0 s1  }
0x5c: {  	[bflag:$0x3] =	sbarrier.arrive $0xFFFF  }
0x5d: {  	_ =	shalt  }

</sc_bundles>
